<compile_context>
chip_gen: v7x
topology: tpu7x:2x2x1
jax: 0.10.2.dev20260603
libtpu: 0.0.44.dev20260713+nightly
codegen_flags: <defaults>
</compile_context>

<pallas_src>
import functools

import jax
import jax.numpy as jnp
from jax import lax
from jax.experimental import pallas as pl
from jax.experimental.pallas import tpu as pltpu
from jax.experimental.pallas import tpu_sc as plsc

D = 1024
E = 8
B = 2
N = 2048
M = N // E
P = E * B
R = P * M
SINKHORN_ITERS = 8
EPS = 1e-6
XB = 4


def _lse_lanes(t):
    mx = jnp.max(t, axis=-1, keepdims=True)
    return jnp.log(jnp.sum(jnp.exp(t - mx), axis=-1, keepdims=True)) + mx


def _route_kernel(x_ref, wg_ref, fidx_ref, gate_ref, lscr):
    i = pl.program_id(0)
    lscr[i] = lax.dot_general(
        wg_ref[...], x_ref[...], (((1,), (1,)), ((), ())),
        preferred_element_type=jnp.float32)

    @pl.when(i == XB - 1)
    def _():
        logits = jnp.concatenate([lscr[k] for k in range(XB)], axis=1)
        t = jnp.log(jnp.maximum(logits, EPS))
        for _ in range(SINKHORN_ITERS):
            t0 = t[:, :N]
            t1 = t[:, N:]
            t = jnp.concatenate(
                [t0 - _lse_lanes(t0), t1 - _lse_lanes(t1)], axis=1)
            mx = jnp.max(t, axis=0, keepdims=True)
            t = t - (jnp.log(jnp.sum(jnp.exp(t - mx), axis=0, keepdims=True))
                     + mx)
        g8 = jnp.exp(t)
        g = jnp.concatenate([g8[:, :N], g8[:, N:]], axis=0)

        u = lax.bitcast_convert_type(g, jnp.int32)
        lo = jnp.zeros((P, 1), jnp.int32)
        hi = jnp.full((P, 1), 0x7F800000, jnp.int32)
        for _ in range(31):
            mid = lo + (hi - lo) // 2
            cnt = jnp.sum((u >= mid).astype(jnp.int32), axis=1, keepdims=True)
            ok = cnt >= M
            lo = jnp.where(ok, mid, lo)
            hi = jnp.where(ok, hi, mid)
        thr = lo
        c_gt = jnp.sum((u > thr).astype(jnp.int32), axis=1, keepdims=True)
        need = M - c_gt
        ties = u == thr
        pos = lax.broadcasted_iota(jnp.int32, (P, N), 1)
        lo2 = jnp.zeros((P, 1), jnp.int32)
        hi2 = jnp.full((P, 1), N, jnp.int32)
        for _ in range(12):
            mid = lo2 + (hi2 - lo2) // 2
            cnt = jnp.sum((ties & (pos < mid)).astype(jnp.int32),
                          axis=1, keepdims=True)
            ok = cnt >= need
            hi2 = jnp.where(ok, mid, hi2)
            lo2 = jnp.where(ok, lo2, mid)
        sel = (u > thr) | (ties & (pos < hi2))

        selF = sel.astype(jnp.float32)
        BL = 256
        tri = (lax.broadcasted_iota(jnp.int32, (BL, BL), 0)
               < lax.broadcasted_iota(jnp.int32, (BL, BL), 1)
               ).astype(jnp.float32)
        blocks = []
        carry = jnp.zeros((P, 1), jnp.float32)
        for blk in range(N // BL):
            sb = selF[:, blk * BL:(blk + 1) * BL]
            rb = lax.dot_general(sb, tri, (((1,), (0,)), ((), ())),
                                 precision=lax.Precision.HIGHEST,
                                 preferred_element_type=jnp.float32) + carry
            blocks.append(rb)
            carry = carry + jnp.sum(sb, axis=1, keepdims=True)
        rank = jnp.concatenate(blocks, axis=1).astype(jnp.int32)
        rank = jnp.where(sel, rank, M)

        slot = lax.broadcasted_iota(jnp.int32, (M, N), 0)
        tok = lax.broadcasted_iota(jnp.int32, (1, N), 1)
        for q in range(P):
            b, e = q // E, q % E
            p = e * B + b
            onehot = jnp.where(rank[q:q + 1, :] == slot, 1.0, 0.0)
            pay = jnp.concatenate(
                [(tok + b * N).astype(jnp.float32), g[q:q + 1, :]], axis=0)
            res = lax.dot_general(onehot, pay, (((1,), (1,)), ((), ())),
                                  precision=lax.Precision.HIGHEST,
                                  preferred_element_type=jnp.float32)
            fidx_ref[:, p:p + 1] = res[:, 0:1].astype(jnp.int32)
            gate_ref[:, p:p + 1] = res[:, 1:2]


_NC = 2
_NS = 16
_NW = _NC * _NS
_ROWS_W = R // _NW
_CH = 32
_NCH = _ROWS_W // _CH


@functools.cache
def _make_gather_kernel():
    @functools.partial(
        pl.kernel,
        mesh=plsc.VectorSubcoreMesh(core_axis_name="c", subcore_axis_name="s"),
        out_type=jax.ShapeDtypeStruct((R, D), jnp.float32),
        scratch_types=[
            pltpu.VMEM((_ROWS_W,), jnp.int32),
            pltpu.VMEM((_CH, D), jnp.float32),
            pltpu.VMEM((_CH, D), jnp.float32),
            pltpu.SemaphoreType.DMA,
            pltpu.SemaphoreType.DMA,
        ],
    )
    def _gather_kernel(x_hbm, fidx_hbm, out_hbm, idx_v, buf0, buf1,
                       sem0, sem1):
        wid = lax.axis_index("s") * _NC + lax.axis_index("c")
        base = wid * _ROWS_W
        pltpu.sync_copy(fidx_hbm.at[pl.ds(base, _ROWS_W)], idx_v)
        bufs = (buf0, buf1)
        sems = (sem0, sem1)
        copies = [None, None]
        copies[0] = pltpu.async_copy(
            x_hbm.at[idx_v.at[pl.ds(0, _CH)]], bufs[0], sems[0])
        for c in range(_NCH):
            cur = c % 2
            nxt = (c + 1) % 2
            if c + 1 < _NCH:
                copies[nxt] = pltpu.async_copy(
                    x_hbm.at[idx_v.at[pl.ds((c + 1) * _CH, _CH)]],
                    bufs[nxt], sems[nxt])
            copies[cur].wait()
            pltpu.sync_copy(bufs[cur], out_hbm.at[pl.ds(base + c * _CH, _CH)])

    return _gather_kernel


def _expert_kernel(fidx_ref, routed_ref, w_ref, gate_ref, out_ref, y_ref):
    e = pl.program_id(0)

    @pl.when(e == 0)
    def _():
        out_ref[...] = jnp.zeros((B * N, D), jnp.float32)

    y = lax.dot_general(routed_ref[...], w_ref[0], (((1,), (0,)), ((), ())),
                        preferred_element_type=jnp.float32)
    y_ref[...] = y * gate_ref[...]

    def body(i, _):
        r = fidx_ref[B * M * e + i]
        out_ref[pl.ds(r, 1), :] = y_ref[pl.ds(i, 1), :]
        return 0

    lax.fori_loop(0, B * M, body, 0)


def kernel(x, W_g, experts):
    x2d = x.reshape(B * N, D)
    fidx_t, gate_t = pl.pallas_call(
        _route_kernel,
        grid=(XB,),
        in_specs=[
            pl.BlockSpec((B * N // XB, D), lambda i: (i, 0)),
            pl.BlockSpec((E, D), lambda i: (0, 0)),
        ],
        out_specs=[
            pl.BlockSpec((M, P), lambda i: (0, 0)),
            pl.BlockSpec((M, P), lambda i: (0, 0)),
        ],
        out_shape=[
            jax.ShapeDtypeStruct((M, P), jnp.int32),
            jax.ShapeDtypeStruct((M, P), jnp.float32),
        ],
        scratch_shapes=[pltpu.VMEM((XB, E, B * N // XB), jnp.float32)],
        compiler_params=pltpu.CompilerParams(
            dimension_semantics=("arbitrary",)),
    )(x2d, W_g)
    fidx = fidx_t.T.reshape(R)
    gates = gate_t.T.reshape(R, 1)
    routed = _make_gather_kernel()(x2d, fidx)
    out = pl.pallas_call(
        _expert_kernel,
        grid=(E,),
        in_specs=[
            pl.BlockSpec(memory_space=pltpu.SMEM),
            pl.BlockSpec((B * M, D), lambda e: (e, 0)),
            pl.BlockSpec((1, D, D), lambda e: (e, 0, 0)),
            pl.BlockSpec((B * M, 1), lambda e: (e, 0)),
        ],
        out_specs=pl.BlockSpec((B * N, D), lambda e: (0, 0)),
        out_shape=jax.ShapeDtypeStruct((B * N, D), jnp.float32),
        scratch_shapes=[pltpu.VMEM((B * M, D), jnp.float32)],
        compiler_params=pltpu.CompilerParams(
            dimension_semantics=("arbitrary",)),
    )(fidx, routed, experts, gates)
    return out.reshape(B, N, D)

# --- scband reference (transcript-rebuilt; emitter-appended) ---
"""Pipeline reference for scband-sinkhorn-router-45329084842149 (READ-ONLY COPY).

The authoritative reference and input builder live on the scoring server;
editing this copy changes nothing except your own understanding.
"""

import jax, jax.numpy as jnp
import numpy as np

DIM = 1024
NUM_EXPERTS = 8
SINKHORN_ITERS = 8
TEMPERATURE = 1.0
EPS = 1e-6
BATCH = 2
SEQ = 2048


def setup_inputs(seed: int = 0) -> dict:
    key = jax.random.key(seed)
    k1, k2, k3 = jax.random.split(key, 3)
    x = jax.random.normal(k1, (BATCH, SEQ, DIM), dtype=jnp.float32)
    W_g = jax.random.normal(k2, (NUM_EXPERTS, DIM), dtype=jnp.float32) * 0.02
    experts = jax.random.normal(k3, (NUM_EXPERTS, DIM, DIM), dtype=jnp.float32) * 0.02
    return {"x": x, "W_g": W_g, "experts": experts}


def _sinkhorn(logits, num_iters=SINKHORN_ITERS, temperature=TEMPERATURE, eps=EPS):
    t = jnp.log(jnp.maximum(logits, eps))
    t = t / temperature
    for _ in range(num_iters):
        t = t - jax.nn.logsumexp(t, axis=-2, keepdims=True)
        t = t - jax.nn.logsumexp(t, axis=-1, keepdims=True)
    return jnp.exp(t)


def reference(x, W_g, experts):
    b, n, d = x.shape
    e = experts.shape[0]
    m = n // e  # tokens per expert
    # gate logits: Linear(dim, num_experts, bias=False)
    gate_logits = jnp.einsum('bnd,ed->bne', x, W_g)
    # competitive gates via sinkhorn (competitive=True, no gumbel)
    competitive_gates = _sinkhorn(gate_logits)
    # topk over token dim (dim=-2 of [b, n, e]) -> work on [b, e, n]
    g_t = jnp.swapaxes(competitive_gates, -1, -2)  # [b, e, n]
    gate_values_t, routed_indices_t = jax.lax.top_k(g_t, m)  # [b, e, m]
    idx = jnp.transpose(routed_indices_t, (1, 0, 2))  # [e, b, m]
    gv = jnp.transpose(gate_values_t, (1, 0, 2))[..., None]  # [e, b, m, 1]
    # gather routed tokens: routed[e, b, m, :] = x[b, idx[e, b, m], :]
    b_idx = jnp.broadcast_to(jnp.arange(b)[None, :, None], idx.shape)  # [e, b, m]
    routed = x[b_idx, idx]  # [e, b, m, d]
    # expert matmuls (experts given as weight tensor [e, d, d])
    outputs = jnp.einsum('ebmd,edf->ebmf', routed, experts)  # [e, b, m, d]
    outputs = outputs * gv
    # scatter (overwrite) back to token positions
    out = jnp.zeros_like(x)
    out = out.at[b_idx.reshape(-1), idx.reshape(-1)].set(outputs.reshape(-1, d))
    return out

if __name__ == "__main__":
    import jax
    _d = setup_inputs()
    print(jax.jit(kernel)(*tuple(_d.values())))

</pallas_src>

<mosaic_0001>
#map = affine_map<(d0, d1) -> (0, 0)>
#map1 = affine_map<(d0, d1) -> (0)>
module attributes {stable_mosaic.version = 14 : i64} {
  func.func @_gather_kernel(%arg0: i32, %arg1: i32, %arg2: memref<4096x1024xf32, #tpu.memory_space<hbm>>, %arg3: memref<4096xi32, #tpu.memory_space<hbm>>, %arg4: memref<4096x1024xf32, #tpu.memory_space<hbm>>, %arg5: memref<128xi32, #tpu.memory_space<vmem>>, %arg6: memref<32x1024xf32, #tpu.memory_space<vmem>>, %arg7: memref<32x1024xf32, #tpu.memory_space<vmem>>, %arg8: memref<!tpu.dma_semaphore, #tpu.memory_space<semaphore_mem>>, %arg9: memref<!tpu.dma_semaphore, #tpu.memory_space<semaphore_mem>>) attributes {dimension_semantics = [#tpu.dimension_semantics<core_parallel>, #tpu.dimension_semantics<subcore_parallel>], iteration_bounds = array<i64: 2, 16>, scalar_prefetch = 0 : i64, scratch_operands = 5 : i64, tpu.core_type = #tpu.core_type<sc_vector_subcore>, window_params = [{transform_indices = #map}, {transform_indices = #map1}, {transform_indices = #map}]} {
    %mul3A = arith.constant 2 : i32
    %mul3A_0 = arith.muli %arg1, %mul3A : i32
    %add3A = arith.addi %mul3A_0, %arg0 : i32
    %mul3A_1 = arith.constant 128 : i32
    %mul3A_2 = arith.muli %add3A, %mul3A_1 : i32
    "tpu.region"() ({
      %run_scoped3A = tpu.sem_alloc : memref<!tpu.dma_semaphore, #tpu.memory_space<semaphore_mem>>
      %dma_start3A_49 = tpu.memref_slice %arg3[%mul3A_2] : memref<4096xi32, #tpu.memory_space<hbm>> -> memref<128xi32, #tpu.memory_space<hbm>>
      %dma_start3A_50 = tpu.memref_slice %arg3[%mul3A_2] : memref<4096xi32, #tpu.memory_space<hbm>> -> memref<128xi32, #tpu.memory_space<hbm>>
      tpu.enqueue_dma source(%dma_start3A_50 : memref<128xi32, #tpu.memory_space<hbm>>) target(%arg5 : memref<128xi32, #tpu.memory_space<vmem>>) target_semaphore(%run_scoped3A : memref<!tpu.dma_semaphore, #tpu.memory_space<semaphore_mem>>)
      %dma_wait3A_51 = tpu.memref_slice %arg3[%mul3A_2] : memref<4096xi32, #tpu.memory_space<hbm>> -> memref<128xi32, #tpu.memory_space<hbm>>
      %dma_wait3A_52 = tpu.memref_slice %arg3[%mul3A_2] : memref<4096xi32, #tpu.memory_space<hbm>> -> memref<128xi32, #tpu.memory_space<hbm>>
      tpu.wait_dma2 semaphore(%run_scoped3A : memref<!tpu.dma_semaphore, #tpu.memory_space<semaphore_mem>>) src(%dma_wait3A_52 : memref<128xi32, #tpu.memory_space<hbm>>) dst(%arg5 : memref<128xi32, #tpu.memory_space<vmem>>)
      tpu.yield
    }) : () -> ()
    %dma_start3A = arith.constant 0 : i32
    %dma_start3A_3 = tpu.memref_slice %arg5[%dma_start3A] : memref<128xi32, #tpu.memory_space<vmem>> -> memref<32xi32, #tpu.memory_space<vmem>>
    %dma_start3A_4 = arith.constant 0 : i32
    %dma_start3A_5 = arith.constant 0 : i32
    %dma_start3A_6 = tpu.memref_slice %arg2[%dma_start3A_4, %dma_start3A_5] : memref<4096x1024xf32, #tpu.memory_space<hbm>> -> memref<4096x1024xf32, #tpu.memory_space<hbm>>
    tpu.enqueue_indirect_dma source(%dma_start3A_6 : memref<4096x1024xf32, #tpu.memory_space<hbm>>) target(%arg6 : memref<32x1024xf32, #tpu.memory_space<vmem>>) offsets(%dma_start3A_3 : memref<32xi32, #tpu.memory_space<vmem>>) semaphore(%arg8 : memref<!tpu.dma_semaphore, #tpu.memory_space<semaphore_mem>>)
    %dma_start3A_7 = arith.constant 32 : i32
    %dma_start3A_8 = tpu.memref_slice %arg5[%dma_start3A_7] : memref<128xi32, #tpu.memory_space<vmem>> -> memref<32xi32, #tpu.memory_space<vmem>>
    %dma_start3A_9 = arith.constant 0 : i32
    %dma_start3A_10 = arith.constant 0 : i32
    %dma_start3A_11 = tpu.memref_slice %arg2[%dma_start3A_9, %dma_start3A_10] : memref<4096x1024xf32, #tpu.memory_space<hbm>> -> memref<4096x1024xf32, #tpu.memory_space<hbm>>
    tpu.enqueue_indirect_dma source(%dma_start3A_11 : memref<4096x1024xf32, #tpu.memory_space<hbm>>) target(%arg7 : memref<32x1024xf32, #tpu.memory_space<vmem>>) offsets(%dma_start3A_8 : memref<32xi32, #tpu.memory_space<vmem>>) semaphore(%arg9 : memref<!tpu.dma_semaphore, #tpu.memory_space<semaphore_mem>>)
    %dma_wait3A = arith.constant 0 : i32
    %dma_wait3A_12 = tpu.memref_slice %arg5[%dma_wait3A] : memref<128xi32, #tpu.memory_space<vmem>> -> memref<32xi32, #tpu.memory_space<vmem>>
    %dma_wait3A_13 = arith.constant 0 : i32
    %dma_wait3A_14 = arith.constant 0 : i32
    %dma_wait3A_15 = tpu.memref_slice %arg2[%dma_wait3A_13, %dma_wait3A_14] : memref<4096x1024xf32, #tpu.memory_space<hbm>> -> memref<4096x1024xf32, #tpu.memory_space<hbm>>
    tpu.wait_indirect_dma semaphore(%arg8 : memref<!tpu.dma_semaphore, #tpu.memory_space<semaphore_mem>>) src(%dma_wait3A_15 : memref<4096x1024xf32, #tpu.memory_space<hbm>>) dst(%arg6 : memref<32x1024xf32, #tpu.memory_space<vmem>>)
    %add3A_16 = arith.constant 0 : i32
    %add3A_17 = arith.addi %mul3A_2, %add3A_16 : i32
    "tpu.region"() ({
      %run_scoped3A = tpu.sem_alloc : memref<!tpu.dma_semaphore, #tpu.memory_space<semaphore_mem>>
      %dma_start3A_49 = arith.constant 0 : i32
      %dma_start3A_50 = tpu.memref_slice %arg4[%add3A_17, %dma_start3A_49] : memref<4096x1024xf32, #tpu.memory_space<hbm>> -> memref<32x1024xf32, #tpu.memory_space<hbm>>
      %dma_start3A_51 = arith.constant 0 : i32
      %dma_start3A_52 = tpu.memref_slice %arg4[%add3A_17, %dma_start3A_51] : memref<4096x1024xf32, #tpu.memory_space<hbm>> -> memref<32x1024xf32, #tpu.memory_space<hbm>>
      tpu.enqueue_dma source(%arg6 : memref<32x1024xf32, #tpu.memory_space<vmem>>) target(%dma_start3A_52 : memref<32x1024xf32, #tpu.memory_space<hbm>>) target_semaphore(%run_scoped3A : memref<!tpu.dma_semaphore, #tpu.memory_space<semaphore_mem>>)
      %dma_wait3A_53 = arith.constant 0 : i32
      %dma_wait3A_54 = tpu.memref_slice %arg4[%add3A_17, %dma_wait3A_53] : memref<4096x1024xf32, #tpu.memory_space<hbm>> -> memref<32x1024xf32, #tpu.memory_space<hbm>>
      %dma_wait3A_55 = arith.constant 0 : i32
      %dma_wait3A_56 = tpu.memref_slice %arg4[%add3A_17, %dma_wait3A_55] : memref<4096x1024xf32, #tpu.memory_space<hbm>> -> memref<32x1024xf32, #tpu.memory_space<hbm>>
      tpu.wait_dma2 semaphore(%run_scoped3A : memref<!tpu.dma_semaphore, #tpu.memory_space<semaphore_mem>>) src(%arg6 : memref<32x1024xf32, #tpu.memory_space<vmem>>) dst(%dma_wait3A_56 : memref<32x1024xf32, #tpu.memory_space<hbm>>)
      tpu.yield
    }) : () -> ()
    %dma_start3A_18 = arith.constant 64 : i32
    %dma_start3A_19 = tpu.memref_slice %arg5[%dma_start3A_18] : memref<128xi32, #tpu.memory_space<vmem>> -> memref<32xi32, #tpu.memory_space<vmem>>
    %dma_start3A_20 = arith.constant 0 : i32
    %dma_start3A_21 = arith.constant 0 : i32
    %dma_start3A_22 = tpu.memref_slice %arg2[%dma_start3A_20, %dma_start3A_21] : memref<4096x1024xf32, #tpu.memory_space<hbm>> -> memref<4096x1024xf32, #tpu.memory_space<hbm>>
    tpu.enqueue_indirect_dma source(%dma_start3A_22 : memref<4096x1024xf32, #tpu.memory_space<hbm>>) target(%arg6 : memref<32x1024xf32, #tpu.memory_space<vmem>>) offsets(%dma_start3A_19 : memref<32xi32, #tpu.memory_space<vmem>>) semaphore(%arg8 : memref<!tpu.dma_semaphore, #tpu.memory_space<semaphore_mem>>)
    %dma_wait3A_23 = arith.constant 32 : i32
    %dma_wait3A_24 = tpu.memref_slice %arg5[%dma_wait3A_23] : memref<128xi32, #tpu.memory_space<vmem>> -> memref<32xi32, #tpu.memory_space<vmem>>
    %dma_wait3A_25 = arith.constant 0 : i32
    %dma_wait3A_26 = arith.constant 0 : i32
    %dma_wait3A_27 = tpu.memref_slice %arg2[%dma_wait3A_25, %dma_wait3A_26] : memref<4096x1024xf32, #tpu.memory_space<hbm>> -> memref<4096x1024xf32, #tpu.memory_space<hbm>>
    tpu.wait_indirect_dma semaphore(%arg9 : memref<!tpu.dma_semaphore, #tpu.memory_space<semaphore_mem>>) src(%dma_wait3A_27 : memref<4096x1024xf32, #tpu.memory_space<hbm>>) dst(%arg7 : memref<32x1024xf32, #tpu.memory_space<vmem>>)
    %add3A_28 = arith.constant 32 : i32
    %add3A_29 = arith.addi %mul3A_2, %add3A_28 : i32
    "tpu.region"() ({
      %run_scoped3A = tpu.sem_alloc : memref<!tpu.dma_semaphore, #tpu.memory_space<semaphore_mem>>
      %dma_start3A_49 = arith.constant 0 : i32
      %dma_start3A_50 = tpu.memref_slice %arg4[%add3A_29, %dma_start3A_49] : memref<4096x1024xf32, #tpu.memory_space<hbm>> -> memref<32x1024xf32, #tpu.memory_space<hbm>>
      %dma_start3A_51 = arith.constant 0 : i32
      %dma_start3A_52 = tpu.memref_slice %arg4[%add3A_29, %dma_start3A_51] : memref<4096x1024xf32, #tpu.memory_space<hbm>> -> memref<32x1024xf32, #tpu.memory_space<hbm>>
      tpu.enqueue_dma source(%arg7 : memref<32x1024xf32, #tpu.memory_space<vmem>>) target(%dma_start3A_52 : memref<32x1024xf32, #tpu.memory_space<hbm>>) target_semaphore(%run_scoped3A : memref<!tpu.dma_semaphore, #tpu.memory_space<semaphore_mem>>)
      %dma_wait3A_53 = arith.constant 0 : i32
      %dma_wait3A_54 = tpu.memref_slice %arg4[%add3A_29, %dma_wait3A_53] : memref<4096x1024xf32, #tpu.memory_space<hbm>> -> memref<32x1024xf32, #tpu.memory_space<hbm>>
      %dma_wait3A_55 = arith.constant 0 : i32
      %dma_wait3A_56 = tpu.memref_slice %arg4[%add3A_29, %dma_wait3A_55] : memref<4096x1024xf32, #tpu.memory_space<hbm>> -> memref<32x1024xf32, #tpu.memory_space<hbm>>
      tpu.wait_dma2 semaphore(%run_scoped3A : memref<!tpu.dma_semaphore, #tpu.memory_space<semaphore_mem>>) src(%arg7 : memref<32x1024xf32, #tpu.memory_space<vmem>>) dst(%dma_wait3A_56 : memref<32x1024xf32, #tpu.memory_space<hbm>>)
      tpu.yield
    }) : () -> ()
    %dma_start3A_30 = arith.constant 96 : i32
    %dma_start3A_31 = tpu.memref_slice %arg5[%dma_start3A_30] : memref<128xi32, #tpu.memory_space<vmem>> -> memref<32xi32, #tpu.memory_space<vmem>>
    %dma_start3A_32 = arith.constant 0 : i32
    %dma_start3A_33 = arith.constant 0 : i32
    %dma_start3A_34 = tpu.memref_slice %arg2[%dma_start3A_32, %dma_start3A_33] : memref<4096x1024xf32, #tpu.memory_space<hbm>> -> memref<4096x1024xf32, #tpu.memory_space<hbm>>
    tpu.enqueue_indirect_dma source(%dma_start3A_34 : memref<4096x1024xf32, #tpu.memory_space<hbm>>) target(%arg7 : memref<32x1024xf32, #tpu.memory_space<vmem>>) offsets(%dma_start3A_31 : memref<32xi32, #tpu.memory_space<vmem>>) semaphore(%arg9 : memref<!tpu.dma_semaphore, #tpu.memory_space<semaphore_mem>>)
    %dma_wait3A_35 = arith.constant 64 : i32
    %dma_wait3A_36 = tpu.memref_slice %arg5[%dma_wait3A_35] : memref<128xi32, #tpu.memory_space<vmem>> -> memref<32xi32, #tpu.memory_space<vmem>>
    %dma_wait3A_37 = arith.constant 0 : i32
    %dma_wait3A_38 = arith.constant 0 : i32
    %dma_wait3A_39 = tpu.memref_slice %arg2[%dma_wait3A_37, %dma_wait3A_38] : memref<4096x1024xf32, #tpu.memory_space<hbm>> -> memref<4096x1024xf32, #tpu.memory_space<hbm>>
    tpu.wait_indirect_dma semaphore(%arg8 : memref<!tpu.dma_semaphore, #tpu.memory_space<semaphore_mem>>) src(%dma_wait3A_39 : memref<4096x1024xf32, #tpu.memory_space<hbm>>) dst(%arg6 : memref<32x1024xf32, #tpu.memory_space<vmem>>)
    %add3A_40 = arith.constant 64 : i32
    %add3A_41 = arith.addi %mul3A_2, %add3A_40 : i32
    "tpu.region"() ({
      %run_scoped3A = tpu.sem_alloc : memref<!tpu.dma_semaphore, #tpu.memory_space<semaphore_mem>>
      %dma_start3A_49 = arith.constant 0 : i32
      %dma_start3A_50 = tpu.memref_slice %arg4[%add3A_41, %dma_start3A_49] : memref<4096x1024xf32, #tpu.memory_space<hbm>> -> memref<32x1024xf32, #tpu.memory_space<hbm>>
      %dma_start3A_51 = arith.constant 0 : i32
      %dma_start3A_52 = tpu.memref_slice %arg4[%add3A_41, %dma_start3A_51] : memref<4096x1024xf32, #tpu.memory_space<hbm>> -> memref<32x1024xf32, #tpu.memory_space<hbm>>
      tpu.enqueue_dma source(%arg6 : memref<32x1024xf32, #tpu.memory_space<vmem>>) target(%dma_start3A_52 : memref<32x1024xf32, #tpu.memory_space<hbm>>) target_semaphore(%run_scoped3A : memref<!tpu.dma_semaphore, #tpu.memory_space<semaphore_mem>>)
      %dma_wait3A_53 = arith.constant 0 : i32
      %dma_wait3A_54 = tpu.memref_slice %arg4[%add3A_41, %dma_wait3A_53] : memref<4096x1024xf32, #tpu.memory_space<hbm>> -> memref<32x1024xf32, #tpu.memory_space<hbm>>
      %dma_wait3A_55 = arith.constant 0 : i32
      %dma_wait3A_56 = tpu.memref_slice %arg4[%add3A_41, %dma_wait3A_55] : memref<4096x1024xf32, #tpu.memory_space<hbm>> -> memref<32x1024xf32, #tpu.memory_space<hbm>>
      tpu.wait_dma2 semaphore(%run_scoped3A : memref<!tpu.dma_semaphore, #tpu.memory_space<semaphore_mem>>) src(%arg6 : memref<32x1024xf32, #tpu.memory_space<vmem>>) dst(%dma_wait3A_56 : memref<32x1024xf32, #tpu.memory_space<hbm>>)
      tpu.yield
    }) : () -> ()
    %dma_wait3A_42 = arith.constant 96 : i32
    %dma_wait3A_43 = tpu.memref_slice %arg5[%dma_wait3A_42] : memref<128xi32, #tpu.memory_space<vmem>> -> memref<32xi32, #tpu.memory_space<vmem>>
    %dma_wait3A_44 = arith.constant 0 : i32
    %dma_wait3A_45 = arith.constant 0 : i32
    %dma_wait3A_46 = tpu.memref_slice %arg2[%dma_wait3A_44, %dma_wait3A_45] : memref<4096x1024xf32, #tpu.memory_space<hbm>> -> memref<4096x1024xf32, #tpu.memory_space<hbm>>
    tpu.wait_indirect_dma semaphore(%arg9 : memref<!tpu.dma_semaphore, #tpu.memory_space<semaphore_mem>>) src(%dma_wait3A_46 : memref<4096x1024xf32, #tpu.memory_space<hbm>>) dst(%arg7 : memref<32x1024xf32, #tpu.memory_space<vmem>>)
    %add3A_47 = arith.constant 96 : i32
    %add3A_48 = arith.addi %mul3A_2, %add3A_47 : i32
    "tpu.region"() ({
      %run_scoped3A = tpu.sem_alloc : memref<!tpu.dma_semaphore, #tpu.memory_space<semaphore_mem>>
      %dma_start3A_49 = arith.constant 0 : i32
      %dma_start3A_50 = tpu.memref_slice %arg4[%add3A_48, %dma_start3A_49] : memref<4096x1024xf32, #tpu.memory_space<hbm>> -> memref<32x1024xf32, #tpu.memory_space<hbm>>
      %dma_start3A_51 = arith.constant 0 : i32
      %dma_start3A_52 = tpu.memref_slice %arg4[%add3A_48, %dma_start3A_51] : memref<4096x1024xf32, #tpu.memory_space<hbm>> -> memref<32x1024xf32, #tpu.memory_space<hbm>>
      tpu.enqueue_dma source(%arg7 : memref<32x1024xf32, #tpu.memory_space<vmem>>) target(%dma_start3A_52 : memref<32x1024xf32, #tpu.memory_space<hbm>>) target_semaphore(%run_scoped3A : memref<!tpu.dma_semaphore, #tpu.memory_space<semaphore_mem>>)
      %dma_wait3A_53 = arith.constant 0 : i32
      %dma_wait3A_54 = tpu.memref_slice %arg4[%add3A_48, %dma_wait3A_53] : memref<4096x1024xf32, #tpu.memory_space<hbm>> -> memref<32x1024xf32, #tpu.memory_space<hbm>>
      %dma_wait3A_55 = arith.constant 0 : i32
      %dma_wait3A_56 = tpu.memref_slice %arg4[%add3A_48, %dma_wait3A_55] : memref<4096x1024xf32, #tpu.memory_space<hbm>> -> memref<32x1024xf32, #tpu.memory_space<hbm>>
      tpu.wait_dma2 semaphore(%run_scoped3A : memref<!tpu.dma_semaphore, #tpu.memory_space<semaphore_mem>>) src(%arg7 : memref<32x1024xf32, #tpu.memory_space<vmem>>) dst(%dma_wait3A_56 : memref<32x1024xf32, #tpu.memory_space<hbm>>)
      tpu.yield
    }) : () -> ()
    return
  }
}

module attributes {stable_mosaic.version = 14 : i64} {
  func.func @_expert_kernel(%arg0: i32, %arg1: memref<4096xi32, #tpu.memory_space<smem>>, %arg2: memref<512x1024xf32, #tpu.memory_space<vmem>>, %arg3: memref<1x1024x1024xf32, #tpu.memory_space<vmem>>, %arg4: memref<512x1xf32, #tpu.memory_space<vmem>>, %arg5: memref<4096x1024xf32, #tpu.memory_space<vmem>>, %arg6: memref<512x1024xf32, #tpu.memory_space<vmem>>) attributes {dimension_semantics = [#tpu.dimension_semantics<arbitrary>], iteration_bounds = array<i64: 8>, scalar_prefetch = 0 : i64, scratch_operands = 1 : i64, tpu.core_type = #tpu.core_type<tc>, window_params = [{transform_indices = @transform_0, window_bounds = array<i64: 4096>}, {transform_indices = @transform_1, window_bounds = array<i64: 512, 1024>}, {transform_indices = @transform_2, window_bounds = array<i64: 1, 1024, 1024>}, {transform_indices = @transform_3, window_bounds = array<i64: 512, 1>}, {pipeline_mode = #tpu.pipeline_mode<synchronous>, transform_indices = @transform_4, window_bounds = array<i64: 4096, 1024>}]} {
    %eq3A = arith.constant 0 : i32
    %eq3A_0 = arith.cmpi eq, %arg0, %eq3A : i32
    %convert_element_type3A = arith.extui %eq3A_0 : i1 to i32
    %cond3A = arith.constant 0 : i32
    %cond3A_1 = arith.cmpi ne, %convert_element_type3A, %cond3A : i32
    scf.if %cond3A_1 {
      %broadcast_in_dim3A = arith.constant 0.000000e+00 : f32
      %broadcast_in_dim3A_20 = vector.broadcast %broadcast_in_dim3A : f32 to vector<4096x1024xf32>
      %swap3A_21 = arith.constant 0 : index
      %swap3A_22 = arith.constant 0 : index
      %swap3A_23 = vector.load %arg5[%swap3A_21, %swap3A_22] : memref<4096x1024xf32, #tpu.memory_space<vmem>>, vector<4096x1024xf32>
      tpu.vector_store %arg5[%swap3A_21, %swap3A_22], %broadcast_in_dim3A_20 {strides = array<i32>} : memref<4096x1024xf32, #tpu.memory_space<vmem>>, vector<4096x1024xf32>,
    } else {
    }
    %get3A = arith.constant 0 : index
    %get3A_2 = arith.constant 0 : index
    %get3A_3 = vector.load %arg2[%get3A, %get3A_2] : memref<512x1024xf32, #tpu.memory_space<vmem>>, vector<512x1024xf32>
    %get3A_4 = arith.constant 0 : index
    %get3A_5 = arith.constant 0 : index
    %get3A_6 = arith.constant 0 : index
    %get3A_7 = vector.load %arg3[%get3A_4, %get3A_5, %get3A_6] : memref<1x1024x1024xf32, #tpu.memory_space<vmem>>, vector<1x1024x1024xf32>
    %get3A_8 = vector.shape_cast %get3A_7 : vector<1x1024x1024xf32> to vector<1024x1024xf32>
    %dot_general3A = arith.constant dense<0.000000e+00> : vector<512x1024xf32>
    %dot_general3A_9 = tpu.matmul %get3A_3, %get3A_8, %dot_general3A {dimension_numbers = #tpu.dot_dimension_numbers<[1], [0], [0], [1], [0, 0, 1, 1], [], []>, transpose_lhs_hint = false} : vector<512x1024xf32>, vector<1024x1024xf32>, vector<512x1024xf32> -> vector<512x1024xf32>
    %get3A_10 = arith.constant 0 : index
    %get3A_11 = arith.constant 0 : index
    %get3A_12 = vector.load %arg4[%get3A_10, %get3A_11] : memref<512x1xf32, #tpu.memory_space<vmem>>, vector<512x1xf32>
    %mul3A = vector.broadcast %get3A_12 : vector<512x1xf32> to vector<512x1024xf32>
    %mul3A_13 = arith.mulf %dot_general3A_9, %mul3A : vector<512x1024xf32>
    %swap3A = arith.constant 0 : index
    %swap3A_14 = arith.constant 0 : index
    %swap3A_15 = vector.load %arg6[%swap3A, %swap3A_14] : memref<512x1024xf32, #tpu.memory_space<vmem>>, vector<512x1024xf32>
    tpu.vector_store %arg6[%swap3A, %swap3A_14], %mul3A_13 {strides = array<i32>} : memref<512x1024xf32, #tpu.memory_space<vmem>>, vector<512x1024xf32>,
    %scan3A = arith.constant 0 : i32
    %scan3A_16 = arith.constant 512 : i32
    %scan3A_17 = arith.addi %scan3A, %scan3A_16 : i32
    %scan3A_18 = arith.constant 1 : i32
    scf.for %scan3A_20 = %scan3A to %scan3A_17 step %scan3A_18  : i32 {
      %mul3A_21 = arith.constant 512 : i32
      %mul3A_22 = arith.muli %mul3A_21, %arg0 : i32
      %add3A = arith.addi %mul3A_22, %scan3A_20 : i32
      %get3A_23 = arith.index_cast %add3A : i32 to index
      %get3A_24 = memref.load %arg1[%get3A_23] : memref<4096xi32, #tpu.memory_space<smem>>
      %get3A_25 = arith.index_cast %scan3A_20 : i32 to index
      %get3A_26 = arith.constant 0 : index
      %get3A_27 = vector.load %arg6[%get3A_25, %get3A_26] : memref<512x1024xf32, #tpu.memory_space<vmem>>, vector<1x1024xf32>
      %swap3A_28 = arith.index_cast %get3A_24 : i32 to index
      %swap3A_29 = arith.constant 0 : index
      %swap3A_30 = vector.load %arg5[%swap3A_28, %swap3A_29] : memref<4096x1024xf32, #tpu.memory_space<vmem>>, vector<1x1024xf32>
      tpu.vector_store %arg5[%swap3A_28, %swap3A_29], %get3A_27 {strides = array<i32>} : memref<4096x1024xf32, #tpu.memory_space<vmem>>, vector<1x1024xf32>,
    }
    %scan3A_19 = arith.constant 512 : i32
    return
  }
  func.func @transform_0(%arg0: i32) -> i32 {
    %c0_i32 = arith.constant 0 : i32
    %c0_i32_0 = arith.constant 0 : i32
    return %c0_i32 : i32
  }
  func.func @transform_1(%arg0: i32) -> (i32, i32) {
    %c0_i32 = arith.constant 0 : i32
    %c0_i32_0 = arith.constant 0 : i32
    return %arg0, %c0_i32 : i32, i32
  }
  func.func @transform_2(%arg0: i32) -> (i32, i32, i32) {
    %c0_i32 = arith.constant 0 : i32
    %c0_i32_0 = arith.constant 0 : i32
    %c0_i32_1 = arith.constant 0 : i32
    return %arg0, %c0_i32, %c0_i32_0 : i32, i32, i32
  }
  func.func @transform_3(%arg0: i32) -> (i32, i32) {
    %c0_i32 = arith.constant 0 : i32
    %c0_i32_0 = arith.constant 0 : i32
    return %arg0, %c0_i32 : i32, i32
  }
  func.func @transform_4(%arg0: i32) -> (i32, i32) {
    %c0_i32 = arith.constant 0 : i32
    %c0_i32_0 = arith.constant 0 : i32
    %c0_i32_1 = arith.constant 0 : i32
    return %c0_i32, %c0_i32_0 : i32, i32
  }
}

module attributes {stable_mosaic.version = 14 : i64} {
  func.func @_route_kernel(%arg0: i32, %arg1: memref<1024x1024xf32, #tpu.memory_space<vmem>>, %arg2: memref<8x1024xf32, #tpu.memory_space<vmem>>, %arg3: memref<256x16xi32, #tpu.memory_space<vmem>>, %arg4: memref<256x16xf32, #tpu.memory_space<vmem>>, %arg5: memref<4x8x1024xf32, #tpu.memory_space<vmem>>) attributes {dimension_semantics = [#tpu.dimension_semantics<arbitrary>], iteration_bounds = array<i64: 4>, scalar_prefetch = 0 : i64, scratch_operands = 1 : i64, tpu.core_type = #tpu.core_type<tc>, window_params = [{transform_indices = @transform_0, window_bounds = array<i64: 1024, 1024>}, {pipeline_mode = #tpu.pipeline_mode<synchronous>, transform_indices = @transform_1, window_bounds = array<i64: 8, 1024>}, {pipeline_mode = #tpu.pipeline_mode<synchronous>, transform_indices = @transform_2, window_bounds = array<i64: 256, 16>}, {pipeline_mode = #tpu.pipeline_mode<synchronous>, transform_indices = @transform_3, window_bounds = array<i64: 256, 16>}]} {
    %get3A = arith.constant 0 : index
    %get3A_0 = arith.constant 0 : index
    %get3A_1 = vector.load %arg2[%get3A, %get3A_0] : memref<8x1024xf32, #tpu.memory_space<vmem>>, vector<8x1024xf32>
    %get3A_2 = arith.constant 0 : index
    %get3A_3 = arith.constant 0 : index
    %get3A_4 = vector.load %arg1[%get3A_2, %get3A_3] : memref<1024x1024xf32, #tpu.memory_space<vmem>>, vector<1024x1024xf32>
    %dot_general3A = arith.constant dense<0.000000e+00> : vector<8x1024xf32>
    %dot_general3A_5 = tpu.matmul %get3A_1, %get3A_4, %dot_general3A {dimension_numbers = #tpu.dot_dimension_numbers<[1], [1], [0], [0], [0, 0, 1, 0], [], []>, transpose_lhs_hint = false} : vector<8x1024xf32>, vector<1024x1024xf32>, vector<8x1024xf32> -> vector<8x1024xf32>
    %swap3A = arith.index_cast %arg0 : i32 to index
    %swap3A_6 = arith.constant 0 : index
    %swap3A_7 = arith.constant 0 : index
    %swap3A_8 = vector.load %arg5[%swap3A, %swap3A_6, %swap3A_7] : memref<4x8x1024xf32, #tpu.memory_space<vmem>>, vector<1x8x1024xf32>
    %swap3A_9 = vector.shape_cast %swap3A_8 : vector<1x8x1024xf32> to vector<8x1024xf32>
    %swap3A_10 = vector.shape_cast %dot_general3A_5 : vector<8x1024xf32> to vector<1x8x1024xf32>
    tpu.vector_store %arg5[%swap3A, %swap3A_6, %swap3A_7], %swap3A_10 {strides = array<i32>} : memref<4x8x1024xf32, #tpu.memory_space<vmem>>, vector<1x8x1024xf32>,
    %eq3A = arith.constant 3 : i32
    %eq3A_11 = arith.cmpi eq, %arg0, %eq3A : i32
    %convert_element_type3A = arith.extui %eq3A_11 : i1 to i32
    %cond3A = arith.constant 0 : i32
    %cond3A_12 = arith.cmpi ne, %convert_element_type3A, %cond3A : i32
    scf.if %cond3A_12 {
      %get3A_13 = arith.constant 0 : index
      %get3A_14 = arith.constant 0 : index
      %get3A_15 = arith.constant 0 : index
      %get3A_16 = vector.load %arg5[%get3A_13, %get3A_14, %get3A_15] : memref<4x8x1024xf32, #tpu.memory_space<vmem>>, vector<1x8x1024xf32>
      %get3A_17 = vector.shape_cast %get3A_16 : vector<1x8x1024xf32> to vector<8x1024xf32>
      %get3A_18 = arith.constant 1 : index
      %get3A_19 = arith.constant 0 : index
      %get3A_20 = arith.constant 0 : index
      %get3A_21 = vector.load %arg5[%get3A_18, %get3A_19, %get3A_20] : memref<4x8x1024xf32, #tpu.memory_space<vmem>>, vector<1x8x1024xf32>
      %get3A_22 = vector.shape_cast %get3A_21 : vector<1x8x1024xf32> to vector<8x1024xf32>
      %get3A_23 = arith.constant 2 : index
      %get3A_24 = arith.constant 0 : index
      %get3A_25 = arith.constant 0 : index
      %get3A_26 = vector.load %arg5[%get3A_23, %get3A_24, %get3A_25] : memref<4x8x1024xf32, #tpu.memory_space<vmem>>, vector<1x8x1024xf32>
      %get3A_27 = vector.shape_cast %get3A_26 : vector<1x8x1024xf32> to vector<8x1024xf32>
      %get3A_28 = arith.constant 3 : index
      %get3A_29 = arith.constant 0 : index
      %get3A_30 = arith.constant 0 : index
      %get3A_31 = vector.load %arg5[%get3A_28, %get3A_29, %get3A_30] : memref<4x8x1024xf32, #tpu.memory_space<vmem>>, vector<1x8x1024xf32>
      %get3A_32 = vector.shape_cast %get3A_31 : vector<1x8x1024xf32> to vector<8x1024xf32>
      %concatenate3A = tpu.concatenate %get3A_17, %get3A_22, %get3A_27, %get3A_32 in 1 : vector<8x1024xf32>, vector<8x1024xf32>, vector<8x1024xf32>, vector<8x1024xf32> -> vector<8x4096xf32>
      %max3A = arith.constant 9.99999997E-7 : f32
      %max3A_33 = vector.broadcast %max3A : f32 to vector<8x4096xf32>
      %max3A_34 = arith.maximumf %concatenate3A, %max3A_33 : vector<8x4096xf32>
      %log3A = math.log %max3A_34 : vector<8x4096xf32>
      %slice3A = vector.extract_strided_slice %log3A {offsets = [0, 0], sizes = [8, 2048], strides = [1, 1]} : vector<8x4096xf32> to vector<8x2048xf32>
      %slice3A_35 = vector.extract_strided_slice %log3A {offsets = [0, 2048], sizes = [8, 2048], strides = [1, 1]} : vector<8x4096xf32> to vector<8x2048xf32>
      %reduce_max3A = arith.constant dense<0xFF800000> : vector<8xf32>
      %reduce_max3A_36 = vector.multi_reduction <maximumf>, %slice3A, %reduce_max3A [1] : vector<8x2048xf32> to vector<8xf32>
      %broadcast_in_dim3A = vector.shape_cast %reduce_max3A_36 : vector<8xf32> to vector<8x1xf32>
      %sub3A = vector.broadcast %broadcast_in_dim3A : vector<8x1xf32> to vector<8x2048xf32>
      %sub3A_37 = arith.subf %slice3A, %sub3A : vector<8x2048xf32>
      %exp3A = math.exp %sub3A_37 : vector<8x2048xf32>
      %reduce_sum3A = arith.constant dense<0.000000e+00> : vector<8xf32>
      %reduce_sum3A_38 = vector.multi_reduction <add>, %exp3A, %reduce_sum3A [1] : vector<8x2048xf32> to vector<8xf32>
      %broadcast_in_dim3A_39 = vector.shape_cast %reduce_sum3A_38 : vector<8xf32> to vector<8x1xf32>
      %log3A_40 = math.log %broadcast_in_dim3A_39 : vector<8x1xf32>
      %add3A = arith.addf %log3A_40, %broadcast_in_dim3A : vector<8x1xf32>
      %sub3A_41 = vector.broadcast %add3A : vector<8x1xf32> to vector<8x2048xf32>
      %sub3A_42 = arith.subf %slice3A, %sub3A_41 : vector<8x2048xf32>
      %reduce_max3A_43 = arith.constant dense<0xFF800000> : vector<8xf32>
      %reduce_max3A_44 = vector.multi_reduction <maximumf>, %slice3A_35, %reduce_max3A_43 [1] : vector<8x2048xf32> to vector<8xf32>
      %broadcast_in_dim3A_45 = vector.shape_cast %reduce_max3A_44 : vector<8xf32> to vector<8x1xf32>
      %sub3A_46 = vector.broadcast %broadcast_in_dim3A_45 : vector<8x1xf32> to vector<8x2048xf32>
      %sub3A_47 = arith.subf %slice3A_35, %sub3A_46 : vector<8x2048xf32>
      %exp3A_48 = math.exp %sub3A_47 : vector<8x2048xf32>
      %reduce_sum3A_49 = arith.constant dense<0.000000e+00> : vector<8xf32>
      %reduce_sum3A_50 = vector.multi_reduction <add>, %exp3A_48, %reduce_sum3A_49 [1] : vector<8x2048xf32> to vector<8xf32>
      %broadcast_in_dim3A_51 = vector.shape_cast %reduce_sum3A_50 : vector<8xf32> to vector<8x1xf32>
      %log3A_52 = math.log %broadcast_in_dim3A_51 : vector<8x1xf32>
      %add3A_53 = arith.addf %log3A_52, %broadcast_in_dim3A_45 : vector<8x1xf32>
      %sub3A_54 = vector.broadcast %add3A_53 : vector<8x1xf32> to vector<8x2048xf32>
      %sub3A_55 = arith.subf %slice3A_35, %sub3A_54 : vector<8x2048xf32>
      %concatenate3A_56 = tpu.concatenate %sub3A_42, %sub3A_55 in 1 : vector<8x2048xf32>, vector<8x2048xf32> -> vector<8x4096xf32>
      %reduce_max3A_57 = arith.constant dense<0xFF800000> : vector<4096xf32>
      %reduce_max3A_58 = vector.multi_reduction <maximumf>, %concatenate3A_56, %reduce_max3A_57 [0] : vector<8x4096xf32> to vector<4096xf32>
      %broadcast_in_dim3A_59 = vector.shape_cast %reduce_max3A_58 : vector<4096xf32> to vector<1x4096xf32>
      %sub3A_60 = vector.broadcast %broadcast_in_dim3A_59 : vector<1x4096xf32> to vector<8x4096xf32>
      %sub3A_61 = arith.subf %concatenate3A_56, %sub3A_60 : vector<8x4096xf32>
      %exp3A_62 = math.exp %sub3A_61 : vector<8x4096xf32>
      %reduce_sum3A_63 = arith.constant dense<0.000000e+00> : vector<4096xf32>
      %reduce_sum3A_64 = vector.multi_reduction <add>, %exp3A_62, %reduce_sum3A_63 [0] : vector<8x4096xf32> to vector<4096xf32>
      %broadcast_in_dim3A_65 = vector.shape_cast %reduce_sum3A_64 : vector<4096xf32> to vector<1x4096xf32>
      %log3A_66 = math.log %broadcast_in_dim3A_65 : vector<1x4096xf32>
      %add3A_67 = arith.addf %log3A_66, %broadcast_in_dim3A_59 : vector<1x4096xf32>
      %sub3A_68 = vector.broadcast %add3A_67 : vector<1x4096xf32> to vector<8x4096xf32>
      %sub3A_69 = arith.subf %concatenate3A_56, %sub3A_68 : vector<8x4096xf32>
      %slice3A_70 = vector.extract_strided_slice %sub3A_69 {offsets = [0, 0], sizes = [8, 2048], strides = [1, 1]} : vector<8x4096xf32> to vector<8x2048xf32>
      %slice3A_71 = vector.extract_strided_slice %sub3A_69 {offsets = [0, 2048], sizes = [8, 2048], strides = [1, 1]} : vector<8x4096xf32> to vector<8x2048xf32>
      %reduce_max3A_72 = arith.constant dense<0xFF800000> : vector<8xf32>
      %reduce_max3A_73 = vector.multi_reduction <maximumf>, %slice3A_70, %reduce_max3A_72 [1] : vector<8x2048xf32> to vector<8xf32>
      %broadcast_in_dim3A_74 = vector.shape_cast %reduce_max3A_73 : vector<8xf32> to vector<8x1xf32>
      %sub3A_75 = vector.broadcast %broadcast_in_dim3A_74 : vector<8x1xf32> to vector<8x2048xf32>
      %sub3A_76 = arith.subf %slice3A_70, %sub3A_75 : vector<8x2048xf32>
      %exp3A_77 = math.exp %sub3A_76 : vector<8x2048xf32>
      %reduce_sum3A_78 = arith.constant dense<0.000000e+00> : vector<8xf32>
      %reduce_sum3A_79 = vector.multi_reduction <add>, %exp3A_77, %reduce_sum3A_78 [1] : vector<8x2048xf32> to vector<8xf32>
      %broadcast_in_dim3A_80 = vector.shape_cast %reduce_sum3A_79 : vector<8xf32> to vector<8x1xf32>
      %log3A_81 = math.log %broadcast_in_dim3A_80 : vector<8x1xf32>
      %add3A_82 = arith.addf %log3A_81, %broadcast_in_dim3A_74 : vector<8x1xf32>
      %sub3A_83 = vector.broadcast %add3A_82 : vector<8x1xf32> to vector<8x2048xf32>
      %sub3A_84 = arith.subf %slice3A_70, %sub3A_83 : vector<8x2048xf32>
      %reduce_max3A_85 = arith.constant dense<0xFF800000> : vector<8xf32>
      %reduce_max3A_86 = vector.multi_reduction <maximumf>, %slice3A_71, %reduce_max3A_85 [1] : vector<8x2048xf32> to vector<8xf32>
      %broadcast_in_dim3A_87 = vector.shape_cast %reduce_max3A_86 : vector<8xf32> to vector<8x1xf32>
      %sub3A_88 = vector.broadcast %broadcast_in_dim3A_87 : vector<8x1xf32> to vector<8x2048xf32>
      %sub3A_89 = arith.subf %slice3A_71, %sub3A_88 : vector<8x2048xf32>
      %exp3A_90 = math.exp %sub3A_89 : vector<8x2048xf32>
      %reduce_sum3A_91 = arith.constant dense<0.000000e+00> : vector<8xf32>
      %reduce_sum3A_92 = vector.multi_reduction <add>, %exp3A_90, %reduce_sum3A_91 [1] : vector<8x2048xf32> to vector<8xf32>
      %broadcast_in_dim3A_93 = vector.shape_cast %reduce_sum3A_92 : vector<8xf32> to vector<8x1xf32>
      %log3A_94 = math.log %broadcast_in_dim3A_93 : vector<8x1xf32>
      %add3A_95 = arith.addf %log3A_94, %broadcast_in_dim3A_87 : vector<8x1xf32>
      %sub3A_96 = vector.broadcast %add3A_95 : vector<8x1xf32> to vector<8x2048xf32>
      %sub3A_97 = arith.subf %slice3A_71, %sub3A_96 : vector<8x2048xf32>
      %concatenate3A_98 = tpu.concatenate %sub3A_84, %sub3A_97 in 1 : vector<8x2048xf32>, vector<8x2048xf32> -> vector<8x4096xf32>
      %reduce_max3A_99 = arith.constant dense<0xFF800000> : vector<4096xf32>
      %reduce_max3A_100 = vector.multi_reduction <maximumf>, %concatenate3A_98, %reduce_max3A_99 [0] : vector<8x4096xf32> to vector<4096xf32>
      %broadcast_in_dim3A_101 = vector.shape_cast %reduce_max3A_100 : vector<4096xf32> to vector<1x4096xf32>
      %sub3A_102 = vector.broadcast %broadcast_in_dim3A_101 : vector<1x4096xf32> to vector<8x4096xf32>
      %sub3A_103 = arith.subf %concatenate3A_98, %sub3A_102 : vector<8x4096xf32>
      %exp3A_104 = math.exp %sub3A_103 : vector<8x4096xf32>
      %reduce_sum3A_105 = arith.constant dense<0.000000e+00> : vector<4096xf32>
      %reduce_sum3A_106 = vector.multi_reduction <add>, %exp3A_104, %reduce_sum3A_105 [0] : vector<8x4096xf32> to vector<4096xf32>
      %broadcast_in_dim3A_107 = vector.shape_cast %reduce_sum3A_106 : vector<4096xf32> to vector<1x4096xf32>
      %log3A_108 = math.log %broadcast_in_dim3A_107 : vector<1x4096xf32>
      %add3A_109 = arith.addf %log3A_108, %broadcast_in_dim3A_101 : vector<1x4096xf32>
      %sub3A_110 = vector.broadcast %add3A_109 : vector<1x4096xf32> to vector<8x4096xf32>
      %sub3A_111 = arith.subf %concatenate3A_98, %sub3A_110 : vector<8x4096xf32>
      %slice3A_112 = vector.extract_strided_slice %sub3A_111 {offsets = [0, 0], sizes = [8, 2048], strides = [1, 1]} : vector<8x4096xf32> to vector<8x2048xf32>
      %slice3A_113 = vector.extract_strided_slice %sub3A_111 {offsets = [0, 2048], sizes = [8, 2048], strides = [1, 1]} : vector<8x4096xf32> to vector<8x2048xf32>
      %reduce_max3A_114 = arith.constant dense<0xFF800000> : vector<8xf32>
      %reduce_max3A_115 = vector.multi_reduction <maximumf>, %slice3A_112, %reduce_max3A_114 [1] : vector<8x2048xf32> to vector<8xf32>
      %broadcast_in_dim3A_116 = vector.shape_cast %reduce_max3A_115 : vector<8xf32> to vector<8x1xf32>
      %sub3A_117 = vector.broadcast %broadcast_in_dim3A_116 : vector<8x1xf32> to vector<8x2048xf32>
      %sub3A_118 = arith.subf %slice3A_112, %sub3A_117 : vector<8x2048xf32>
      %exp3A_119 = math.exp %sub3A_118 : vector<8x2048xf32>
      %reduce_sum3A_120 = arith.constant dense<0.000000e+00> : vector<8xf32>
      %reduce_sum3A_121 = vector.multi_reduction <add>, %exp3A_119, %reduce_sum3A_120 [1] : vector<8x2048xf32> to vector<8xf32>
      %broadcast_in_dim3A_122 = vector.shape_cast %reduce_sum3A_121 : vector<8xf32> to vector<8x1xf32>
      %log3A_123 = math.log %broadcast_in_dim3A_122 : vector<8x1xf32>
      %add3A_124 = arith.addf %log3A_123, %broadcast_in_dim3A_116 : vector<8x1xf32>
      %sub3A_125 = vector.broadcast %add3A_124 : vector<8x1xf32> to vector<8x2048xf32>
      %sub3A_126 = arith.subf %slice3A_112, %sub3A_125 : vector<8x2048xf32>
      %reduce_max3A_127 = arith.constant dense<0xFF800000> : vector<8xf32>
      %reduce_max3A_128 = vector.multi_reduction <maximumf>, %slice3A_113, %reduce_max3A_127 [1] : vector<8x2048xf32> to vector<8xf32>
      %broadcast_in_dim3A_129 = vector.shape_cast %reduce_max3A_128 : vector<8xf32> to vector<8x1xf32>
      %sub3A_130 = vector.broadcast %broadcast_in_dim3A_129 : vector<8x1xf32> to vector<8x2048xf32>
      %sub3A_131 = arith.subf %slice3A_113, %sub3A_130 : vector<8x2048xf32>
      %exp3A_132 = math.exp %sub3A_131 : vector<8x2048xf32>
      %reduce_sum3A_133 = arith.constant dense<0.000000e+00> : vector<8xf32>
      %reduce_sum3A_134 = vector.multi_reduction <add>, %exp3A_132, %reduce_sum3A_133 [1] : vector<8x2048xf32> to vector<8xf32>
      %broadcast_in_dim3A_135 = vector.shape_cast %reduce_sum3A_134 : vector<8xf32> to vector<8x1xf32>
      %log3A_136 = math.log %broadcast_in_dim3A_135 : vector<8x1xf32>
      %add3A_137 = arith.addf %log3A_136, %broadcast_in_dim3A_129 : vector<8x1xf32>
      %sub3A_138 = vector.broadcast %add3A_137 : vector<8x1xf32> to vector<8x2048xf32>
      %sub3A_139 = arith.subf %slice3A_113, %sub3A_138 : vector<8x2048xf32>
      %concatenate3A_140 = tpu.concatenate %sub3A_126, %sub3A_139 in 1 : vector<8x2048xf32>, vector<8x2048xf32> -> vector<8x4096xf32>
      %reduce_max3A_141 = arith.constant dense<0xFF800000> : vector<4096xf32>
      %reduce_max3A_142 = vector.multi_reduction <maximumf>, %concatenate3A_140, %reduce_max3A_141 [0] : vector<8x4096xf32> to vector<4096xf32>
      %broadcast_in_dim3A_143 = vector.shape_cast %reduce_max3A_142 : vector<4096xf32> to vector<1x4096xf32>
      %sub3A_144 = vector.broadcast %broadcast_in_dim3A_143 : vector<1x4096xf32> to vector<8x4096xf32>
      %sub3A_145 = arith.subf %concatenate3A_140, %sub3A_144 : vector<8x4096xf32>
      %exp3A_146 = math.exp %sub3A_145 : vector<8x4096xf32>
      %reduce_sum3A_147 = arith.constant dense<0.000000e+00> : vector<4096xf32>
      %reduce_sum3A_148 = vector.multi_reduction <add>, %exp3A_146, %reduce_sum3A_147 [0] : vector<8x4096xf32> to vector<4096xf32>
      %broadcast_in_dim3A_149 = vector.shape_cast %reduce_sum3A_148 : vector<4096xf32> to vector<1x4096xf32>
      %log3A_150 = math.log %broadcast_in_dim3A_149 : vector<1x4096xf32>
      %add3A_151 = arith.addf %log3A_150, %broadcast_in_dim3A_143 : vector<1x4096xf32>
      %sub3A_152 = vector.broadcast %add3A_151 : vector<1x4096xf32> to vector<8x4096xf32>
      %sub3A_153 = arith.subf %concatenate3A_140, %sub3A_152 : vector<8x4096xf32>
      %slice3A_154 = vector.extract_strided_slice %sub3A_153 {offsets = [0, 0], sizes = [8, 2048], strides = [1, 1]} : vector<8x4096xf32> to vector<8x2048xf32>
      %slice3A_155 = vector.extract_strided_slice %sub3A_153 {offsets = [0, 2048], sizes = [8, 2048], strides = [1, 1]} : vector<8x4096xf32> to vector<8x2048xf32>
      %reduce_max3A_156 = arith.constant dense<0xFF800000> : vector<8xf32>
      %reduce_max3A_157 = vector.multi_reduction <maximumf>, %slice3A_154, %reduce_max3A_156 [1] : vector<8x2048xf32> to vector<8xf32>
      %broadcast_in_dim3A_158 = vector.shape_cast %reduce_max3A_157 : vector<8xf32> to vector<8x1xf32>
      %sub3A_159 = vector.broadcast %broadcast_in_dim3A_158 : vector<8x1xf32> to vector<8x2048xf32>
      %sub3A_160 = arith.subf %slice3A_154, %sub3A_159 : vector<8x2048xf32>
      %exp3A_161 = math.exp %sub3A_160 : vector<8x2048xf32>
      %reduce_sum3A_162 = arith.constant dense<0.000000e+00> : vector<8xf32>
      %reduce_sum3A_163 = vector.multi_reduction <add>, %exp3A_161, %reduce_sum3A_162 [1] : vector<8x2048xf32> to vector<8xf32>
      %broadcast_in_dim3A_164 = vector.shape_cast %reduce_sum3A_163 : vector<8xf32> to vector<8x1xf32>
      %log3A_165 = math.log %broadcast_in_dim3A_164 : vector<8x1xf32>
      %add3A_166 = arith.addf %log3A_165, %broadcast_in_dim3A_158 : vector<8x1xf32>
      %sub3A_167 = vector.broadcast %add3A_166 : vector<8x1xf32> to vector<8x2048xf32>
      %sub3A_168 = arith.subf %slice3A_154, %sub3A_167 : vector<8x2048xf32>
      %reduce_max3A_169 = arith.constant dense<0xFF800000> : vector<8xf32>
      %reduce_max3A_170 = vector.multi_reduction <maximumf>, %slice3A_155, %reduce_max3A_169 [1] : vector<8x2048xf32> to vector<8xf32>
      %broadcast_in_dim3A_171 = vector.shape_cast %reduce_max3A_170 : vector<8xf32> to vector<8x1xf32>
      %sub3A_172 = vector.broadcast %broadcast_in_dim3A_171 : vector<8x1xf32> to vector<8x2048xf32>
      %sub3A_173 = arith.subf %slice3A_155, %sub3A_172 : vector<8x2048xf32>
      %exp3A_174 = math.exp %sub3A_173 : vector<8x2048xf32>
      %reduce_sum3A_175 = arith.constant dense<0.000000e+00> : vector<8xf32>
      %reduce_sum3A_176 = vector.multi_reduction <add>, %exp3A_174, %reduce_sum3A_175 [1] : vector<8x2048xf32> to vector<8xf32>
      %broadcast_in_dim3A_177 = vector.shape_cast %reduce_sum3A_176 : vector<8xf32> to vector<8x1xf32>
      %log3A_178 = math.log %broadcast_in_dim3A_177 : vector<8x1xf32>
      %add3A_179 = arith.addf %log3A_178, %broadcast_in_dim3A_171 : vector<8x1xf32>
      %sub3A_180 = vector.broadcast %add3A_179 : vector<8x1xf32> to vector<8x2048xf32>
      %sub3A_181 = arith.subf %slice3A_155, %sub3A_180 : vector<8x2048xf32>
      %concatenate3A_182 = tpu.concatenate %sub3A_168, %sub3A_181 in 1 : vector<8x2048xf32>, vector<8x2048xf32> -> vector<8x4096xf32>
      %reduce_max3A_183 = arith.constant dense<0xFF800000> : vector<4096xf32>
      %reduce_max3A_184 = vector.multi_reduction <maximumf>, %concatenate3A_182, %reduce_max3A_183 [0] : vector<8x4096xf32> to vector<4096xf32>
      %broadcast_in_dim3A_185 = vector.shape_cast %reduce_max3A_184 : vector<4096xf32> to vector<1x4096xf32>
      %sub3A_186 = vector.broadcast %broadcast_in_dim3A_185 : vector<1x4096xf32> to vector<8x4096xf32>
      %sub3A_187 = arith.subf %concatenate3A_182, %sub3A_186 : vector<8x4096xf32>
      %exp3A_188 = math.exp %sub3A_187 : vector<8x4096xf32>
      %reduce_sum3A_189 = arith.constant dense<0.000000e+00> : vector<4096xf32>
      %reduce_sum3A_190 = vector.multi_reduction <add>, %exp3A_188, %reduce_sum3A_189 [0] : vector<8x4096xf32> to vector<4096xf32>
      %broadcast_in_dim3A_191 = vector.shape_cast %reduce_sum3A_190 : vector<4096xf32> to vector<1x4096xf32>
      %log3A_192 = math.log %broadcast_in_dim3A_191 : vector<1x4096xf32>
      %add3A_193 = arith.addf %log3A_192, %broadcast_in_dim3A_185 : vector<1x4096xf32>
      %sub3A_194 = vector.broadcast %add3A_193 : vector<1x4096xf32> to vector<8x4096xf32>
      %sub3A_195 = arith.subf %concatenate3A_182, %sub3A_194 : vector<8x4096xf32>
      %slice3A_196 = vector.extract_strided_slice %sub3A_195 {offsets = [0, 0], sizes = [8, 2048], strides = [1, 1]} : vector<8x4096xf32> to vector<8x2048xf32>
      %slice3A_197 = vector.extract_strided_slice %sub3A_195 {offsets = [0, 2048], sizes = [8, 2048], strides = [1, 1]} : vector<8x4096xf32> to vector<8x2048xf32>
      %reduce_max3A_198 = arith.constant dense<0xFF800000> : vector<8xf32>
      %reduce_max3A_199 = vector.multi_reduction <maximumf>, %slice3A_196, %reduce_max3A_198 [1] : vector<8x2048xf32> to vector<8xf32>
      %broadcast_in_dim3A_200 = vector.shape_cast %reduce_max3A_199 : vector<8xf32> to vector<8x1xf32>
      %sub3A_201 = vector.broadcast %broadcast_in_dim3A_200 : vector<8x1xf32> to vector<8x2048xf32>
      %sub3A_202 = arith.subf %slice3A_196, %sub3A_201 : vector<8x2048xf32>
      %exp3A_203 = math.exp %sub3A_202 : vector<8x2048xf32>
      %reduce_sum3A_204 = arith.constant dense<0.000000e+00> : vector<8xf32>
      %reduce_sum3A_205 = vector.multi_reduction <add>, %exp3A_203, %reduce_sum3A_204 [1] : vector<8x2048xf32> to vector<8xf32>
      %broadcast_in_dim3A_206 = vector.shape_cast %reduce_sum3A_205 : vector<8xf32> to vector<8x1xf32>
      %log3A_207 = math.log %broadcast_in_dim3A_206 : vector<8x1xf32>
      %add3A_208 = arith.addf %log3A_207, %broadcast_in_dim3A_200 : vector<8x1xf32>
      %sub3A_209 = vector.broadcast %add3A_208 : vector<8x1xf32> to vector<8x2048xf32>
      %sub3A_210 = arith.subf %slice3A_196, %sub3A_209 : vector<8x2048xf32>
      %reduce_max3A_211 = arith.constant dense<0xFF800000> : vector<8xf32>
      %reduce_max3A_212 = vector.multi_reduction <maximumf>, %slice3A_197, %reduce_max3A_211 [1] : vector<8x2048xf32> to vector<8xf32>
      %broadcast_in_dim3A_213 = vector.shape_cast %reduce_max3A_212 : vector<8xf32> to vector<8x1xf32>
      %sub3A_214 = vector.broadcast %broadcast_in_dim3A_213 : vector<8x1xf32> to vector<8x2048xf32>
      %sub3A_215 = arith.subf %slice3A_197, %sub3A_214 : vector<8x2048xf32>
      %exp3A_216 = math.exp %sub3A_215 : vector<8x2048xf32>
      %reduce_sum3A_217 = arith.constant dense<0.000000e+00> : vector<8xf32>
      %reduce_sum3A_218 = vector.multi_reduction <add>, %exp3A_216, %reduce_sum3A_217 [1] : vector<8x2048xf32> to vector<8xf32>
      %broadcast_in_dim3A_219 = vector.shape_cast %reduce_sum3A_218 : vector<8xf32> to vector<8x1xf32>
      %log3A_220 = math.log %broadcast_in_dim3A_219 : vector<8x1xf32>
      %add3A_221 = arith.addf %log3A_220, %broadcast_in_dim3A_213 : vector<8x1xf32>
      %sub3A_222 = vector.broadcast %add3A_221 : vector<8x1xf32> to vector<8x2048xf32>
      %sub3A_223 = arith.subf %slice3A_197, %sub3A_222 : vector<8x2048xf32>
      %concatenate3A_224 = tpu.concatenate %sub3A_210, %sub3A_223 in 1 : vector<8x2048xf32>, vector<8x2048xf32> -> vector<8x4096xf32>
      %reduce_max3A_225 = arith.constant dense<0xFF800000> : vector<4096xf32>
      %reduce_max3A_226 = vector.multi_reduction <maximumf>, %concatenate3A_224, %reduce_max3A_225 [0] : vector<8x4096xf32> to vector<4096xf32>
      %broadcast_in_dim3A_227 = vector.shape_cast %reduce_max3A_226 : vector<4096xf32> to vector<1x4096xf32>
      %sub3A_228 = vector.broadcast %broadcast_in_dim3A_227 : vector<1x4096xf32> to vector<8x4096xf32>
      %sub3A_229 = arith.subf %concatenate3A_224, %sub3A_228 : vector<8x4096xf32>
      %exp3A_230 = math.exp %sub3A_229 : vector<8x4096xf32>
      %reduce_sum3A_231 = arith.constant dense<0.000000e+00> : vector<4096xf32>
      %reduce_sum3A_232 = vector.multi_reduction <add>, %exp3A_230, %reduce_sum3A_231 [0] : vector<8x4096xf32> to vector<4096xf32>
      %broadcast_in_dim3A_233 = vector.shape_cast %reduce_sum3A_232 : vector<4096xf32> to vector<1x4096xf32>
      %log3A_234 = math.log %broadcast_in_dim3A_233 : vector<1x4096xf32>
      %add3A_235 = arith.addf %log3A_234, %broadcast_in_dim3A_227 : vector<1x4096xf32>
      %sub3A_236 = vector.broadcast %add3A_235 : vector<1x4096xf32> to vector<8x4096xf32>
      %sub3A_237 = arith.subf %concatenate3A_224, %sub3A_236 : vector<8x4096xf32>
      %slice3A_238 = vector.extract_strided_slice %sub3A_237 {offsets = [0, 0], sizes = [8, 2048], strides = [1, 1]} : vector<8x4096xf32> to vector<8x2048xf32>
      %slice3A_239 = vector.extract_strided_slice %sub3A_237 {offsets = [0, 2048], sizes = [8, 2048], strides = [1, 1]} : vector<8x4096xf32> to vector<8x2048xf32>
      %reduce_max3A_240 = arith.constant dense<0xFF800000> : vector<8xf32>
      %reduce_max3A_241 = vector.multi_reduction <maximumf>, %slice3A_238, %reduce_max3A_240 [1] : vector<8x2048xf32> to vector<8xf32>
      %broadcast_in_dim3A_242 = vector.shape_cast %reduce_max3A_241 : vector<8xf32> to vector<8x1xf32>
      %sub3A_243 = vector.broadcast %broadcast_in_dim3A_242 : vector<8x1xf32> to vector<8x2048xf32>
      %sub3A_244 = arith.subf %slice3A_238, %sub3A_243 : vector<8x2048xf32>
      %exp3A_245 = math.exp %sub3A_244 : vector<8x2048xf32>
      %reduce_sum3A_246 = arith.constant dense<0.000000e+00> : vector<8xf32>
      %reduce_sum3A_247 = vector.multi_reduction <add>, %exp3A_245, %reduce_sum3A_246 [1] : vector<8x2048xf32> to vector<8xf32>
      %broadcast_in_dim3A_248 = vector.shape_cast %reduce_sum3A_247 : vector<8xf32> to vector<8x1xf32>
      %log3A_249 = math.log %broadcast_in_dim3A_248 : vector<8x1xf32>
      %add3A_250 = arith.addf %log3A_249, %broadcast_in_dim3A_242 : vector<8x1xf32>
      %sub3A_251 = vector.broadcast %add3A_250 : vector<8x1xf32> to vector<8x2048xf32>
      %sub3A_252 = arith.subf %slice3A_238, %sub3A_251 : vector<8x2048xf32>
      %reduce_max3A_253 = arith.constant dense<0xFF800000> : vector<8xf32>
      %reduce_max3A_254 = vector.multi_reduction <maximumf>, %slice3A_239, %reduce_max3A_253 [1] : vector<8x2048xf32> to vector<8xf32>
      %broadcast_in_dim3A_255 = vector.shape_cast %reduce_max3A_254 : vector<8xf32> to vector<8x1xf32>
      %sub3A_256 = vector.broadcast %broadcast_in_dim3A_255 : vector<8x1xf32> to vector<8x2048xf32>
      %sub3A_257 = arith.subf %slice3A_239, %sub3A_256 : vector<8x2048xf32>
      %exp3A_258 = math.exp %sub3A_257 : vector<8x2048xf32>
      %reduce_sum3A_259 = arith.constant dense<0.000000e+00> : vector<8xf32>
      %reduce_sum3A_260 = vector.multi_reduction <add>, %exp3A_258, %reduce_sum3A_259 [1] : vector<8x2048xf32> to vector<8xf32>
      %broadcast_in_dim3A_261 = vector.shape_cast %reduce_sum3A_260 : vector<8xf32> to vector<8x1xf32>
      %log3A_262 = math.log %broadcast_in_dim3A_261 : vector<8x1xf32>
      %add3A_263 = arith.addf %log3A_262, %broadcast_in_dim3A_255 : vector<8x1xf32>
      %sub3A_264 = vector.broadcast %add3A_263 : vector<8x1xf32> to vector<8x2048xf32>
      %sub3A_265 = arith.subf %slice3A_239, %sub3A_264 : vector<8x2048xf32>
      %concatenate3A_266 = tpu.concatenate %sub3A_252, %sub3A_265 in 1 : vector<8x2048xf32>, vector<8x2048xf32> -> vector<8x4096xf32>
      %reduce_max3A_267 = arith.constant dense<0xFF800000> : vector<4096xf32>
      %reduce_max3A_268 = vector.multi_reduction <maximumf>, %concatenate3A_266, %reduce_max3A_267 [0] : vector<8x4096xf32> to vector<4096xf32>
      %broadcast_in_dim3A_269 = vector.shape_cast %reduce_max3A_268 : vector<4096xf32> to vector<1x4096xf32>
      %sub3A_270 = vector.broadcast %broadcast_in_dim3A_269 : vector<1x4096xf32> to vector<8x4096xf32>
      %sub3A_271 = arith.subf %concatenate3A_266, %sub3A_270 : vector<8x4096xf32>
      %exp3A_272 = math.exp %sub3A_271 : vector<8x4096xf32>
      %reduce_sum3A_273 = arith.constant dense<0.000000e+00> : vector<4096xf32>
      %reduce_sum3A_274 = vector.multi_reduction <add>, %exp3A_272, %reduce_sum3A_273 [0] : vector<8x4096xf32> to vector<4096xf32>
      %broadcast_in_dim3A_275 = vector.shape_cast %reduce_sum3A_274 : vector<4096xf32> to vector<1x4096xf32>
      %log3A_276 = math.log %broadcast_in_dim3A_275 : vector<1x4096xf32>
      %add3A_277 = arith.addf %log3A_276, %broadcast_in_dim3A_269 : vector<1x4096xf32>
      %sub3A_278 = vector.broadcast %add3A_277 : vector<1x4096xf32> to vector<8x4096xf32>
      %sub3A_279 = arith.subf %concatenate3A_266, %sub3A_278 : vector<8x4096xf32>
      %slice3A_280 = vector.extract_strided_slice %sub3A_279 {offsets = [0, 0], sizes = [8, 2048], strides = [1, 1]} : vector<8x4096xf32> to vector<8x2048xf32>
      %slice3A_281 = vector.extract_strided_slice %sub3A_279 {offsets = [0, 2048], sizes = [8, 2048], strides = [1, 1]} : vector<8x4096xf32> to vector<8x2048xf32>
      %reduce_max3A_282 = arith.constant dense<0xFF800000> : vector<8xf32>
      %reduce_max3A_283 = vector.multi_reduction <maximumf>, %slice3A_280, %reduce_max3A_282 [1] : vector<8x2048xf32> to vector<8xf32>
      %broadcast_in_dim3A_284 = vector.shape_cast %reduce_max3A_283 : vector<8xf32> to vector<8x1xf32>
      %sub3A_285 = vector.broadcast %broadcast_in_dim3A_284 : vector<8x1xf32> to vector<8x2048xf32>
      %sub3A_286 = arith.subf %slice3A_280, %sub3A_285 : vector<8x2048xf32>
      %exp3A_287 = math.exp %sub3A_286 : vector<8x2048xf32>
      %reduce_sum3A_288 = arith.constant dense<0.000000e+00> : vector<8xf32>
      %reduce_sum3A_289 = vector.multi_reduction <add>, %exp3A_287, %reduce_sum3A_288 [1] : vector<8x2048xf32> to vector<8xf32>
      %broadcast_in_dim3A_290 = vector.shape_cast %reduce_sum3A_289 : vector<8xf32> to vector<8x1xf32>
      %log3A_291 = math.log %broadcast_in_dim3A_290 : vector<8x1xf32>
      %add3A_292 = arith.addf %log3A_291, %broadcast_in_dim3A_284 : vector<8x1xf32>
      %sub3A_293 = vector.broadcast %add3A_292 : vector<8x1xf32> to vector<8x2048xf32>
      %sub3A_294 = arith.subf %slice3A_280, %sub3A_293 : vector<8x2048xf32>
      %reduce_max3A_295 = arith.constant dense<0xFF800000> : vector<8xf32>
      %reduce_max3A_296 = vector.multi_reduction <maximumf>, %slice3A_281, %reduce_max3A_295 [1] : vector<8x2048xf32> to vector<8xf32>
      %broadcast_in_dim3A_297 = vector.shape_cast %reduce_max3A_296 : vector<8xf32> to vector<8x1xf32>
      %sub3A_298 = vector.broadcast %broadcast_in_dim3A_297 : vector<8x1xf32> to vector<8x2048xf32>
      %sub3A_299 = arith.subf %slice3A_281, %sub3A_298 : vector<8x2048xf32>
      %exp3A_300 = math.exp %sub3A_299 : vector<8x2048xf32>
      %reduce_sum3A_301 = arith.constant dense<0.000000e+00> : vector<8xf32>
      %reduce_sum3A_302 = vector.multi_reduction <add>, %exp3A_300, %reduce_sum3A_301 [1] : vector<8x2048xf32> to vector<8xf32>
      %broadcast_in_dim3A_303 = vector.shape_cast %reduce_sum3A_302 : vector<8xf32> to vector<8x1xf32>
      %log3A_304 = math.log %broadcast_in_dim3A_303 : vector<8x1xf32>
      %add3A_305 = arith.addf %log3A_304, %broadcast_in_dim3A_297 : vector<8x1xf32>
      %sub3A_306 = vector.broadcast %add3A_305 : vector<8x1xf32> to vector<8x2048xf32>
      %sub3A_307 = arith.subf %slice3A_281, %sub3A_306 : vector<8x2048xf32>
      %concatenate3A_308 = tpu.concatenate %sub3A_294, %sub3A_307 in 1 : vector<8x2048xf32>, vector<8x2048xf32> -> vector<8x4096xf32>
      %reduce_max3A_309 = arith.constant dense<0xFF800000> : vector<4096xf32>
      %reduce_max3A_310 = vector.multi_reduction <maximumf>, %concatenate3A_308, %reduce_max3A_309 [0] : vector<8x4096xf32> to vector<4096xf32>
      %broadcast_in_dim3A_311 = vector.shape_cast %reduce_max3A_310 : vector<4096xf32> to vector<1x4096xf32>
      %sub3A_312 = vector.broadcast %broadcast_in_dim3A_311 : vector<1x4096xf32> to vector<8x4096xf32>
      %sub3A_313 = arith.subf %concatenate3A_308, %sub3A_312 : vector<8x4096xf32>
      %exp3A_314 = math.exp %sub3A_313 : vector<8x4096xf32>
      %reduce_sum3A_315 = arith.constant dense<0.000000e+00> : vector<4096xf32>
      %reduce_sum3A_316 = vector.multi_reduction <add>, %exp3A_314, %reduce_sum3A_315 [0] : vector<8x4096xf32> to vector<4096xf32>
      %broadcast_in_dim3A_317 = vector.shape_cast %reduce_sum3A_316 : vector<4096xf32> to vector<1x4096xf32>
      %log3A_318 = math.log %broadcast_in_dim3A_317 : vector<1x4096xf32>
      %add3A_319 = arith.addf %log3A_318, %broadcast_in_dim3A_311 : vector<1x4096xf32>
      %sub3A_320 = vector.broadcast %add3A_319 : vector<1x4096xf32> to vector<8x4096xf32>
      %sub3A_321 = arith.subf %concatenate3A_308, %sub3A_320 : vector<8x4096xf32>
      %slice3A_322 = vector.extract_strided_slice %sub3A_321 {offsets = [0, 0], sizes = [8, 2048], strides = [1, 1]} : vector<8x4096xf32> to vector<8x2048xf32>
      %slice3A_323 = vector.extract_strided_slice %sub3A_321 {offsets = [0, 2048], sizes = [8, 2048], strides = [1, 1]} : vector<8x4096xf32> to vector<8x2048xf32>
      %reduce_max3A_324 = arith.constant dense<0xFF800000> : vector<8xf32>
      %reduce_max3A_325 = vector.multi_reduction <maximumf>, %slice3A_322, %reduce_max3A_324 [1] : vector<8x2048xf32> to vector<8xf32>
      %broadcast_in_dim3A_326 = vector.shape_cast %reduce_max3A_325 : vector<8xf32> to vector<8x1xf32>
      %sub3A_327 = vector.broadcast %broadcast_in_dim3A_326 : vector<8x1xf32> to vector<8x2048xf32>
      %sub3A_328 = arith.subf %slice3A_322, %sub3A_327 : vector<8x2048xf32>
      %exp3A_329 = math.exp %sub3A_328 : vector<8x2048xf32>
      %reduce_sum3A_330 = arith.constant dense<0.000000e+00> : vector<8xf32>
      %reduce_sum3A_331 = vector.multi_reduction <add>, %exp3A_329, %reduce_sum3A_330 [1] : vector<8x2048xf32> to vector<8xf32>
      %broadcast_in_dim3A_332 = vector.shape_cast %reduce_sum3A_331 : vector<8xf32> to vector<8x1xf32>
      %log3A_333 = math.log %broadcast_in_dim3A_332 : vector<8x1xf32>
      %add3A_334 = arith.addf %log3A_333, %broadcast_in_dim3A_326 : vector<8x1xf32>
      %sub3A_335 = vector.broadcast %add3A_334 : vector<8x1xf32> to vector<8x2048xf32>
      %sub3A_336 = arith.subf %slice3A_322, %sub3A_335 : vector<8x2048xf32>
      %reduce_max3A_337 = arith.constant dense<0xFF800000> : vector<8xf32>
      %reduce_max3A_338 = vector.multi_reduction <maximumf>, %slice3A_323, %reduce_max3A_337 [1] : vector<8x2048xf32> to vector<8xf32>
      %broadcast_in_dim3A_339 = vector.shape_cast %reduce_max3A_338 : vector<8xf32> to vector<8x1xf32>
      %sub3A_340 = vector.broadcast %broadcast_in_dim3A_339 : vector<8x1xf32> to vector<8x2048xf32>
      %sub3A_341 = arith.subf %slice3A_323, %sub3A_340 : vector<8x2048xf32>
      %exp3A_342 = math.exp %sub3A_341 : vector<8x2048xf32>
      %reduce_sum3A_343 = arith.constant dense<0.000000e+00> : vector<8xf32>
      %reduce_sum3A_344 = vector.multi_reduction <add>, %exp3A_342, %reduce_sum3A_343 [1] : vector<8x2048xf32> to vector<8xf32>
      %broadcast_in_dim3A_345 = vector.shape_cast %reduce_sum3A_344 : vector<8xf32> to vector<8x1xf32>
      %log3A_346 = math.log %broadcast_in_dim3A_345 : vector<8x1xf32>
      %add3A_347 = arith.addf %log3A_346, %broadcast_in_dim3A_339 : vector<8x1xf32>
      %sub3A_348 = vector.broadcast %add3A_347 : vector<8x1xf32> to vector<8x2048xf32>
      %sub3A_349 = arith.subf %slice3A_323, %sub3A_348 : vector<8x2048xf32>
      %concatenate3A_350 = tpu.concatenate %sub3A_336, %sub3A_349 in 1 : vector<8x2048xf32>, vector<8x2048xf32> -> vector<8x4096xf32>
      %reduce_max3A_351 = arith.constant dense<0xFF800000> : vector<4096xf32>
      %reduce_max3A_352 = vector.multi_reduction <maximumf>, %concatenate3A_350, %reduce_max3A_351 [0] : vector<8x4096xf32> to vector<4096xf32>
      %broadcast_in_dim3A_353 = vector.shape_cast %reduce_max3A_352 : vector<4096xf32> to vector<1x4096xf32>
      %sub3A_354 = vector.broadcast %broadcast_in_dim3A_353 : vector<1x4096xf32> to vector<8x4096xf32>
      %sub3A_355 = arith.subf %concatenate3A_350, %sub3A_354 : vector<8x4096xf32>
      %exp3A_356 = math.exp %sub3A_355 : vector<8x4096xf32>
      %reduce_sum3A_357 = arith.constant dense<0.000000e+00> : vector<4096xf32>
      %reduce_sum3A_358 = vector.multi_reduction <add>, %exp3A_356, %reduce_sum3A_357 [0] : vector<8x4096xf32> to vector<4096xf32>
      %broadcast_in_dim3A_359 = vector.shape_cast %reduce_sum3A_358 : vector<4096xf32> to vector<1x4096xf32>
      %log3A_360 = math.log %broadcast_in_dim3A_359 : vector<1x4096xf32>
      %add3A_361 = arith.addf %log3A_360, %broadcast_in_dim3A_353 : vector<1x4096xf32>
      %sub3A_362 = vector.broadcast %add3A_361 : vector<1x4096xf32> to vector<8x4096xf32>
      %sub3A_363 = arith.subf %concatenate3A_350, %sub3A_362 : vector<8x4096xf32>
      %exp3A_364 = math.exp %sub3A_363 : vector<8x4096xf32>
      %slice3A_365 = vector.extract_strided_slice %exp3A_364 {offsets = [0, 0], sizes = [8, 2048], strides = [1, 1]} : vector<8x4096xf32> to vector<8x2048xf32>
      %slice3A_366 = vector.extract_strided_slice %exp3A_364 {offsets = [0, 2048], sizes = [8, 2048], strides = [1, 1]} : vector<8x4096xf32> to vector<8x2048xf32>
      %concatenate3A_367 = tpu.concatenate %slice3A_365, %slice3A_366 in 0 : vector<8x2048xf32>, vector<8x2048xf32> -> vector<16x2048xf32>
      %bitcast_convert_type3A = tpu.bitcast %concatenate3A_367 : vector<16x2048xf32> -> vector<16x2048xi32>
      %broadcast_in_dim3A_368 = arith.constant 0 : i32
      %broadcast_in_dim3A_369 = vector.broadcast %broadcast_in_dim3A_368 : i32 to vector<16x1xi32>
      %broadcast_in_dim3A_370 = arith.constant 2139095040 : i32
      %broadcast_in_dim3A_371 = vector.broadcast %broadcast_in_dim3A_370 : i32 to vector<16x1xi32>
      %sub3A_372 = arith.subi %broadcast_in_dim3A_371, %broadcast_in_dim3A_369 : vector<16x1xi32>
      %jit3A = arith.constant 2 : i32
      %div3A = vector.broadcast %jit3A : i32 to vector<16x1xi32>
      %div3A_373 = arith.divsi %sub3A_372, %div3A : vector<16x1xi32>
      %sign3A = arith.constant 0 : i32
      %sign3A_374 = vector.broadcast %sign3A : i32 to vector<16x1xi32>
      %sign3A_375 = arith.cmpi sgt, %sub3A_372, %sign3A_374 : vector<16x1xi32>
      %sign3A_376 = arith.extui %sign3A_375 : vector<16x1xi1> to vector<16x1xi32>
      %sign3A_377 = arith.constant 0 : i32
      %sign3A_378 = vector.broadcast %sign3A_377 : i32 to vector<16x1xi32>
      %sign3A_379 = arith.cmpi slt, %sub3A_372, %sign3A_378 : vector<16x1xi32>
      %sign3A_380 = arith.extui %sign3A_379 : vector<16x1xi1> to vector<16x1xi32>
      %sign3A_381 = arith.subi %sign3A_376, %sign3A_380 : vector<16x1xi32>
      %sign3A_382 = arith.constant 0 : i32
      %sign3A_383 = arith.cmpi sgt, %jit3A, %sign3A_382 : i32
      %sign3A_384 = arith.extui %sign3A_383 : i1 to i32
      %sign3A_385 = arith.constant 0 : i32
      %sign3A_386 = arith.cmpi slt, %jit3A, %sign3A_385 : i32
      %sign3A_387 = arith.extui %sign3A_386 : i1 to i32
      %sign3A_388 = arith.subi %sign3A_384, %sign3A_387 : i32
      %ne3A = vector.broadcast %sign3A_388 : i32 to vector<16x1xi32>
      %ne3A_389 = arith.cmpi ne, %sign3A_381, %ne3A : vector<16x1xi32>
      %rem3A = vector.broadcast %jit3A : i32 to vector<16x1xi32>
      %rem3A_390 = arith.remsi %sub3A_372, %rem3A : vector<16x1xi32>
      %ne3A_391 = arith.constant 0 : i32
      %ne3A_392 = vector.broadcast %ne3A_391 : i32 to vector<16x1xi32>
      %ne3A_393 = arith.cmpi ne, %rem3A_390, %ne3A_392 : vector<16x1xi32>
      %and3A = arith.andi %ne3A_389, %ne3A_393 : vector<16x1xi1>
      %sub3A_394 = arith.constant 1 : i32
      %sub3A_395 = vector.broadcast %sub3A_394 : i32 to vector<16x1xi32>
      %sub3A_396 = arith.subi %div3A_373, %sub3A_395 : vector<16x1xi32>
      %select_n3A = arith.select %and3A, %sub3A_396, %div3A_373 : vector<16x1xi1>, vector<16x1xi32>
      %add3A_397 = arith.addi %broadcast_in_dim3A_369, %select_n3A : vector<16x1xi32>
      %ge3A = vector.broadcast %add3A_397 : vector<16x1xi32> to vector<16x2048xi32>
      %ge3A_398 = arith.cmpi sge, %bitcast_convert_type3A, %ge3A : vector<16x2048xi32>
      %convert_element_type3A_399 = arith.extui %ge3A_398 : vector<16x2048xi1> to vector<16x2048xi32>
      %reduce_sum3A_400 = arith.constant dense<0> : vector<16xi32>
      %reduce_sum3A_401 = vector.multi_reduction <add>, %convert_element_type3A_399, %reduce_sum3A_400 [1] : vector<16x2048xi32> to vector<16xi32>
      %broadcast_in_dim3A_402 = vector.shape_cast %reduce_sum3A_401 : vector<16xi32> to vector<16x1xi32>
      %ge3A_403 = arith.constant 256 : i32
      %ge3A_404 = vector.broadcast %ge3A_403 : i32 to vector<16x1xi32>
      %ge3A_405 = arith.cmpi sge, %broadcast_in_dim3A_402, %ge3A_404 : vector<16x1xi32>
      %select_n3A_406 = arith.select %ge3A_405, %add3A_397, %broadcast_in_dim3A_369 : vector<16x1xi1>, vector<16x1xi32>
      %select_n3A_407 = arith.select %ge3A_405, %broadcast_in_dim3A_371, %add3A_397 : vector<16x1xi1>, vector<16x1xi32>
      %sub3A_408 = arith.subi %select_n3A_407, %select_n3A_406 : vector<16x1xi32>
      %jit3A_409 = arith.constant 2 : i32
      %div3A_410 = vector.broadcast %jit3A_409 : i32 to vector<16x1xi32>
      %div3A_411 = arith.divsi %sub3A_408, %div3A_410 : vector<16x1xi32>
      %sign3A_412 = arith.constant 0 : i32
      %sign3A_413 = vector.broadcast %sign3A_412 : i32 to vector<16x1xi32>
      %sign3A_414 = arith.cmpi sgt, %sub3A_408, %sign3A_413 : vector<16x1xi32>
      %sign3A_415 = arith.extui %sign3A_414 : vector<16x1xi1> to vector<16x1xi32>
      %sign3A_416 = arith.constant 0 : i32
      %sign3A_417 = vector.broadcast %sign3A_416 : i32 to vector<16x1xi32>
      %sign3A_418 = arith.cmpi slt, %sub3A_408, %sign3A_417 : vector<16x1xi32>
      %sign3A_419 = arith.extui %sign3A_418 : vector<16x1xi1> to vector<16x1xi32>
      %sign3A_420 = arith.subi %sign3A_415, %sign3A_419 : vector<16x1xi32>
      %sign3A_421 = arith.constant 0 : i32
      %sign3A_422 = arith.cmpi sgt, %jit3A_409, %sign3A_421 : i32
      %sign3A_423 = arith.extui %sign3A_422 : i1 to i32
      %sign3A_424 = arith.constant 0 : i32
      %sign3A_425 = arith.cmpi slt, %jit3A_409, %sign3A_424 : i32
      %sign3A_426 = arith.extui %sign3A_425 : i1 to i32
      %sign3A_427 = arith.subi %sign3A_423, %sign3A_426 : i32
      %ne3A_428 = vector.broadcast %sign3A_427 : i32 to vector<16x1xi32>
      %ne3A_429 = arith.cmpi ne, %sign3A_420, %ne3A_428 : vector<16x1xi32>
      %rem3A_430 = vector.broadcast %jit3A_409 : i32 to vector<16x1xi32>
      %rem3A_431 = arith.remsi %sub3A_408, %rem3A_430 : vector<16x1xi32>
      %ne3A_432 = arith.constant 0 : i32
      %ne3A_433 = vector.broadcast %ne3A_432 : i32 to vector<16x1xi32>
      %ne3A_434 = arith.cmpi ne, %rem3A_431, %ne3A_433 : vector<16x1xi32>
      %and3A_435 = arith.andi %ne3A_429, %ne3A_434 : vector<16x1xi1>
      %sub3A_436 = arith.constant 1 : i32
      %sub3A_437 = vector.broadcast %sub3A_436 : i32 to vector<16x1xi32>
      %sub3A_438 = arith.subi %div3A_411, %sub3A_437 : vector<16x1xi32>
      %select_n3A_439 = arith.select %and3A_435, %sub3A_438, %div3A_411 : vector<16x1xi1>, vector<16x1xi32>
      %add3A_440 = arith.addi %select_n3A_406, %select_n3A_439 : vector<16x1xi32>
      %ge3A_441 = vector.broadcast %add3A_440 : vector<16x1xi32> to vector<16x2048xi32>
      %ge3A_442 = arith.cmpi sge, %bitcast_convert_type3A, %ge3A_441 : vector<16x2048xi32>
      %convert_element_type3A_443 = arith.extui %ge3A_442 : vector<16x2048xi1> to vector<16x2048xi32>
      %reduce_sum3A_444 = arith.constant dense<0> : vector<16xi32>
      %reduce_sum3A_445 = vector.multi_reduction <add>, %convert_element_type3A_443, %reduce_sum3A_444 [1] : vector<16x2048xi32> to vector<16xi32>
      %broadcast_in_dim3A_446 = vector.shape_cast %reduce_sum3A_445 : vector<16xi32> to vector<16x1xi32>
      %ge3A_447 = arith.constant 256 : i32
      %ge3A_448 = vector.broadcast %ge3A_447 : i32 to vector<16x1xi32>
      %ge3A_449 = arith.cmpi sge, %broadcast_in_dim3A_446, %ge3A_448 : vector<16x1xi32>
      %select_n3A_450 = arith.select %ge3A_449, %add3A_440, %select_n3A_406 : vector<16x1xi1>, vector<16x1xi32>
      %select_n3A_451 = arith.select %ge3A_449, %select_n3A_407, %add3A_440 : vector<16x1xi1>, vector<16x1xi32>
      %sub3A_452 = arith.subi %select_n3A_451, %select_n3A_450 : vector<16x1xi32>
      %jit3A_453 = arith.constant 2 : i32
      %div3A_454 = vector.broadcast %jit3A_453 : i32 to vector<16x1xi32>
      %div3A_455 = arith.divsi %sub3A_452, %div3A_454 : vector<16x1xi32>
      %sign3A_456 = arith.constant 0 : i32
      %sign3A_457 = vector.broadcast %sign3A_456 : i32 to vector<16x1xi32>
      %sign3A_458 = arith.cmpi sgt, %sub3A_452, %sign3A_457 : vector<16x1xi32>
      %sign3A_459 = arith.extui %sign3A_458 : vector<16x1xi1> to vector<16x1xi32>
      %sign3A_460 = arith.constant 0 : i32
      %sign3A_461 = vector.broadcast %sign3A_460 : i32 to vector<16x1xi32>
      %sign3A_462 = arith.cmpi slt, %sub3A_452, %sign3A_461 : vector<16x1xi32>
      %sign3A_463 = arith.extui %sign3A_462 : vector<16x1xi1> to vector<16x1xi32>
      %sign3A_464 = arith.subi %sign3A_459, %sign3A_463 : vector<16x1xi32>
      %sign3A_465 = arith.constant 0 : i32
      %sign3A_466 = arith.cmpi sgt, %jit3A_453, %sign3A_465 : i32
      %sign3A_467 = arith.extui %sign3A_466 : i1 to i32
      %sign3A_468 = arith.constant 0 : i32
      %sign3A_469 = arith.cmpi slt, %jit3A_453, %sign3A_468 : i32
      %sign3A_470 = arith.extui %sign3A_469 : i1 to i32
      %sign3A_471 = arith.subi %sign3A_467, %sign3A_470 : i32
      %ne3A_472 = vector.broadcast %sign3A_471 : i32 to vector<16x1xi32>
      %ne3A_473 = arith.cmpi ne, %sign3A_464, %ne3A_472 : vector<16x1xi32>
      %rem3A_474 = vector.broadcast %jit3A_453 : i32 to vector<16x1xi32>
      %rem3A_475 = arith.remsi %sub3A_452, %rem3A_474 : vector<16x1xi32>
      %ne3A_476 = arith.constant 0 : i32
      %ne3A_477 = vector.broadcast %ne3A_476 : i32 to vector<16x1xi32>
      %ne3A_478 = arith.cmpi ne, %rem3A_475, %ne3A_477 : vector<16x1xi32>
      %and3A_479 = arith.andi %ne3A_473, %ne3A_478 : vector<16x1xi1>
      %sub3A_480 = arith.constant 1 : i32
      %sub3A_481 = vector.broadcast %sub3A_480 : i32 to vector<16x1xi32>
      %sub3A_482 = arith.subi %div3A_455, %sub3A_481 : vector<16x1xi32>
      %select_n3A_483 = arith.select %and3A_479, %sub3A_482, %div3A_455 : vector<16x1xi1>, vector<16x1xi32>
      %add3A_484 = arith.addi %select_n3A_450, %select_n3A_483 : vector<16x1xi32>
      %ge3A_485 = vector.broadcast %add3A_484 : vector<16x1xi32> to vector<16x2048xi32>
      %ge3A_486 = arith.cmpi sge, %bitcast_convert_type3A, %ge3A_485 : vector<16x2048xi32>
      %convert_element_type3A_487 = arith.extui %ge3A_486 : vector<16x2048xi1> to vector<16x2048xi32>
      %reduce_sum3A_488 = arith.constant dense<0> : vector<16xi32>
      %reduce_sum3A_489 = vector.multi_reduction <add>, %convert_element_type3A_487, %reduce_sum3A_488 [1] : vector<16x2048xi32> to vector<16xi32>
      %broadcast_in_dim3A_490 = vector.shape_cast %reduce_sum3A_489 : vector<16xi32> to vector<16x1xi32>
      %ge3A_491 = arith.constant 256 : i32
      %ge3A_492 = vector.broadcast %ge3A_491 : i32 to vector<16x1xi32>
      %ge3A_493 = arith.cmpi sge, %broadcast_in_dim3A_490, %ge3A_492 : vector<16x1xi32>
      %select_n3A_494 = arith.select %ge3A_493, %add3A_484, %select_n3A_450 : vector<16x1xi1>, vector<16x1xi32>
      %select_n3A_495 = arith.select %ge3A_493, %select_n3A_451, %add3A_484 : vector<16x1xi1>, vector<16x1xi32>
      %sub3A_496 = arith.subi %select_n3A_495, %select_n3A_494 : vector<16x1xi32>
      %jit3A_497 = arith.constant 2 : i32
      %div3A_498 = vector.broadcast %jit3A_497 : i32 to vector<16x1xi32>
      %div3A_499 = arith.divsi %sub3A_496, %div3A_498 : vector<16x1xi32>
      %sign3A_500 = arith.constant 0 : i32
      %sign3A_501 = vector.broadcast %sign3A_500 : i32 to vector<16x1xi32>
      %sign3A_502 = arith.cmpi sgt, %sub3A_496, %sign3A_501 : vector<16x1xi32>
      %sign3A_503 = arith.extui %sign3A_502 : vector<16x1xi1> to vector<16x1xi32>
      %sign3A_504 = arith.constant 0 : i32
      %sign3A_505 = vector.broadcast %sign3A_504 : i32 to vector<16x1xi32>
      %sign3A_506 = arith.cmpi slt, %sub3A_496, %sign3A_505 : vector<16x1xi32>
      %sign3A_507 = arith.extui %sign3A_506 : vector<16x1xi1> to vector<16x1xi32>
      %sign3A_508 = arith.subi %sign3A_503, %sign3A_507 : vector<16x1xi32>
      %sign3A_509 = arith.constant 0 : i32
      %sign3A_510 = arith.cmpi sgt, %jit3A_497, %sign3A_509 : i32
      %sign3A_511 = arith.extui %sign3A_510 : i1 to i32
      %sign3A_512 = arith.constant 0 : i32
      %sign3A_513 = arith.cmpi slt, %jit3A_497, %sign3A_512 : i32
      %sign3A_514 = arith.extui %sign3A_513 : i1 to i32
      %sign3A_515 = arith.subi %sign3A_511, %sign3A_514 : i32
      %ne3A_516 = vector.broadcast %sign3A_515 : i32 to vector<16x1xi32>
      %ne3A_517 = arith.cmpi ne, %sign3A_508, %ne3A_516 : vector<16x1xi32>
      %rem3A_518 = vector.broadcast %jit3A_497 : i32 to vector<16x1xi32>
      %rem3A_519 = arith.remsi %sub3A_496, %rem3A_518 : vector<16x1xi32>
      %ne3A_520 = arith.constant 0 : i32
      %ne3A_521 = vector.broadcast %ne3A_520 : i32 to vector<16x1xi32>
      %ne3A_522 = arith.cmpi ne, %rem3A_519, %ne3A_521 : vector<16x1xi32>
      %and3A_523 = arith.andi %ne3A_517, %ne3A_522 : vector<16x1xi1>
      %sub3A_524 = arith.constant 1 : i32
      %sub3A_525 = vector.broadcast %sub3A_524 : i32 to vector<16x1xi32>
      %sub3A_526 = arith.subi %div3A_499, %sub3A_525 : vector<16x1xi32>
      %select_n3A_527 = arith.select %and3A_523, %sub3A_526, %div3A_499 : vector<16x1xi1>, vector<16x1xi32>
      %add3A_528 = arith.addi %select_n3A_494, %select_n3A_527 : vector<16x1xi32>
      %ge3A_529 = vector.broadcast %add3A_528 : vector<16x1xi32> to vector<16x2048xi32>
      %ge3A_530 = arith.cmpi sge, %bitcast_convert_type3A, %ge3A_529 : vector<16x2048xi32>
      %convert_element_type3A_531 = arith.extui %ge3A_530 : vector<16x2048xi1> to vector<16x2048xi32>
      %reduce_sum3A_532 = arith.constant dense<0> : vector<16xi32>
      %reduce_sum3A_533 = vector.multi_reduction <add>, %convert_element_type3A_531, %reduce_sum3A_532 [1] : vector<16x2048xi32> to vector<16xi32>
      %broadcast_in_dim3A_534 = vector.shape_cast %reduce_sum3A_533 : vector<16xi32> to vector<16x1xi32>
      %ge3A_535 = arith.constant 256 : i32
      %ge3A_536 = vector.broadcast %ge3A_535 : i32 to vector<16x1xi32>
      %ge3A_537 = arith.cmpi sge, %broadcast_in_dim3A_534, %ge3A_536 : vector<16x1xi32>
      %select_n3A_538 = arith.select %ge3A_537, %add3A_528, %select_n3A_494 : vector<16x1xi1>, vector<16x1xi32>
      %select_n3A_539 = arith.select %ge3A_537, %select_n3A_495, %add3A_528 : vector<16x1xi1>, vector<16x1xi32>
      %sub3A_540 = arith.subi %select_n3A_539, %select_n3A_538 : vector<16x1xi32>
      %jit3A_541 = arith.constant 2 : i32
      %div3A_542 = vector.broadcast %jit3A_541 : i32 to vector<16x1xi32>
      %div3A_543 = arith.divsi %sub3A_540, %div3A_542 : vector<16x1xi32>
      %sign3A_544 = arith.constant 0 : i32
      %sign3A_545 = vector.broadcast %sign3A_544 : i32 to vector<16x1xi32>
      %sign3A_546 = arith.cmpi sgt, %sub3A_540, %sign3A_545 : vector<16x1xi32>
      %sign3A_547 = arith.extui %sign3A_546 : vector<16x1xi1> to vector<16x1xi32>
      %sign3A_548 = arith.constant 0 : i32
      %sign3A_549 = vector.broadcast %sign3A_548 : i32 to vector<16x1xi32>
      %sign3A_550 = arith.cmpi slt, %sub3A_540, %sign3A_549 : vector<16x1xi32>
      %sign3A_551 = arith.extui %sign3A_550 : vector<16x1xi1> to vector<16x1xi32>
      %sign3A_552 = arith.subi %sign3A_547, %sign3A_551 : vector<16x1xi32>
      %sign3A_553 = arith.constant 0 : i32
      %sign3A_554 = arith.cmpi sgt, %jit3A_541, %sign3A_553 : i32
      %sign3A_555 = arith.extui %sign3A_554 : i1 to i32
      %sign3A_556 = arith.constant 0 : i32
      %sign3A_557 = arith.cmpi slt, %jit3A_541, %sign3A_556 : i32
      %sign3A_558 = arith.extui %sign3A_557 : i1 to i32
      %sign3A_559 = arith.subi %sign3A_555, %sign3A_558 : i32
      %ne3A_560 = vector.broadcast %sign3A_559 : i32 to vector<16x1xi32>
      %ne3A_561 = arith.cmpi ne, %sign3A_552, %ne3A_560 : vector<16x1xi32>
      %rem3A_562 = vector.broadcast %jit3A_541 : i32 to vector<16x1xi32>
      %rem3A_563 = arith.remsi %sub3A_540, %rem3A_562 : vector<16x1xi32>
      %ne3A_564 = arith.constant 0 : i32
      %ne3A_565 = vector.broadcast %ne3A_564 : i32 to vector<16x1xi32>
      %ne3A_566 = arith.cmpi ne, %rem3A_563, %ne3A_565 : vector<16x1xi32>
      %and3A_567 = arith.andi %ne3A_561, %ne3A_566 : vector<16x1xi1>
      %sub3A_568 = arith.constant 1 : i32
      %sub3A_569 = vector.broadcast %sub3A_568 : i32 to vector<16x1xi32>
      %sub3A_570 = arith.subi %div3A_543, %sub3A_569 : vector<16x1xi32>
      %select_n3A_571 = arith.select %and3A_567, %sub3A_570, %div3A_543 : vector<16x1xi1>, vector<16x1xi32>
      %add3A_572 = arith.addi %select_n3A_538, %select_n3A_571 : vector<16x1xi32>
      %ge3A_573 = vector.broadcast %add3A_572 : vector<16x1xi32> to vector<16x2048xi32>
      %ge3A_574 = arith.cmpi sge, %bitcast_convert_type3A, %ge3A_573 : vector<16x2048xi32>
      %convert_element_type3A_575 = arith.extui %ge3A_574 : vector<16x2048xi1> to vector<16x2048xi32>
      %reduce_sum3A_576 = arith.constant dense<0> : vector<16xi32>
      %reduce_sum3A_577 = vector.multi_reduction <add>, %convert_element_type3A_575, %reduce_sum3A_576 [1] : vector<16x2048xi32> to vector<16xi32>
      %broadcast_in_dim3A_578 = vector.shape_cast %reduce_sum3A_577 : vector<16xi32> to vector<16x1xi32>
      %ge3A_579 = arith.constant 256 : i32
      %ge3A_580 = vector.broadcast %ge3A_579 : i32 to vector<16x1xi32>
      %ge3A_581 = arith.cmpi sge, %broadcast_in_dim3A_578, %ge3A_580 : vector<16x1xi32>
      %select_n3A_582 = arith.select %ge3A_581, %add3A_572, %select_n3A_538 : vector<16x1xi1>, vector<16x1xi32>
      %select_n3A_583 = arith.select %ge3A_581, %select_n3A_539, %add3A_572 : vector<16x1xi1>, vector<16x1xi32>
      %sub3A_584 = arith.subi %select_n3A_583, %select_n3A_582 : vector<16x1xi32>
      %jit3A_585 = arith.constant 2 : i32
      %div3A_586 = vector.broadcast %jit3A_585 : i32 to vector<16x1xi32>
      %div3A_587 = arith.divsi %sub3A_584, %div3A_586 : vector<16x1xi32>
      %sign3A_588 = arith.constant 0 : i32
      %sign3A_589 = vector.broadcast %sign3A_588 : i32 to vector<16x1xi32>
      %sign3A_590 = arith.cmpi sgt, %sub3A_584, %sign3A_589 : vector<16x1xi32>
      %sign3A_591 = arith.extui %sign3A_590 : vector<16x1xi1> to vector<16x1xi32>
      %sign3A_592 = arith.constant 0 : i32
      %sign3A_593 = vector.broadcast %sign3A_592 : i32 to vector<16x1xi32>
      %sign3A_594 = arith.cmpi slt, %sub3A_584, %sign3A_593 : vector<16x1xi32>
      %sign3A_595 = arith.extui %sign3A_594 : vector<16x1xi1> to vector<16x1xi32>
      %sign3A_596 = arith.subi %sign3A_591, %sign3A_595 : vector<16x1xi32>
      %sign3A_597 = arith.constant 0 : i32
      %sign3A_598 = arith.cmpi sgt, %jit3A_585, %sign3A_597 : i32
      %sign3A_599 = arith.extui %sign3A_598 : i1 to i32
      %sign3A_600 = arith.constant 0 : i32
      %sign3A_601 = arith.cmpi slt, %jit3A_585, %sign3A_600 : i32
      %sign3A_602 = arith.extui %sign3A_601 : i1 to i32
      %sign3A_603 = arith.subi %sign3A_599, %sign3A_602 : i32
      %ne3A_604 = vector.broadcast %sign3A_603 : i32 to vector<16x1xi32>
      %ne3A_605 = arith.cmpi ne, %sign3A_596, %ne3A_604 : vector<16x1xi32>
      %rem3A_606 = vector.broadcast %jit3A_585 : i32 to vector<16x1xi32>
      %rem3A_607 = arith.remsi %sub3A_584, %rem3A_606 : vector<16x1xi32>
      %ne3A_608 = arith.constant 0 : i32
      %ne3A_609 = vector.broadcast %ne3A_608 : i32 to vector<16x1xi32>
      %ne3A_610 = arith.cmpi ne, %rem3A_607, %ne3A_609 : vector<16x1xi32>
      %and3A_611 = arith.andi %ne3A_605, %ne3A_610 : vector<16x1xi1>
      %sub3A_612 = arith.constant 1 : i32
      %sub3A_613 = vector.broadcast %sub3A_612 : i32 to vector<16x1xi32>
      %sub3A_614 = arith.subi %div3A_587, %sub3A_613 : vector<16x1xi32>
      %select_n3A_615 = arith.select %and3A_611, %sub3A_614, %div3A_587 : vector<16x1xi1>, vector<16x1xi32>
      %add3A_616 = arith.addi %select_n3A_582, %select_n3A_615 : vector<16x1xi32>
      %ge3A_617 = vector.broadcast %add3A_616 : vector<16x1xi32> to vector<16x2048xi32>
      %ge3A_618 = arith.cmpi sge, %bitcast_convert_type3A, %ge3A_617 : vector<16x2048xi32>
      %convert_element_type3A_619 = arith.extui %ge3A_618 : vector<16x2048xi1> to vector<16x2048xi32>
      %reduce_sum3A_620 = arith.constant dense<0> : vector<16xi32>
      %reduce_sum3A_621 = vector.multi_reduction <add>, %convert_element_type3A_619, %reduce_sum3A_620 [1] : vector<16x2048xi32> to vector<16xi32>
      %broadcast_in_dim3A_622 = vector.shape_cast %reduce_sum3A_621 : vector<16xi32> to vector<16x1xi32>
      %ge3A_623 = arith.constant 256 : i32
      %ge3A_624 = vector.broadcast %ge3A_623 : i32 to vector<16x1xi32>
      %ge3A_625 = arith.cmpi sge, %broadcast_in_dim3A_622, %ge3A_624 : vector<16x1xi32>
      %select_n3A_626 = arith.select %ge3A_625, %add3A_616, %select_n3A_582 : vector<16x1xi1>, vector<16x1xi32>
      %select_n3A_627 = arith.select %ge3A_625, %select_n3A_583, %add3A_616 : vector<16x1xi1>, vector<16x1xi32>
      %sub3A_628 = arith.subi %select_n3A_627, %select_n3A_626 : vector<16x1xi32>
      %jit3A_629 = arith.constant 2 : i32
      %div3A_630 = vector.broadcast %jit3A_629 : i32 to vector<16x1xi32>
      %div3A_631 = arith.divsi %sub3A_628, %div3A_630 : vector<16x1xi32>
      %sign3A_632 = arith.constant 0 : i32
      %sign3A_633 = vector.broadcast %sign3A_632 : i32 to vector<16x1xi32>
      %sign3A_634 = arith.cmpi sgt, %sub3A_628, %sign3A_633 : vector<16x1xi32>
      %sign3A_635 = arith.extui %sign3A_634 : vector<16x1xi1> to vector<16x1xi32>
      %sign3A_636 = arith.constant 0 : i32
      %sign3A_637 = vector.broadcast %sign3A_636 : i32 to vector<16x1xi32>
      %sign3A_638 = arith.cmpi slt, %sub3A_628, %sign3A_637 : vector<16x1xi32>
      %sign3A_639 = arith.extui %sign3A_638 : vector<16x1xi1> to vector<16x1xi32>
      %sign3A_640 = arith.subi %sign3A_635, %sign3A_639 : vector<16x1xi32>
      %sign3A_641 = arith.constant 0 : i32
      %sign3A_642 = arith.cmpi sgt, %jit3A_629, %sign3A_641 : i32
      %sign3A_643 = arith.extui %sign3A_642 : i1 to i32
      %sign3A_644 = arith.constant 0 : i32
      %sign3A_645 = arith.cmpi slt, %jit3A_629, %sign3A_644 : i32
      %sign3A_646 = arith.extui %sign3A_645 : i1 to i32
      %sign3A_647 = arith.subi %sign3A_643, %sign3A_646 : i32
      %ne3A_648 = vector.broadcast %sign3A_647 : i32 to vector<16x1xi32>
      %ne3A_649 = arith.cmpi ne, %sign3A_640, %ne3A_648 : vector<16x1xi32>
      %rem3A_650 = vector.broadcast %jit3A_629 : i32 to vector<16x1xi32>
      %rem3A_651 = arith.remsi %sub3A_628, %rem3A_650 : vector<16x1xi32>
      %ne3A_652 = arith.constant 0 : i32
      %ne3A_653 = vector.broadcast %ne3A_652 : i32 to vector<16x1xi32>
      %ne3A_654 = arith.cmpi ne, %rem3A_651, %ne3A_653 : vector<16x1xi32>
      %and3A_655 = arith.andi %ne3A_649, %ne3A_654 : vector<16x1xi1>
      %sub3A_656 = arith.constant 1 : i32
      %sub3A_657 = vector.broadcast %sub3A_656 : i32 to vector<16x1xi32>
      %sub3A_658 = arith.subi %div3A_631, %sub3A_657 : vector<16x1xi32>
      %select_n3A_659 = arith.select %and3A_655, %sub3A_658, %div3A_631 : vector<16x1xi1>, vector<16x1xi32>
      %add3A_660 = arith.addi %select_n3A_626, %select_n3A_659 : vector<16x1xi32>
      %ge3A_661 = vector.broadcast %add3A_660 : vector<16x1xi32> to vector<16x2048xi32>
      %ge3A_662 = arith.cmpi sge, %bitcast_convert_type3A, %ge3A_661 : vector<16x2048xi32>
      %convert_element_type3A_663 = arith.extui %ge3A_662 : vector<16x2048xi1> to vector<16x2048xi32>
      %reduce_sum3A_664 = arith.constant dense<0> : vector<16xi32>
      %reduce_sum3A_665 = vector.multi_reduction <add>, %convert_element_type3A_663, %reduce_sum3A_664 [1] : vector<16x2048xi32> to vector<16xi32>
      %broadcast_in_dim3A_666 = vector.shape_cast %reduce_sum3A_665 : vector<16xi32> to vector<16x1xi32>
      %ge3A_667 = arith.constant 256 : i32
      %ge3A_668 = vector.broadcast %ge3A_667 : i32 to vector<16x1xi32>
      %ge3A_669 = arith.cmpi sge, %broadcast_in_dim3A_666, %ge3A_668 : vector<16x1xi32>
      %select_n3A_670 = arith.select %ge3A_669, %add3A_660, %select_n3A_626 : vector<16x1xi1>, vector<16x1xi32>
      %select_n3A_671 = arith.select %ge3A_669, %select_n3A_627, %add3A_660 : vector<16x1xi1>, vector<16x1xi32>
      %sub3A_672 = arith.subi %select_n3A_671, %select_n3A_670 : vector<16x1xi32>
      %jit3A_673 = arith.constant 2 : i32
      %div3A_674 = vector.broadcast %jit3A_673 : i32 to vector<16x1xi32>
      %div3A_675 = arith.divsi %sub3A_672, %div3A_674 : vector<16x1xi32>
      %sign3A_676 = arith.constant 0 : i32
      %sign3A_677 = vector.broadcast %sign3A_676 : i32 to vector<16x1xi32>
      %sign3A_678 = arith.cmpi sgt, %sub3A_672, %sign3A_677 : vector<16x1xi32>
      %sign3A_679 = arith.extui %sign3A_678 : vector<16x1xi1> to vector<16x1xi32>
      %sign3A_680 = arith.constant 0 : i32
      %sign3A_681 = vector.broadcast %sign3A_680 : i32 to vector<16x1xi32>
      %sign3A_682 = arith.cmpi slt, %sub3A_672, %sign3A_681 : vector<16x1xi32>
      %sign3A_683 = arith.extui %sign3A_682 : vector<16x1xi1> to vector<16x1xi32>
      %sign3A_684 = arith.subi %sign3A_679, %sign3A_683 : vector<16x1xi32>
      %sign3A_685 = arith.constant 0 : i32
      %sign3A_686 = arith.cmpi sgt, %jit3A_673, %sign3A_685 : i32
      %sign3A_687 = arith.extui %sign3A_686 : i1 to i32
      %sign3A_688 = arith.constant 0 : i32
      %sign3A_689 = arith.cmpi slt, %jit3A_673, %sign3A_688 : i32
      %sign3A_690 = arith.extui %sign3A_689 : i1 to i32
      %sign3A_691 = arith.subi %sign3A_687, %sign3A_690 : i32
      %ne3A_692 = vector.broadcast %sign3A_691 : i32 to vector<16x1xi32>
      %ne3A_693 = arith.cmpi ne, %sign3A_684, %ne3A_692 : vector<16x1xi32>
      %rem3A_694 = vector.broadcast %jit3A_673 : i32 to vector<16x1xi32>
      %rem3A_695 = arith.remsi %sub3A_672, %rem3A_694 : vector<16x1xi32>
      %ne3A_696 = arith.constant 0 : i32
      %ne3A_697 = vector.broadcast %ne3A_696 : i32 to vector<16x1xi32>
      %ne3A_698 = arith.cmpi ne, %rem3A_695, %ne3A_697 : vector<16x1xi32>
      %and3A_699 = arith.andi %ne3A_693, %ne3A_698 : vector<16x1xi1>
      %sub3A_700 = arith.constant 1 : i32
      %sub3A_701 = vector.broadcast %sub3A_700 : i32 to vector<16x1xi32>
      %sub3A_702 = arith.subi %div3A_675, %sub3A_701 : vector<16x1xi32>
      %select_n3A_703 = arith.select %and3A_699, %sub3A_702, %div3A_675 : vector<16x1xi1>, vector<16x1xi32>
      %add3A_704 = arith.addi %select_n3A_670, %select_n3A_703 : vector<16x1xi32>
      %ge3A_705 = vector.broadcast %add3A_704 : vector<16x1xi32> to vector<16x2048xi32>
      %ge3A_706 = arith.cmpi sge, %bitcast_convert_type3A, %ge3A_705 : vector<16x2048xi32>
      %convert_element_type3A_707 = arith.extui %ge3A_706 : vector<16x2048xi1> to vector<16x2048xi32>
      %reduce_sum3A_708 = arith.constant dense<0> : vector<16xi32>
      %reduce_sum3A_709 = vector.multi_reduction <add>, %convert_element_type3A_707, %reduce_sum3A_708 [1] : vector<16x2048xi32> to vector<16xi32>
      %broadcast_in_dim3A_710 = vector.shape_cast %reduce_sum3A_709 : vector<16xi32> to vector<16x1xi32>
      %ge3A_711 = arith.constant 256 : i32
      %ge3A_712 = vector.broadcast %ge3A_711 : i32 to vector<16x1xi32>
      %ge3A_713 = arith.cmpi sge, %broadcast_in_dim3A_710, %ge3A_712 : vector<16x1xi32>
      %select_n3A_714 = arith.select %ge3A_713, %add3A_704, %select_n3A_670 : vector<16x1xi1>, vector<16x1xi32>
      %select_n3A_715 = arith.select %ge3A_713, %select_n3A_671, %add3A_704 : vector<16x1xi1>, vector<16x1xi32>
      %sub3A_716 = arith.subi %select_n3A_715, %select_n3A_714 : vector<16x1xi32>
      %jit3A_717 = arith.constant 2 : i32
      %div3A_718 = vector.broadcast %jit3A_717 : i32 to vector<16x1xi32>
      %div3A_719 = arith.divsi %sub3A_716, %div3A_718 : vector<16x1xi32>
      %sign3A_720 = arith.constant 0 : i32
      %sign3A_721 = vector.broadcast %sign3A_720 : i32 to vector<16x1xi32>
      %sign3A_722 = arith.cmpi sgt, %sub3A_716, %sign3A_721 : vector<16x1xi32>
      %sign3A_723 = arith.extui %sign3A_722 : vector<16x1xi1> to vector<16x1xi32>
      %sign3A_724 = arith.constant 0 : i32
      %sign3A_725 = vector.broadcast %sign3A_724 : i32 to vector<16x1xi32>
      %sign3A_726 = arith.cmpi slt, %sub3A_716, %sign3A_725 : vector<16x1xi32>
      %sign3A_727 = arith.extui %sign3A_726 : vector<16x1xi1> to vector<16x1xi32>
      %sign3A_728 = arith.subi %sign3A_723, %sign3A_727 : vector<16x1xi32>
      %sign3A_729 = arith.constant 0 : i32
      %sign3A_730 = arith.cmpi sgt, %jit3A_717, %sign3A_729 : i32
      %sign3A_731 = arith.extui %sign3A_730 : i1 to i32
      %sign3A_732 = arith.constant 0 : i32
      %sign3A_733 = arith.cmpi slt, %jit3A_717, %sign3A_732 : i32
      %sign3A_734 = arith.extui %sign3A_733 : i1 to i32
      %sign3A_735 = arith.subi %sign3A_731, %sign3A_734 : i32
      %ne3A_736 = vector.broadcast %sign3A_735 : i32 to vector<16x1xi32>
      %ne3A_737 = arith.cmpi ne, %sign3A_728, %ne3A_736 : vector<16x1xi32>
      %rem3A_738 = vector.broadcast %jit3A_717 : i32 to vector<16x1xi32>
      %rem3A_739 = arith.remsi %sub3A_716, %rem3A_738 : vector<16x1xi32>
      %ne3A_740 = arith.constant 0 : i32
      %ne3A_741 = vector.broadcast %ne3A_740 : i32 to vector<16x1xi32>
      %ne3A_742 = arith.cmpi ne, %rem3A_739, %ne3A_741 : vector<16x1xi32>
      %and3A_743 = arith.andi %ne3A_737, %ne3A_742 : vector<16x1xi1>
      %sub3A_744 = arith.constant 1 : i32
      %sub3A_745 = vector.broadcast %sub3A_744 : i32 to vector<16x1xi32>
      %sub3A_746 = arith.subi %div3A_719, %sub3A_745 : vector<16x1xi32>
      %select_n3A_747 = arith.select %and3A_743, %sub3A_746, %div3A_719 : vector<16x1xi1>, vector<16x1xi32>
      %add3A_748 = arith.addi %select_n3A_714, %select_n3A_747 : vector<16x1xi32>
      %ge3A_749 = vector.broadcast %add3A_748 : vector<16x1xi32> to vector<16x2048xi32>
      %ge3A_750 = arith.cmpi sge, %bitcast_convert_type3A, %ge3A_749 : vector<16x2048xi32>
      %convert_element_type3A_751 = arith.extui %ge3A_750 : vector<16x2048xi1> to vector<16x2048xi32>
      %reduce_sum3A_752 = arith.constant dense<0> : vector<16xi32>
      %reduce_sum3A_753 = vector.multi_reduction <add>, %convert_element_type3A_751, %reduce_sum3A_752 [1] : vector<16x2048xi32> to vector<16xi32>
      %broadcast_in_dim3A_754 = vector.shape_cast %reduce_sum3A_753 : vector<16xi32> to vector<16x1xi32>
      %ge3A_755 = arith.constant 256 : i32
      %ge3A_756 = vector.broadcast %ge3A_755 : i32 to vector<16x1xi32>
      %ge3A_757 = arith.cmpi sge, %broadcast_in_dim3A_754, %ge3A_756 : vector<16x1xi32>
      %select_n3A_758 = arith.select %ge3A_757, %add3A_748, %select_n3A_714 : vector<16x1xi1>, vector<16x1xi32>
      %select_n3A_759 = arith.select %ge3A_757, %select_n3A_715, %add3A_748 : vector<16x1xi1>, vector<16x1xi32>
      %sub3A_760 = arith.subi %select_n3A_759, %select_n3A_758 : vector<16x1xi32>
      %jit3A_761 = arith.constant 2 : i32
      %div3A_762 = vector.broadcast %jit3A_761 : i32 to vector<16x1xi32>
      %div3A_763 = arith.divsi %sub3A_760, %div3A_762 : vector<16x1xi32>
      %sign3A_764 = arith.constant 0 : i32
      %sign3A_765 = vector.broadcast %sign3A_764 : i32 to vector<16x1xi32>
      %sign3A_766 = arith.cmpi sgt, %sub3A_760, %sign3A_765 : vector<16x1xi32>
      %sign3A_767 = arith.extui %sign3A_766 : vector<16x1xi1> to vector<16x1xi32>
      %sign3A_768 = arith.constant 0 : i32
      %sign3A_769 = vector.broadcast %sign3A_768 : i32 to vector<16x1xi32>
      %sign3A_770 = arith.cmpi slt, %sub3A_760, %sign3A_769 : vector<16x1xi32>
      %sign3A_771 = arith.extui %sign3A_770 : vector<16x1xi1> to vector<16x1xi32>
      %sign3A_772 = arith.subi %sign3A_767, %sign3A_771 : vector<16x1xi32>
      %sign3A_773 = arith.constant 0 : i32
      %sign3A_774 = arith.cmpi sgt, %jit3A_761, %sign3A_773 : i32
      %sign3A_775 = arith.extui %sign3A_774 : i1 to i32
      %sign3A_776 = arith.constant 0 : i32
      %sign3A_777 = arith.cmpi slt, %jit3A_761, %sign3A_776 : i32
      %sign3A_778 = arith.extui %sign3A_777 : i1 to i32
      %sign3A_779 = arith.subi %sign3A_775, %sign3A_778 : i32
      %ne3A_780 = vector.broadcast %sign3A_779 : i32 to vector<16x1xi32>
      %ne3A_781 = arith.cmpi ne, %sign3A_772, %ne3A_780 : vector<16x1xi32>
      %rem3A_782 = vector.broadcast %jit3A_761 : i32 to vector<16x1xi32>
      %rem3A_783 = arith.remsi %sub3A_760, %rem3A_782 : vector<16x1xi32>
      %ne3A_784 = arith.constant 0 : i32
      %ne3A_785 = vector.broadcast %ne3A_784 : i32 to vector<16x1xi32>
      %ne3A_786 = arith.cmpi ne, %rem3A_783, %ne3A_785 : vector<16x1xi32>
      %and3A_787 = arith.andi %ne3A_781, %ne3A_786 : vector<16x1xi1>
      %sub3A_788 = arith.constant 1 : i32
      %sub3A_789 = vector.broadcast %sub3A_788 : i32 to vector<16x1xi32>
      %sub3A_790 = arith.subi %div3A_763, %sub3A_789 : vector<16x1xi32>
      %select_n3A_791 = arith.select %and3A_787, %sub3A_790, %div3A_763 : vector<16x1xi1>, vector<16x1xi32>
      %add3A_792 = arith.addi %select_n3A_758, %select_n3A_791 : vector<16x1xi32>
      %ge3A_793 = vector.broadcast %add3A_792 : vector<16x1xi32> to vector<16x2048xi32>
      %ge3A_794 = arith.cmpi sge, %bitcast_convert_type3A, %ge3A_793 : vector<16x2048xi32>
      %convert_element_type3A_795 = arith.extui %ge3A_794 : vector<16x2048xi1> to vector<16x2048xi32>
      %reduce_sum3A_796 = arith.constant dense<0> : vector<16xi32>
      %reduce_sum3A_797 = vector.multi_reduction <add>, %convert_element_type3A_795, %reduce_sum3A_796 [1] : vector<16x2048xi32> to vector<16xi32>
      %broadcast_in_dim3A_798 = vector.shape_cast %reduce_sum3A_797 : vector<16xi32> to vector<16x1xi32>
      %ge3A_799 = arith.constant 256 : i32
      %ge3A_800 = vector.broadcast %ge3A_799 : i32 to vector<16x1xi32>
      %ge3A_801 = arith.cmpi sge, %broadcast_in_dim3A_798, %ge3A_800 : vector<16x1xi32>
      %select_n3A_802 = arith.select %ge3A_801, %add3A_792, %select_n3A_758 : vector<16x1xi1>, vector<16x1xi32>
      %select_n3A_803 = arith.select %ge3A_801, %select_n3A_759, %add3A_792 : vector<16x1xi1>, vector<16x1xi32>
      %sub3A_804 = arith.subi %select_n3A_803, %select_n3A_802 : vector<16x1xi32>
      %jit3A_805 = arith.constant 2 : i32
      %div3A_806 = vector.broadcast %jit3A_805 : i32 to vector<16x1xi32>
      %div3A_807 = arith.divsi %sub3A_804, %div3A_806 : vector<16x1xi32>
      %sign3A_808 = arith.constant 0 : i32
      %sign3A_809 = vector.broadcast %sign3A_808 : i32 to vector<16x1xi32>
      %sign3A_810 = arith.cmpi sgt, %sub3A_804, %sign3A_809 : vector<16x1xi32>
      %sign3A_811 = arith.extui %sign3A_810 : vector<16x1xi1> to vector<16x1xi32>
      %sign3A_812 = arith.constant 0 : i32
      %sign3A_813 = vector.broadcast %sign3A_812 : i32 to vector<16x1xi32>
      %sign3A_814 = arith.cmpi slt, %sub3A_804, %sign3A_813 : vector<16x1xi32>
      %sign3A_815 = arith.extui %sign3A_814 : vector<16x1xi1> to vector<16x1xi32>
      %sign3A_816 = arith.subi %sign3A_811, %sign3A_815 : vector<16x1xi32>
      %sign3A_817 = arith.constant 0 : i32
      %sign3A_818 = arith.cmpi sgt, %jit3A_805, %sign3A_817 : i32
      %sign3A_819 = arith.extui %sign3A_818 : i1 to i32
      %sign3A_820 = arith.constant 0 : i32
      %sign3A_821 = arith.cmpi slt, %jit3A_805, %sign3A_820 : i32
      %sign3A_822 = arith.extui %sign3A_821 : i1 to i32
      %sign3A_823 = arith.subi %sign3A_819, %sign3A_822 : i32
      %ne3A_824 = vector.broadcast %sign3A_823 : i32 to vector<16x1xi32>
      %ne3A_825 = arith.cmpi ne, %sign3A_816, %ne3A_824 : vector<16x1xi32>
      %rem3A_826 = vector.broadcast %jit3A_805 : i32 to vector<16x1xi32>
      %rem3A_827 = arith.remsi %sub3A_804, %rem3A_826 : vector<16x1xi32>
      %ne3A_828 = arith.constant 0 : i32
      %ne3A_829 = vector.broadcast %ne3A_828 : i32 to vector<16x1xi32>
      %ne3A_830 = arith.cmpi ne, %rem3A_827, %ne3A_829 : vector<16x1xi32>
      %and3A_831 = arith.andi %ne3A_825, %ne3A_830 : vector<16x1xi1>
      %sub3A_832 = arith.constant 1 : i32
      %sub3A_833 = vector.broadcast %sub3A_832 : i32 to vector<16x1xi32>
      %sub3A_834 = arith.subi %div3A_807, %sub3A_833 : vector<16x1xi32>
      %select_n3A_835 = arith.select %and3A_831, %sub3A_834, %div3A_807 : vector<16x1xi1>, vector<16x1xi32>
      %add3A_836 = arith.addi %select_n3A_802, %select_n3A_835 : vector<16x1xi32>
      %ge3A_837 = vector.broadcast %add3A_836 : vector<16x1xi32> to vector<16x2048xi32>
      %ge3A_838 = arith.cmpi sge, %bitcast_convert_type3A, %ge3A_837 : vector<16x2048xi32>
      %convert_element_type3A_839 = arith.extui %ge3A_838 : vector<16x2048xi1> to vector<16x2048xi32>
      %reduce_sum3A_840 = arith.constant dense<0> : vector<16xi32>
      %reduce_sum3A_841 = vector.multi_reduction <add>, %convert_element_type3A_839, %reduce_sum3A_840 [1] : vector<16x2048xi32> to vector<16xi32>
      %broadcast_in_dim3A_842 = vector.shape_cast %reduce_sum3A_841 : vector<16xi32> to vector<16x1xi32>
      %ge3A_843 = arith.constant 256 : i32
      %ge3A_844 = vector.broadcast %ge3A_843 : i32 to vector<16x1xi32>
      %ge3A_845 = arith.cmpi sge, %broadcast_in_dim3A_842, %ge3A_844 : vector<16x1xi32>
      %select_n3A_846 = arith.select %ge3A_845, %add3A_836, %select_n3A_802 : vector<16x1xi1>, vector<16x1xi32>
      %select_n3A_847 = arith.select %ge3A_845, %select_n3A_803, %add3A_836 : vector<16x1xi1>, vector<16x1xi32>
      %sub3A_848 = arith.subi %select_n3A_847, %select_n3A_846 : vector<16x1xi32>
      %jit3A_849 = arith.constant 2 : i32
      %div3A_850 = vector.broadcast %jit3A_849 : i32 to vector<16x1xi32>
      %div3A_851 = arith.divsi %sub3A_848, %div3A_850 : vector<16x1xi32>
      %sign3A_852 = arith.constant 0 : i32
      %sign3A_853 = vector.broadcast %sign3A_852 : i32 to vector<16x1xi32>
      %sign3A_854 = arith.cmpi sgt, %sub3A_848, %sign3A_853 : vector<16x1xi32>
      %sign3A_855 = arith.extui %sign3A_854 : vector<16x1xi1> to vector<16x1xi32>
      %sign3A_856 = arith.constant 0 : i32
      %sign3A_857 = vector.broadcast %sign3A_856 : i32 to vector<16x1xi32>
      %sign3A_858 = arith.cmpi slt, %sub3A_848, %sign3A_857 : vector<16x1xi32>
      %sign3A_859 = arith.extui %sign3A_858 : vector<16x1xi1> to vector<16x1xi32>
      %sign3A_860 = arith.subi %sign3A_855, %sign3A_859 : vector<16x1xi32>
      %sign3A_861 = arith.constant 0 : i32
      %sign3A_862 = arith.cmpi sgt, %jit3A_849, %sign3A_861 : i32
      %sign3A_863 = arith.extui %sign3A_862 : i1 to i32
      %sign3A_864 = arith.constant 0 : i32
      %sign3A_865 = arith.cmpi slt, %jit3A_849, %sign3A_864 : i32
      %sign3A_866 = arith.extui %sign3A_865 : i1 to i32
      %sign3A_867 = arith.subi %sign3A_863, %sign3A_866 : i32
      %ne3A_868 = vector.broadcast %sign3A_867 : i32 to vector<16x1xi32>
      %ne3A_869 = arith.cmpi ne, %sign3A_860, %ne3A_868 : vector<16x1xi32>
      %rem3A_870 = vector.broadcast %jit3A_849 : i32 to vector<16x1xi32>
      %rem3A_871 = arith.remsi %sub3A_848, %rem3A_870 : vector<16x1xi32>
      %ne3A_872 = arith.constant 0 : i32
      %ne3A_873 = vector.broadcast %ne3A_872 : i32 to vector<16x1xi32>
      %ne3A_874 = arith.cmpi ne, %rem3A_871, %ne3A_873 : vector<16x1xi32>
      %and3A_875 = arith.andi %ne3A_869, %ne3A_874 : vector<16x1xi1>
      %sub3A_876 = arith.constant 1 : i32
      %sub3A_877 = vector.broadcast %sub3A_876 : i32 to vector<16x1xi32>
      %sub3A_878 = arith.subi %div3A_851, %sub3A_877 : vector<16x1xi32>
      %select_n3A_879 = arith.select %and3A_875, %sub3A_878, %div3A_851 : vector<16x1xi1>, vector<16x1xi32>
      %add3A_880 = arith.addi %select_n3A_846, %select_n3A_879 : vector<16x1xi32>
      %ge3A_881 = vector.broadcast %add3A_880 : vector<16x1xi32> to vector<16x2048xi32>
      %ge3A_882 = arith.cmpi sge, %bitcast_convert_type3A, %ge3A_881 : vector<16x2048xi32>
      %convert_element_type3A_883 = arith.extui %ge3A_882 : vector<16x2048xi1> to vector<16x2048xi32>
      %reduce_sum3A_884 = arith.constant dense<0> : vector<16xi32>
      %reduce_sum3A_885 = vector.multi_reduction <add>, %convert_element_type3A_883, %reduce_sum3A_884 [1] : vector<16x2048xi32> to vector<16xi32>
      %broadcast_in_dim3A_886 = vector.shape_cast %reduce_sum3A_885 : vector<16xi32> to vector<16x1xi32>
      %ge3A_887 = arith.constant 256 : i32
      %ge3A_888 = vector.broadcast %ge3A_887 : i32 to vector<16x1xi32>
      %ge3A_889 = arith.cmpi sge, %broadcast_in_dim3A_886, %ge3A_888 : vector<16x1xi32>
      %select_n3A_890 = arith.select %ge3A_889, %add3A_880, %select_n3A_846 : vector<16x1xi1>, vector<16x1xi32>
      %select_n3A_891 = arith.select %ge3A_889, %select_n3A_847, %add3A_880 : vector<16x1xi1>, vector<16x1xi32>
      %sub3A_892 = arith.subi %select_n3A_891, %select_n3A_890 : vector<16x1xi32>
      %jit3A_893 = arith.constant 2 : i32
      %div3A_894 = vector.broadcast %jit3A_893 : i32 to vector<16x1xi32>
      %div3A_895 = arith.divsi %sub3A_892, %div3A_894 : vector<16x1xi32>
      %sign3A_896 = arith.constant 0 : i32
      %sign3A_897 = vector.broadcast %sign3A_896 : i32 to vector<16x1xi32>
      %sign3A_898 = arith.cmpi sgt, %sub3A_892, %sign3A_897 : vector<16x1xi32>
      %sign3A_899 = arith.extui %sign3A_898 : vector<16x1xi1> to vector<16x1xi32>
      %sign3A_900 = arith.constant 0 : i32
      %sign3A_901 = vector.broadcast %sign3A_900 : i32 to vector<16x1xi32>
      %sign3A_902 = arith.cmpi slt, %sub3A_892, %sign3A_901 : vector<16x1xi32>
      %sign3A_903 = arith.extui %sign3A_902 : vector<16x1xi1> to vector<16x1xi32>
      %sign3A_904 = arith.subi %sign3A_899, %sign3A_903 : vector<16x1xi32>
      %sign3A_905 = arith.constant 0 : i32
      %sign3A_906 = arith.cmpi sgt, %jit3A_893, %sign3A_905 : i32
      %sign3A_907 = arith.extui %sign3A_906 : i1 to i32
      %sign3A_908 = arith.constant 0 : i32
      %sign3A_909 = arith.cmpi slt, %jit3A_893, %sign3A_908 : i32
      %sign3A_910 = arith.extui %sign3A_909 : i1 to i32
      %sign3A_911 = arith.subi %sign3A_907, %sign3A_910 : i32
      %ne3A_912 = vector.broadcast %sign3A_911 : i32 to vector<16x1xi32>
      %ne3A_913 = arith.cmpi ne, %sign3A_904, %ne3A_912 : vector<16x1xi32>
      %rem3A_914 = vector.broadcast %jit3A_893 : i32 to vector<16x1xi32>
      %rem3A_915 = arith.remsi %sub3A_892, %rem3A_914 : vector<16x1xi32>
      %ne3A_916 = arith.constant 0 : i32
      %ne3A_917 = vector.broadcast %ne3A_916 : i32 to vector<16x1xi32>
      %ne3A_918 = arith.cmpi ne, %rem3A_915, %ne3A_917 : vector<16x1xi32>
      %and3A_919 = arith.andi %ne3A_913, %ne3A_918 : vector<16x1xi1>
      %sub3A_920 = arith.constant 1 : i32
      %sub3A_921 = vector.broadcast %sub3A_920 : i32 to vector<16x1xi32>
      %sub3A_922 = arith.subi %div3A_895, %sub3A_921 : vector<16x1xi32>
      %select_n3A_923 = arith.select %and3A_919, %sub3A_922, %div3A_895 : vector<16x1xi1>, vector<16x1xi32>
      %add3A_924 = arith.addi %select_n3A_890, %select_n3A_923 : vector<16x1xi32>
      %ge3A_925 = vector.broadcast %add3A_924 : vector<16x1xi32> to vector<16x2048xi32>
      %ge3A_926 = arith.cmpi sge, %bitcast_convert_type3A, %ge3A_925 : vector<16x2048xi32>
      %convert_element_type3A_927 = arith.extui %ge3A_926 : vector<16x2048xi1> to vector<16x2048xi32>
      %reduce_sum3A_928 = arith.constant dense<0> : vector<16xi32>
      %reduce_sum3A_929 = vector.multi_reduction <add>, %convert_element_type3A_927, %reduce_sum3A_928 [1] : vector<16x2048xi32> to vector<16xi32>
      %broadcast_in_dim3A_930 = vector.shape_cast %reduce_sum3A_929 : vector<16xi32> to vector<16x1xi32>
      %ge3A_931 = arith.constant 256 : i32
      %ge3A_932 = vector.broadcast %ge3A_931 : i32 to vector<16x1xi32>
      %ge3A_933 = arith.cmpi sge, %broadcast_in_dim3A_930, %ge3A_932 : vector<16x1xi32>
      %select_n3A_934 = arith.select %ge3A_933, %add3A_924, %select_n3A_890 : vector<16x1xi1>, vector<16x1xi32>
      %select_n3A_935 = arith.select %ge3A_933, %select_n3A_891, %add3A_924 : vector<16x1xi1>, vector<16x1xi32>
      %sub3A_936 = arith.subi %select_n3A_935, %select_n3A_934 : vector<16x1xi32>
      %jit3A_937 = arith.constant 2 : i32
      %div3A_938 = vector.broadcast %jit3A_937 : i32 to vector<16x1xi32>
      %div3A_939 = arith.divsi %sub3A_936, %div3A_938 : vector<16x1xi32>
      %sign3A_940 = arith.constant 0 : i32
      %sign3A_941 = vector.broadcast %sign3A_940 : i32 to vector<16x1xi32>
      %sign3A_942 = arith.cmpi sgt, %sub3A_936, %sign3A_941 : vector<16x1xi32>
      %sign3A_943 = arith.extui %sign3A_942 : vector<16x1xi1> to vector<16x1xi32>
      %sign3A_944 = arith.constant 0 : i32
      %sign3A_945 = vector.broadcast %sign3A_944 : i32 to vector<16x1xi32>
      %sign3A_946 = arith.cmpi slt, %sub3A_936, %sign3A_945 : vector<16x1xi32>
      %sign3A_947 = arith.extui %sign3A_946 : vector<16x1xi1> to vector<16x1xi32>
      %sign3A_948 = arith.subi %sign3A_943, %sign3A_947 : vector<16x1xi32>
      %sign3A_949 = arith.constant 0 : i32
      %sign3A_950 = arith.cmpi sgt, %jit3A_937, %sign3A_949 : i32
      %sign3A_951 = arith.extui %sign3A_950 : i1 to i32
      %sign3A_952 = arith.constant 0 : i32
      %sign3A_953 = arith.cmpi slt, %jit3A_937, %sign3A_952 : i32
      %sign3A_954 = arith.extui %sign3A_953 : i1 to i32
      %sign3A_955 = arith.subi %sign3A_951, %sign3A_954 : i32
      %ne3A_956 = vector.broadcast %sign3A_955 : i32 to vector<16x1xi32>
      %ne3A_957 = arith.cmpi ne, %sign3A_948, %ne3A_956 : vector<16x1xi32>
      %rem3A_958 = vector.broadcast %jit3A_937 : i32 to vector<16x1xi32>
      %rem3A_959 = arith.remsi %sub3A_936, %rem3A_958 : vector<16x1xi32>
      %ne3A_960 = arith.constant 0 : i32
      %ne3A_961 = vector.broadcast %ne3A_960 : i32 to vector<16x1xi32>
      %ne3A_962 = arith.cmpi ne, %rem3A_959, %ne3A_961 : vector<16x1xi32>
      %and3A_963 = arith.andi %ne3A_957, %ne3A_962 : vector<16x1xi1>
      %sub3A_964 = arith.constant 1 : i32
      %sub3A_965 = vector.broadcast %sub3A_964 : i32 to vector<16x1xi32>
      %sub3A_966 = arith.subi %div3A_939, %sub3A_965 : vector<16x1xi32>
      %select_n3A_967 = arith.select %and3A_963, %sub3A_966, %div3A_939 : vector<16x1xi1>, vector<16x1xi32>
      %add3A_968 = arith.addi %select_n3A_934, %select_n3A_967 : vector<16x1xi32>
      %ge3A_969 = vector.broadcast %add3A_968 : vector<16x1xi32> to vector<16x2048xi32>
      %ge3A_970 = arith.cmpi sge, %bitcast_convert_type3A, %ge3A_969 : vector<16x2048xi32>
      %convert_element_type3A_971 = arith.extui %ge3A_970 : vector<16x2048xi1> to vector<16x2048xi32>
      %reduce_sum3A_972 = arith.constant dense<0> : vector<16xi32>
      %reduce_sum3A_973 = vector.multi_reduction <add>, %convert_element_type3A_971, %reduce_sum3A_972 [1] : vector<16x2048xi32> to vector<16xi32>
      %broadcast_in_dim3A_974 = vector.shape_cast %reduce_sum3A_973 : vector<16xi32> to vector<16x1xi32>
      %ge3A_975 = arith.constant 256 : i32
      %ge3A_976 = vector.broadcast %ge3A_975 : i32 to vector<16x1xi32>
      %ge3A_977 = arith.cmpi sge, %broadcast_in_dim3A_974, %ge3A_976 : vector<16x1xi32>
      %select_n3A_978 = arith.select %ge3A_977, %add3A_968, %select_n3A_934 : vector<16x1xi1>, vector<16x1xi32>
      %select_n3A_979 = arith.select %ge3A_977, %select_n3A_935, %add3A_968 : vector<16x1xi1>, vector<16x1xi32>
      %sub3A_980 = arith.subi %select_n3A_979, %select_n3A_978 : vector<16x1xi32>
      %jit3A_981 = arith.constant 2 : i32
      %div3A_982 = vector.broadcast %jit3A_981 : i32 to vector<16x1xi32>
      %div3A_983 = arith.divsi %sub3A_980, %div3A_982 : vector<16x1xi32>
      %sign3A_984 = arith.constant 0 : i32
      %sign3A_985 = vector.broadcast %sign3A_984 : i32 to vector<16x1xi32>
      %sign3A_986 = arith.cmpi sgt, %sub3A_980, %sign3A_985 : vector<16x1xi32>
      %sign3A_987 = arith.extui %sign3A_986 : vector<16x1xi1> to vector<16x1xi32>
      %sign3A_988 = arith.constant 0 : i32
      %sign3A_989 = vector.broadcast %sign3A_988 : i32 to vector<16x1xi32>
      %sign3A_990 = arith.cmpi slt, %sub3A_980, %sign3A_989 : vector<16x1xi32>
      %sign3A_991 = arith.extui %sign3A_990 : vector<16x1xi1> to vector<16x1xi32>
      %sign3A_992 = arith.subi %sign3A_987, %sign3A_991 : vector<16x1xi32>
      %sign3A_993 = arith.constant 0 : i32
      %sign3A_994 = arith.cmpi sgt, %jit3A_981, %sign3A_993 : i32
      %sign3A_995 = arith.extui %sign3A_994 : i1 to i32
      %sign3A_996 = arith.constant 0 : i32
      %sign3A_997 = arith.cmpi slt, %jit3A_981, %sign3A_996 : i32
      %sign3A_998 = arith.extui %sign3A_997 : i1 to i32
      %sign3A_999 = arith.subi %sign3A_995, %sign3A_998 : i32
      %ne3A_1000 = vector.broadcast %sign3A_999 : i32 to vector<16x1xi32>
      %ne3A_1001 = arith.cmpi ne, %sign3A_992, %ne3A_1000 : vector<16x1xi32>
      %rem3A_1002 = vector.broadcast %jit3A_981 : i32 to vector<16x1xi32>
      %rem3A_1003 = arith.remsi %sub3A_980, %rem3A_1002 : vector<16x1xi32>
      %ne3A_1004 = arith.constant 0 : i32
      %ne3A_1005 = vector.broadcast %ne3A_1004 : i32 to vector<16x1xi32>
      %ne3A_1006 = arith.cmpi ne, %rem3A_1003, %ne3A_1005 : vector<16x1xi32>
      %and3A_1007 = arith.andi %ne3A_1001, %ne3A_1006 : vector<16x1xi1>
      %sub3A_1008 = arith.constant 1 : i32
      %sub3A_1009 = vector.broadcast %sub3A_1008 : i32 to vector<16x1xi32>
      %sub3A_1010 = arith.subi %div3A_983, %sub3A_1009 : vector<16x1xi32>
      %select_n3A_1011 = arith.select %and3A_1007, %sub3A_1010, %div3A_983 : vector<16x1xi1>, vector<16x1xi32>
      %add3A_1012 = arith.addi %select_n3A_978, %select_n3A_1011 : vector<16x1xi32>
      %ge3A_1013 = vector.broadcast %add3A_1012 : vector<16x1xi32> to vector<16x2048xi32>
      %ge3A_1014 = arith.cmpi sge, %bitcast_convert_type3A, %ge3A_1013 : vector<16x2048xi32>
      %convert_element_type3A_1015 = arith.extui %ge3A_1014 : vector<16x2048xi1> to vector<16x2048xi32>
      %reduce_sum3A_1016 = arith.constant dense<0> : vector<16xi32>
      %reduce_sum3A_1017 = vector.multi_reduction <add>, %convert_element_type3A_1015, %reduce_sum3A_1016 [1] : vector<16x2048xi32> to vector<16xi32>
      %broadcast_in_dim3A_1018 = vector.shape_cast %reduce_sum3A_1017 : vector<16xi32> to vector<16x1xi32>
      %ge3A_1019 = arith.constant 256 : i32
      %ge3A_1020 = vector.broadcast %ge3A_1019 : i32 to vector<16x1xi32>
      %ge3A_1021 = arith.cmpi sge, %broadcast_in_dim3A_1018, %ge3A_1020 : vector<16x1xi32>
      %select_n3A_1022 = arith.select %ge3A_1021, %add3A_1012, %select_n3A_978 : vector<16x1xi1>, vector<16x1xi32>
      %select_n3A_1023 = arith.select %ge3A_1021, %select_n3A_979, %add3A_1012 : vector<16x1xi1>, vector<16x1xi32>
      %sub3A_1024 = arith.subi %select_n3A_1023, %select_n3A_1022 : vector<16x1xi32>
      %jit3A_1025 = arith.constant 2 : i32
      %div3A_1026 = vector.broadcast %jit3A_1025 : i32 to vector<16x1xi32>
      %div3A_1027 = arith.divsi %sub3A_1024, %div3A_1026 : vector<16x1xi32>
      %sign3A_1028 = arith.constant 0 : i32
      %sign3A_1029 = vector.broadcast %sign3A_1028 : i32 to vector<16x1xi32>
      %sign3A_1030 = arith.cmpi sgt, %sub3A_1024, %sign3A_1029 : vector<16x1xi32>
      %sign3A_1031 = arith.extui %sign3A_1030 : vector<16x1xi1> to vector<16x1xi32>
      %sign3A_1032 = arith.constant 0 : i32
      %sign3A_1033 = vector.broadcast %sign3A_1032 : i32 to vector<16x1xi32>
      %sign3A_1034 = arith.cmpi slt, %sub3A_1024, %sign3A_1033 : vector<16x1xi32>
      %sign3A_1035 = arith.extui %sign3A_1034 : vector<16x1xi1> to vector<16x1xi32>
      %sign3A_1036 = arith.subi %sign3A_1031, %sign3A_1035 : vector<16x1xi32>
      %sign3A_1037 = arith.constant 0 : i32
      %sign3A_1038 = arith.cmpi sgt, %jit3A_1025, %sign3A_1037 : i32
      %sign3A_1039 = arith.extui %sign3A_1038 : i1 to i32
      %sign3A_1040 = arith.constant 0 : i32
      %sign3A_1041 = arith.cmpi slt, %jit3A_1025, %sign3A_1040 : i32
      %sign3A_1042 = arith.extui %sign3A_1041 : i1 to i32
      %sign3A_1043 = arith.subi %sign3A_1039, %sign3A_1042 : i32
      %ne3A_1044 = vector.broadcast %sign3A_1043 : i32 to vector<16x1xi32>
      %ne3A_1045 = arith.cmpi ne, %sign3A_1036, %ne3A_1044 : vector<16x1xi32>
      %rem3A_1046 = vector.broadcast %jit3A_1025 : i32 to vector<16x1xi32>
      %rem3A_1047 = arith.remsi %sub3A_1024, %rem3A_1046 : vector<16x1xi32>
      %ne3A_1048 = arith.constant 0 : i32
      %ne3A_1049 = vector.broadcast %ne3A_1048 : i32 to vector<16x1xi32>
      %ne3A_1050 = arith.cmpi ne, %rem3A_1047, %ne3A_1049 : vector<16x1xi32>
      %and3A_1051 = arith.andi %ne3A_1045, %ne3A_1050 : vector<16x1xi1>
      %sub3A_1052 = arith.constant 1 : i32
      %sub3A_1053 = vector.broadcast %sub3A_1052 : i32 to vector<16x1xi32>
      %sub3A_1054 = arith.subi %div3A_1027, %sub3A_1053 : vector<16x1xi32>
      %select_n3A_1055 = arith.select %and3A_1051, %sub3A_1054, %div3A_1027 : vector<16x1xi1>, vector<16x1xi32>
      %add3A_1056 = arith.addi %select_n3A_1022, %select_n3A_1055 : vector<16x1xi32>
      %ge3A_1057 = vector.broadcast %add3A_1056 : vector<16x1xi32> to vector<16x2048xi32>
      %ge3A_1058 = arith.cmpi sge, %bitcast_convert_type3A, %ge3A_1057 : vector<16x2048xi32>
      %convert_element_type3A_1059 = arith.extui %ge3A_1058 : vector<16x2048xi1> to vector<16x2048xi32>
      %reduce_sum3A_1060 = arith.constant dense<0> : vector<16xi32>
      %reduce_sum3A_1061 = vector.multi_reduction <add>, %convert_element_type3A_1059, %reduce_sum3A_1060 [1] : vector<16x2048xi32> to vector<16xi32>
      %broadcast_in_dim3A_1062 = vector.shape_cast %reduce_sum3A_1061 : vector<16xi32> to vector<16x1xi32>
      %ge3A_1063 = arith.constant 256 : i32
      %ge3A_1064 = vector.broadcast %ge3A_1063 : i32 to vector<16x1xi32>
      %ge3A_1065 = arith.cmpi sge, %broadcast_in_dim3A_1062, %ge3A_1064 : vector<16x1xi32>
      %select_n3A_1066 = arith.select %ge3A_1065, %add3A_1056, %select_n3A_1022 : vector<16x1xi1>, vector<16x1xi32>
      %select_n3A_1067 = arith.select %ge3A_1065, %select_n3A_1023, %add3A_1056 : vector<16x1xi1>, vector<16x1xi32>
      %sub3A_1068 = arith.subi %select_n3A_1067, %select_n3A_1066 : vector<16x1xi32>
      %jit3A_1069 = arith.constant 2 : i32
      %div3A_1070 = vector.broadcast %jit3A_1069 : i32 to vector<16x1xi32>
      %div3A_1071 = arith.divsi %sub3A_1068, %div3A_1070 : vector<16x1xi32>
      %sign3A_1072 = arith.constant 0 : i32
      %sign3A_1073 = vector.broadcast %sign3A_1072 : i32 to vector<16x1xi32>
      %sign3A_1074 = arith.cmpi sgt, %sub3A_1068, %sign3A_1073 : vector<16x1xi32>
      %sign3A_1075 = arith.extui %sign3A_1074 : vector<16x1xi1> to vector<16x1xi32>
      %sign3A_1076 = arith.constant 0 : i32
      %sign3A_1077 = vector.broadcast %sign3A_1076 : i32 to vector<16x1xi32>
      %sign3A_1078 = arith.cmpi slt, %sub3A_1068, %sign3A_1077 : vector<16x1xi32>
      %sign3A_1079 = arith.extui %sign3A_1078 : vector<16x1xi1> to vector<16x1xi32>
      %sign3A_1080 = arith.subi %sign3A_1075, %sign3A_1079 : vector<16x1xi32>
      %sign3A_1081 = arith.constant 0 : i32
      %sign3A_1082 = arith.cmpi sgt, %jit3A_1069, %sign3A_1081 : i32
      %sign3A_1083 = arith.extui %sign3A_1082 : i1 to i32
      %sign3A_1084 = arith.constant 0 : i32
      %sign3A_1085 = arith.cmpi slt, %jit3A_1069, %sign3A_1084 : i32
      %sign3A_1086 = arith.extui %sign3A_1085 : i1 to i32
      %sign3A_1087 = arith.subi %sign3A_1083, %sign3A_1086 : i32
      %ne3A_1088 = vector.broadcast %sign3A_1087 : i32 to vector<16x1xi32>
      %ne3A_1089 = arith.cmpi ne, %sign3A_1080, %ne3A_1088 : vector<16x1xi32>
      %rem3A_1090 = vector.broadcast %jit3A_1069 : i32 to vector<16x1xi32>
      %rem3A_1091 = arith.remsi %sub3A_1068, %rem3A_1090 : vector<16x1xi32>
      %ne3A_1092 = arith.constant 0 : i32
      %ne3A_1093 = vector.broadcast %ne3A_1092 : i32 to vector<16x1xi32>
      %ne3A_1094 = arith.cmpi ne, %rem3A_1091, %ne3A_1093 : vector<16x1xi32>
      %and3A_1095 = arith.andi %ne3A_1089, %ne3A_1094 : vector<16x1xi1>
      %sub3A_1096 = arith.constant 1 : i32
      %sub3A_1097 = vector.broadcast %sub3A_1096 : i32 to vector<16x1xi32>
      %sub3A_1098 = arith.subi %div3A_1071, %sub3A_1097 : vector<16x1xi32>
      %select_n3A_1099 = arith.select %and3A_1095, %sub3A_1098, %div3A_1071 : vector<16x1xi1>, vector<16x1xi32>
      %add3A_1100 = arith.addi %select_n3A_1066, %select_n3A_1099 : vector<16x1xi32>
      %ge3A_1101 = vector.broadcast %add3A_1100 : vector<16x1xi32> to vector<16x2048xi32>
      %ge3A_1102 = arith.cmpi sge, %bitcast_convert_type3A, %ge3A_1101 : vector<16x2048xi32>
      %convert_element_type3A_1103 = arith.extui %ge3A_1102 : vector<16x2048xi1> to vector<16x2048xi32>
      %reduce_sum3A_1104 = arith.constant dense<0> : vector<16xi32>
      %reduce_sum3A_1105 = vector.multi_reduction <add>, %convert_element_type3A_1103, %reduce_sum3A_1104 [1] : vector<16x2048xi32> to vector<16xi32>
      %broadcast_in_dim3A_1106 = vector.shape_cast %reduce_sum3A_1105 : vector<16xi32> to vector<16x1xi32>
      %ge3A_1107 = arith.constant 256 : i32
      %ge3A_1108 = vector.broadcast %ge3A_1107 : i32 to vector<16x1xi32>
      %ge3A_1109 = arith.cmpi sge, %broadcast_in_dim3A_1106, %ge3A_1108 : vector<16x1xi32>
      %select_n3A_1110 = arith.select %ge3A_1109, %add3A_1100, %select_n3A_1066 : vector<16x1xi1>, vector<16x1xi32>
      %select_n3A_1111 = arith.select %ge3A_1109, %select_n3A_1067, %add3A_1100 : vector<16x1xi1>, vector<16x1xi32>
      %sub3A_1112 = arith.subi %select_n3A_1111, %select_n3A_1110 : vector<16x1xi32>
      %jit3A_1113 = arith.constant 2 : i32
      %div3A_1114 = vector.broadcast %jit3A_1113 : i32 to vector<16x1xi32>
      %div3A_1115 = arith.divsi %sub3A_1112, %div3A_1114 : vector<16x1xi32>
      %sign3A_1116 = arith.constant 0 : i32
      %sign3A_1117 = vector.broadcast %sign3A_1116 : i32 to vector<16x1xi32>
      %sign3A_1118 = arith.cmpi sgt, %sub3A_1112, %sign3A_1117 : vector<16x1xi32>
      %sign3A_1119 = arith.extui %sign3A_1118 : vector<16x1xi1> to vector<16x1xi32>
      %sign3A_1120 = arith.constant 0 : i32
      %sign3A_1121 = vector.broadcast %sign3A_1120 : i32 to vector<16x1xi32>
      %sign3A_1122 = arith.cmpi slt, %sub3A_1112, %sign3A_1121 : vector<16x1xi32>
      %sign3A_1123 = arith.extui %sign3A_1122 : vector<16x1xi1> to vector<16x1xi32>
      %sign3A_1124 = arith.subi %sign3A_1119, %sign3A_1123 : vector<16x1xi32>
      %sign3A_1125 = arith.constant 0 : i32
      %sign3A_1126 = arith.cmpi sgt, %jit3A_1113, %sign3A_1125 : i32
      %sign3A_1127 = arith.extui %sign3A_1126 : i1 to i32
      %sign3A_1128 = arith.constant 0 : i32
      %sign3A_1129 = arith.cmpi slt, %jit3A_1113, %sign3A_1128 : i32
      %sign3A_1130 = arith.extui %sign3A_1129 : i1 to i32
      %sign3A_1131 = arith.subi %sign3A_1127, %sign3A_1130 : i32
      %ne3A_1132 = vector.broadcast %sign3A_1131 : i32 to vector<16x1xi32>
      %ne3A_1133 = arith.cmpi ne, %sign3A_1124, %ne3A_1132 : vector<16x1xi32>
      %rem3A_1134 = vector.broadcast %jit3A_1113 : i32 to vector<16x1xi32>
      %rem3A_1135 = arith.remsi %sub3A_1112, %rem3A_1134 : vector<16x1xi32>
      %ne3A_1136 = arith.constant 0 : i32
      %ne3A_1137 = vector.broadcast %ne3A_1136 : i32 to vector<16x1xi32>
      %ne3A_1138 = arith.cmpi ne, %rem3A_1135, %ne3A_1137 : vector<16x1xi32>
      %and3A_1139 = arith.andi %ne3A_1133, %ne3A_1138 : vector<16x1xi1>
      %sub3A_1140 = arith.constant 1 : i32
      %sub3A_1141 = vector.broadcast %sub3A_1140 : i32 to vector<16x1xi32>
      %sub3A_1142 = arith.subi %div3A_1115, %sub3A_1141 : vector<16x1xi32>
      %select_n3A_1143 = arith.select %and3A_1139, %sub3A_1142, %div3A_1115 : vector<16x1xi1>, vector<16x1xi32>
      %add3A_1144 = arith.addi %select_n3A_1110, %select_n3A_1143 : vector<16x1xi32>
      %ge3A_1145 = vector.broadcast %add3A_1144 : vector<16x1xi32> to vector<16x2048xi32>
      %ge3A_1146 = arith.cmpi sge, %bitcast_convert_type3A, %ge3A_1145 : vector<16x2048xi32>
      %convert_element_type3A_1147 = arith.extui %ge3A_1146 : vector<16x2048xi1> to vector<16x2048xi32>
      %reduce_sum3A_1148 = arith.constant dense<0> : vector<16xi32>
      %reduce_sum3A_1149 = vector.multi_reduction <add>, %convert_element_type3A_1147, %reduce_sum3A_1148 [1] : vector<16x2048xi32> to vector<16xi32>
      %broadcast_in_dim3A_1150 = vector.shape_cast %reduce_sum3A_1149 : vector<16xi32> to vector<16x1xi32>
      %ge3A_1151 = arith.constant 256 : i32
      %ge3A_1152 = vector.broadcast %ge3A_1151 : i32 to vector<16x1xi32>
      %ge3A_1153 = arith.cmpi sge, %broadcast_in_dim3A_1150, %ge3A_1152 : vector<16x1xi32>
      %select_n3A_1154 = arith.select %ge3A_1153, %add3A_1144, %select_n3A_1110 : vector<16x1xi1>, vector<16x1xi32>
      %select_n3A_1155 = arith.select %ge3A_1153, %select_n3A_1111, %add3A_1144 : vector<16x1xi1>, vector<16x1xi32>
      %sub3A_1156 = arith.subi %select_n3A_1155, %select_n3A_1154 : vector<16x1xi32>
      %jit3A_1157 = arith.constant 2 : i32
      %div3A_1158 = vector.broadcast %jit3A_1157 : i32 to vector<16x1xi32>
      %div3A_1159 = arith.divsi %sub3A_1156, %div3A_1158 : vector<16x1xi32>
      %sign3A_1160 = arith.constant 0 : i32
      %sign3A_1161 = vector.broadcast %sign3A_1160 : i32 to vector<16x1xi32>
      %sign3A_1162 = arith.cmpi sgt, %sub3A_1156, %sign3A_1161 : vector<16x1xi32>
      %sign3A_1163 = arith.extui %sign3A_1162 : vector<16x1xi1> to vector<16x1xi32>
      %sign3A_1164 = arith.constant 0 : i32
      %sign3A_1165 = vector.broadcast %sign3A_1164 : i32 to vector<16x1xi32>
      %sign3A_1166 = arith.cmpi slt, %sub3A_1156, %sign3A_1165 : vector<16x1xi32>
      %sign3A_1167 = arith.extui %sign3A_1166 : vector<16x1xi1> to vector<16x1xi32>
      %sign3A_1168 = arith.subi %sign3A_1163, %sign3A_1167 : vector<16x1xi32>
      %sign3A_1169 = arith.constant 0 : i32
      %sign3A_1170 = arith.cmpi sgt, %jit3A_1157, %sign3A_1169 : i32
      %sign3A_1171 = arith.extui %sign3A_1170 : i1 to i32
      %sign3A_1172 = arith.constant 0 : i32
      %sign3A_1173 = arith.cmpi slt, %jit3A_1157, %sign3A_1172 : i32
      %sign3A_1174 = arith.extui %sign3A_1173 : i1 to i32
      %sign3A_1175 = arith.subi %sign3A_1171, %sign3A_1174 : i32
      %ne3A_1176 = vector.broadcast %sign3A_1175 : i32 to vector<16x1xi32>
      %ne3A_1177 = arith.cmpi ne, %sign3A_1168, %ne3A_1176 : vector<16x1xi32>
      %rem3A_1178 = vector.broadcast %jit3A_1157 : i32 to vector<16x1xi32>
      %rem3A_1179 = arith.remsi %sub3A_1156, %rem3A_1178 : vector<16x1xi32>
      %ne3A_1180 = arith.constant 0 : i32
      %ne3A_1181 = vector.broadcast %ne3A_1180 : i32 to vector<16x1xi32>
      %ne3A_1182 = arith.cmpi ne, %rem3A_1179, %ne3A_1181 : vector<16x1xi32>
      %and3A_1183 = arith.andi %ne3A_1177, %ne3A_1182 : vector<16x1xi1>
      %sub3A_1184 = arith.constant 1 : i32
      %sub3A_1185 = vector.broadcast %sub3A_1184 : i32 to vector<16x1xi32>
      %sub3A_1186 = arith.subi %div3A_1159, %sub3A_1185 : vector<16x1xi32>
      %select_n3A_1187 = arith.select %and3A_1183, %sub3A_1186, %div3A_1159 : vector<16x1xi1>, vector<16x1xi32>
      %add3A_1188 = arith.addi %select_n3A_1154, %select_n3A_1187 : vector<16x1xi32>
      %ge3A_1189 = vector.broadcast %add3A_1188 : vector<16x1xi32> to vector<16x2048xi32>
      %ge3A_1190 = arith.cmpi sge, %bitcast_convert_type3A, %ge3A_1189 : vector<16x2048xi32>
      %convert_element_type3A_1191 = arith.extui %ge3A_1190 : vector<16x2048xi1> to vector<16x2048xi32>
      %reduce_sum3A_1192 = arith.constant dense<0> : vector<16xi32>
      %reduce_sum3A_1193 = vector.multi_reduction <add>, %convert_element_type3A_1191, %reduce_sum3A_1192 [1] : vector<16x2048xi32> to vector<16xi32>
      %broadcast_in_dim3A_1194 = vector.shape_cast %reduce_sum3A_1193 : vector<16xi32> to vector<16x1xi32>
      %ge3A_1195 = arith.constant 256 : i32
      %ge3A_1196 = vector.broadcast %ge3A_1195 : i32 to vector<16x1xi32>
      %ge3A_1197 = arith.cmpi sge, %broadcast_in_dim3A_1194, %ge3A_1196 : vector<16x1xi32>
      %select_n3A_1198 = arith.select %ge3A_1197, %add3A_1188, %select_n3A_1154 : vector<16x1xi1>, vector<16x1xi32>
      %select_n3A_1199 = arith.select %ge3A_1197, %select_n3A_1155, %add3A_1188 : vector<16x1xi1>, vector<16x1xi32>
      %sub3A_1200 = arith.subi %select_n3A_1199, %select_n3A_1198 : vector<16x1xi32>
      %jit3A_1201 = arith.constant 2 : i32
      %div3A_1202 = vector.broadcast %jit3A_1201 : i32 to vector<16x1xi32>
      %div3A_1203 = arith.divsi %sub3A_1200, %div3A_1202 : vector<16x1xi32>
      %sign3A_1204 = arith.constant 0 : i32
      %sign3A_1205 = vector.broadcast %sign3A_1204 : i32 to vector<16x1xi32>
      %sign3A_1206 = arith.cmpi sgt, %sub3A_1200, %sign3A_1205 : vector<16x1xi32>
      %sign3A_1207 = arith.extui %sign3A_1206 : vector<16x1xi1> to vector<16x1xi32>
      %sign3A_1208 = arith.constant 0 : i32
      %sign3A_1209 = vector.broadcast %sign3A_1208 : i32 to vector<16x1xi32>
      %sign3A_1210 = arith.cmpi slt, %sub3A_1200, %sign3A_1209 : vector<16x1xi32>
      %sign3A_1211 = arith.extui %sign3A_1210 : vector<16x1xi1> to vector<16x1xi32>
      %sign3A_1212 = arith.subi %sign3A_1207, %sign3A_1211 : vector<16x1xi32>
      %sign3A_1213 = arith.constant 0 : i32
      %sign3A_1214 = arith.cmpi sgt, %jit3A_1201, %sign3A_1213 : i32
      %sign3A_1215 = arith.extui %sign3A_1214 : i1 to i32
      %sign3A_1216 = arith.constant 0 : i32
      %sign3A_1217 = arith.cmpi slt, %jit3A_1201, %sign3A_1216 : i32
      %sign3A_1218 = arith.extui %sign3A_1217 : i1 to i32
      %sign3A_1219 = arith.subi %sign3A_1215, %sign3A_1218 : i32
      %ne3A_1220 = vector.broadcast %sign3A_1219 : i32 to vector<16x1xi32>
      %ne3A_1221 = arith.cmpi ne, %sign3A_1212, %ne3A_1220 : vector<16x1xi32>
      %rem3A_1222 = vector.broadcast %jit3A_1201 : i32 to vector<16x1xi32>
      %rem3A_1223 = arith.remsi %sub3A_1200, %rem3A_1222 : vector<16x1xi32>
      %ne3A_1224 = arith.constant 0 : i32
      %ne3A_1225 = vector.broadcast %ne3A_1224 : i32 to vector<16x1xi32>
      %ne3A_1226 = arith.cmpi ne, %rem3A_1223, %ne3A_1225 : vector<16x1xi32>
      %and3A_1227 = arith.andi %ne3A_1221, %ne3A_1226 : vector<16x1xi1>
      %sub3A_1228 = arith.constant 1 : i32
      %sub3A_1229 = vector.broadcast %sub3A_1228 : i32 to vector<16x1xi32>
      %sub3A_1230 = arith.subi %div3A_1203, %sub3A_1229 : vector<16x1xi32>
      %select_n3A_1231 = arith.select %and3A_1227, %sub3A_1230, %div3A_1203 : vector<16x1xi1>, vector<16x1xi32>
      %add3A_1232 = arith.addi %select_n3A_1198, %select_n3A_1231 : vector<16x1xi32>
      %ge3A_1233 = vector.broadcast %add3A_1232 : vector<16x1xi32> to vector<16x2048xi32>
      %ge3A_1234 = arith.cmpi sge, %bitcast_convert_type3A, %ge3A_1233 : vector<16x2048xi32>
      %convert_element_type3A_1235 = arith.extui %ge3A_1234 : vector<16x2048xi1> to vector<16x2048xi32>
      %reduce_sum3A_1236 = arith.constant dense<0> : vector<16xi32>
      %reduce_sum3A_1237 = vector.multi_reduction <add>, %convert_element_type3A_1235, %reduce_sum3A_1236 [1] : vector<16x2048xi32> to vector<16xi32>
      %broadcast_in_dim3A_1238 = vector.shape_cast %reduce_sum3A_1237 : vector<16xi32> to vector<16x1xi32>
      %ge3A_1239 = arith.constant 256 : i32
      %ge3A_1240 = vector.broadcast %ge3A_1239 : i32 to vector<16x1xi32>
      %ge3A_1241 = arith.cmpi sge, %broadcast_in_dim3A_1238, %ge3A_1240 : vector<16x1xi32>
      %select_n3A_1242 = arith.select %ge3A_1241, %add3A_1232, %select_n3A_1198 : vector<16x1xi1>, vector<16x1xi32>
      %select_n3A_1243 = arith.select %ge3A_1241, %select_n3A_1199, %add3A_1232 : vector<16x1xi1>, vector<16x1xi32>
      %sub3A_1244 = arith.subi %select_n3A_1243, %select_n3A_1242 : vector<16x1xi32>
      %jit3A_1245 = arith.constant 2 : i32
      %div3A_1246 = vector.broadcast %jit3A_1245 : i32 to vector<16x1xi32>
      %div3A_1247 = arith.divsi %sub3A_1244, %div3A_1246 : vector<16x1xi32>
      %sign3A_1248 = arith.constant 0 : i32
      %sign3A_1249 = vector.broadcast %sign3A_1248 : i32 to vector<16x1xi32>
      %sign3A_1250 = arith.cmpi sgt, %sub3A_1244, %sign3A_1249 : vector<16x1xi32>
      %sign3A_1251 = arith.extui %sign3A_1250 : vector<16x1xi1> to vector<16x1xi32>
      %sign3A_1252 = arith.constant 0 : i32
      %sign3A_1253 = vector.broadcast %sign3A_1252 : i32 to vector<16x1xi32>
      %sign3A_1254 = arith.cmpi slt, %sub3A_1244, %sign3A_1253 : vector<16x1xi32>
      %sign3A_1255 = arith.extui %sign3A_1254 : vector<16x1xi1> to vector<16x1xi32>
      %sign3A_1256 = arith.subi %sign3A_1251, %sign3A_1255 : vector<16x1xi32>
      %sign3A_1257 = arith.constant 0 : i32
      %sign3A_1258 = arith.cmpi sgt, %jit3A_1245, %sign3A_1257 : i32
      %sign3A_1259 = arith.extui %sign3A_1258 : i1 to i32
      %sign3A_1260 = arith.constant 0 : i32
      %sign3A_1261 = arith.cmpi slt, %jit3A_1245, %sign3A_1260 : i32
      %sign3A_1262 = arith.extui %sign3A_1261 : i1 to i32
      %sign3A_1263 = arith.subi %sign3A_1259, %sign3A_1262 : i32
      %ne3A_1264 = vector.broadcast %sign3A_1263 : i32 to vector<16x1xi32>
      %ne3A_1265 = arith.cmpi ne, %sign3A_1256, %ne3A_1264 : vector<16x1xi32>
      %rem3A_1266 = vector.broadcast %jit3A_1245 : i32 to vector<16x1xi32>
      %rem3A_1267 = arith.remsi %sub3A_1244, %rem3A_1266 : vector<16x1xi32>
      %ne3A_1268 = arith.constant 0 : i32
      %ne3A_1269 = vector.broadcast %ne3A_1268 : i32 to vector<16x1xi32>
      %ne3A_1270 = arith.cmpi ne, %rem3A_1267, %ne3A_1269 : vector<16x1xi32>
      %and3A_1271 = arith.andi %ne3A_1265, %ne3A_1270 : vector<16x1xi1>
      %sub3A_1272 = arith.constant 1 : i32
      %sub3A_1273 = vector.broadcast %sub3A_1272 : i32 to vector<16x1xi32>
      %sub3A_1274 = arith.subi %div3A_1247, %sub3A_1273 : vector<16x1xi32>
      %select_n3A_1275 = arith.select %and3A_1271, %sub3A_1274, %div3A_1247 : vector<16x1xi1>, vector<16x1xi32>
      %add3A_1276 = arith.addi %select_n3A_1242, %select_n3A_1275 : vector<16x1xi32>
      %ge3A_1277 = vector.broadcast %add3A_1276 : vector<16x1xi32> to vector<16x2048xi32>
      %ge3A_1278 = arith.cmpi sge, %bitcast_convert_type3A, %ge3A_1277 : vector<16x2048xi32>
      %convert_element_type3A_1279 = arith.extui %ge3A_1278 : vector<16x2048xi1> to vector<16x2048xi32>
      %reduce_sum3A_1280 = arith.constant dense<0> : vector<16xi32>
      %reduce_sum3A_1281 = vector.multi_reduction <add>, %convert_element_type3A_1279, %reduce_sum3A_1280 [1] : vector<16x2048xi32> to vector<16xi32>
      %broadcast_in_dim3A_1282 = vector.shape_cast %reduce_sum3A_1281 : vector<16xi32> to vector<16x1xi32>
      %ge3A_1283 = arith.constant 256 : i32
      %ge3A_1284 = vector.broadcast %ge3A_1283 : i32 to vector<16x1xi32>
      %ge3A_1285 = arith.cmpi sge, %broadcast_in_dim3A_1282, %ge3A_1284 : vector<16x1xi32>
      %select_n3A_1286 = arith.select %ge3A_1285, %add3A_1276, %select_n3A_1242 : vector<16x1xi1>, vector<16x1xi32>
      %select_n3A_1287 = arith.select %ge3A_1285, %select_n3A_1243, %add3A_1276 : vector<16x1xi1>, vector<16x1xi32>
      %sub3A_1288 = arith.subi %select_n3A_1287, %select_n3A_1286 : vector<16x1xi32>
      %jit3A_1289 = arith.constant 2 : i32
      %div3A_1290 = vector.broadcast %jit3A_1289 : i32 to vector<16x1xi32>
      %div3A_1291 = arith.divsi %sub3A_1288, %div3A_1290 : vector<16x1xi32>
      %sign3A_1292 = arith.constant 0 : i32
      %sign3A_1293 = vector.broadcast %sign3A_1292 : i32 to vector<16x1xi32>
      %sign3A_1294 = arith.cmpi sgt, %sub3A_1288, %sign3A_1293 : vector<16x1xi32>
      %sign3A_1295 = arith.extui %sign3A_1294 : vector<16x1xi1> to vector<16x1xi32>
      %sign3A_1296 = arith.constant 0 : i32
      %sign3A_1297 = vector.broadcast %sign3A_1296 : i32 to vector<16x1xi32>
      %sign3A_1298 = arith.cmpi slt, %sub3A_1288, %sign3A_1297 : vector<16x1xi32>
      %sign3A_1299 = arith.extui %sign3A_1298 : vector<16x1xi1> to vector<16x1xi32>
      %sign3A_1300 = arith.subi %sign3A_1295, %sign3A_1299 : vector<16x1xi32>
      %sign3A_1301 = arith.constant 0 : i32
      %sign3A_1302 = arith.cmpi sgt, %jit3A_1289, %sign3A_1301 : i32
      %sign3A_1303 = arith.extui %sign3A_1302 : i1 to i32
      %sign3A_1304 = arith.constant 0 : i32
      %sign3A_1305 = arith.cmpi slt, %jit3A_1289, %sign3A_1304 : i32
      %sign3A_1306 = arith.extui %sign3A_1305 : i1 to i32
      %sign3A_1307 = arith.subi %sign3A_1303, %sign3A_1306 : i32
      %ne3A_1308 = vector.broadcast %sign3A_1307 : i32 to vector<16x1xi32>
      %ne3A_1309 = arith.cmpi ne, %sign3A_1300, %ne3A_1308 : vector<16x1xi32>
      %rem3A_1310 = vector.broadcast %jit3A_1289 : i32 to vector<16x1xi32>
      %rem3A_1311 = arith.remsi %sub3A_1288, %rem3A_1310 : vector<16x1xi32>
      %ne3A_1312 = arith.constant 0 : i32
      %ne3A_1313 = vector.broadcast %ne3A_1312 : i32 to vector<16x1xi32>
      %ne3A_1314 = arith.cmpi ne, %rem3A_1311, %ne3A_1313 : vector<16x1xi32>
      %and3A_1315 = arith.andi %ne3A_1309, %ne3A_1314 : vector<16x1xi1>
      %sub3A_1316 = arith.constant 1 : i32
      %sub3A_1317 = vector.broadcast %sub3A_1316 : i32 to vector<16x1xi32>
      %sub3A_1318 = arith.subi %div3A_1291, %sub3A_1317 : vector<16x1xi32>
      %select_n3A_1319 = arith.select %and3A_1315, %sub3A_1318, %div3A_1291 : vector<16x1xi1>, vector<16x1xi32>
      %add3A_1320 = arith.addi %select_n3A_1286, %select_n3A_1319 : vector<16x1xi32>
      %ge3A_1321 = vector.broadcast %add3A_1320 : vector<16x1xi32> to vector<16x2048xi32>
      %ge3A_1322 = arith.cmpi sge, %bitcast_convert_type3A, %ge3A_1321 : vector<16x2048xi32>
      %convert_element_type3A_1323 = arith.extui %ge3A_1322 : vector<16x2048xi1> to vector<16x2048xi32>
      %reduce_sum3A_1324 = arith.constant dense<0> : vector<16xi32>
      %reduce_sum3A_1325 = vector.multi_reduction <add>, %convert_element_type3A_1323, %reduce_sum3A_1324 [1] : vector<16x2048xi32> to vector<16xi32>
      %broadcast_in_dim3A_1326 = vector.shape_cast %reduce_sum3A_1325 : vector<16xi32> to vector<16x1xi32>
      %ge3A_1327 = arith.constant 256 : i32
      %ge3A_1328 = vector.broadcast %ge3A_1327 : i32 to vector<16x1xi32>
      %ge3A_1329 = arith.cmpi sge, %broadcast_in_dim3A_1326, %ge3A_1328 : vector<16x1xi32>
      %select_n3A_1330 = arith.select %ge3A_1329, %add3A_1320, %select_n3A_1286 : vector<16x1xi1>, vector<16x1xi32>
      %select_n3A_1331 = arith.select %ge3A_1329, %select_n3A_1287, %add3A_1320 : vector<16x1xi1>, vector<16x1xi32>
      %sub3A_1332 = arith.subi %select_n3A_1331, %select_n3A_1330 : vector<16x1xi32>
      %jit3A_1333 = arith.constant 2 : i32
      %div3A_1334 = vector.broadcast %jit3A_1333 : i32 to vector<16x1xi32>
      %div3A_1335 = arith.divsi %sub3A_1332, %div3A_1334 : vector<16x1xi32>
      %sign3A_1336 = arith.constant 0 : i32
      %sign3A_1337 = vector.broadcast %sign3A_1336 : i32 to vector<16x1xi32>
      %sign3A_1338 = arith.cmpi sgt, %sub3A_1332, %sign3A_1337 : vector<16x1xi32>
      %sign3A_1339 = arith.extui %sign3A_1338 : vector<16x1xi1> to vector<16x1xi32>
      %sign3A_1340 = arith.constant 0 : i32
      %sign3A_1341 = vector.broadcast %sign3A_1340 : i32 to vector<16x1xi32>
      %sign3A_1342 = arith.cmpi slt, %sub3A_1332, %sign3A_1341 : vector<16x1xi32>
      %sign3A_1343 = arith.extui %sign3A_1342 : vector<16x1xi1> to vector<16x1xi32>
      %sign3A_1344 = arith.subi %sign3A_1339, %sign3A_1343 : vector<16x1xi32>
      %sign3A_1345 = arith.constant 0 : i32
      %sign3A_1346 = arith.cmpi sgt, %jit3A_1333, %sign3A_1345 : i32
      %sign3A_1347 = arith.extui %sign3A_1346 : i1 to i32
      %sign3A_1348 = arith.constant 0 : i32
      %sign3A_1349 = arith.cmpi slt, %jit3A_1333, %sign3A_1348 : i32
      %sign3A_1350 = arith.extui %sign3A_1349 : i1 to i32
      %sign3A_1351 = arith.subi %sign3A_1347, %sign3A_1350 : i32
      %ne3A_1352 = vector.broadcast %sign3A_1351 : i32 to vector<16x1xi32>
      %ne3A_1353 = arith.cmpi ne, %sign3A_1344, %ne3A_1352 : vector<16x1xi32>
      %rem3A_1354 = vector.broadcast %jit3A_1333 : i32 to vector<16x1xi32>
      %rem3A_1355 = arith.remsi %sub3A_1332, %rem3A_1354 : vector<16x1xi32>
      %ne3A_1356 = arith.constant 0 : i32
      %ne3A_1357 = vector.broadcast %ne3A_1356 : i32 to vector<16x1xi32>
      %ne3A_1358 = arith.cmpi ne, %rem3A_1355, %ne3A_1357 : vector<16x1xi32>
      %and3A_1359 = arith.andi %ne3A_1353, %ne3A_1358 : vector<16x1xi1>
      %sub3A_1360 = arith.constant 1 : i32
      %sub3A_1361 = vector.broadcast %sub3A_1360 : i32 to vector<16x1xi32>
      %sub3A_1362 = arith.subi %div3A_1335, %sub3A_1361 : vector<16x1xi32>
      %select_n3A_1363 = arith.select %and3A_1359, %sub3A_1362, %div3A_1335 : vector<16x1xi1>, vector<16x1xi32>
      %add3A_1364 = arith.addi %select_n3A_1330, %select_n3A_1363 : vector<16x1xi32>
      %ge3A_1365 = vector.broadcast %add3A_1364 : vector<16x1xi32> to vector<16x2048xi32>
      %ge3A_1366 = arith.cmpi sge, %bitcast_convert_type3A, %ge3A_1365 : vector<16x2048xi32>
      %convert_element_type3A_1367 = arith.extui %ge3A_1366 : vector<16x2048xi1> to vector<16x2048xi32>
      %reduce_sum3A_1368 = arith.constant dense<0> : vector<16xi32>
      %reduce_sum3A_1369 = vector.multi_reduction <add>, %convert_element_type3A_1367, %reduce_sum3A_1368 [1] : vector<16x2048xi32> to vector<16xi32>
      %broadcast_in_dim3A_1370 = vector.shape_cast %reduce_sum3A_1369 : vector<16xi32> to vector<16x1xi32>
      %ge3A_1371 = arith.constant 256 : i32
      %ge3A_1372 = vector.broadcast %ge3A_1371 : i32 to vector<16x1xi32>
      %ge3A_1373 = arith.cmpi sge, %broadcast_in_dim3A_1370, %ge3A_1372 : vector<16x1xi32>
      %select_n3A_1374 = arith.select %ge3A_1373, %add3A_1364, %select_n3A_1330 : vector<16x1xi1>, vector<16x1xi32>
      %select_n3A_1375 = arith.select %ge3A_1373, %select_n3A_1331, %add3A_1364 : vector<16x1xi1>, vector<16x1xi32>
      %sub3A_1376 = arith.subi %select_n3A_1375, %select_n3A_1374 : vector<16x1xi32>
      %jit3A_1377 = arith.constant 2 : i32
      %div3A_1378 = vector.broadcast %jit3A_1377 : i32 to vector<16x1xi32>
      %div3A_1379 = arith.divsi %sub3A_1376, %div3A_1378 : vector<16x1xi32>
      %sign3A_1380 = arith.constant 0 : i32
      %sign3A_1381 = vector.broadcast %sign3A_1380 : i32 to vector<16x1xi32>
      %sign3A_1382 = arith.cmpi sgt, %sub3A_1376, %sign3A_1381 : vector<16x1xi32>
      %sign3A_1383 = arith.extui %sign3A_1382 : vector<16x1xi1> to vector<16x1xi32>
      %sign3A_1384 = arith.constant 0 : i32
      %sign3A_1385 = vector.broadcast %sign3A_1384 : i32 to vector<16x1xi32>
      %sign3A_1386 = arith.cmpi slt, %sub3A_1376, %sign3A_1385 : vector<16x1xi32>
      %sign3A_1387 = arith.extui %sign3A_1386 : vector<16x1xi1> to vector<16x1xi32>
      %sign3A_1388 = arith.subi %sign3A_1383, %sign3A_1387 : vector<16x1xi32>
      %sign3A_1389 = arith.constant 0 : i32
      %sign3A_1390 = arith.cmpi sgt, %jit3A_1377, %sign3A_1389 : i32
      %sign3A_1391 = arith.extui %sign3A_1390 : i1 to i32
      %sign3A_1392 = arith.constant 0 : i32
      %sign3A_1393 = arith.cmpi slt, %jit3A_1377, %sign3A_1392 : i32
      %sign3A_1394 = arith.extui %sign3A_1393 : i1 to i32
      %sign3A_1395 = arith.subi %sign3A_1391, %sign3A_1394 : i32
      %ne3A_1396 = vector.broadcast %sign3A_1395 : i32 to vector<16x1xi32>
      %ne3A_1397 = arith.cmpi ne, %sign3A_1388, %ne3A_1396 : vector<16x1xi32>
      %rem3A_1398 = vector.broadcast %jit3A_1377 : i32 to vector<16x1xi32>
      %rem3A_1399 = arith.remsi %sub3A_1376, %rem3A_1398 : vector<16x1xi32>
      %ne3A_1400 = arith.constant 0 : i32
      %ne3A_1401 = vector.broadcast %ne3A_1400 : i32 to vector<16x1xi32>
      %ne3A_1402 = arith.cmpi ne, %rem3A_1399, %ne3A_1401 : vector<16x1xi32>
      %and3A_1403 = arith.andi %ne3A_1397, %ne3A_1402 : vector<16x1xi1>
      %sub3A_1404 = arith.constant 1 : i32
      %sub3A_1405 = vector.broadcast %sub3A_1404 : i32 to vector<16x1xi32>
      %sub3A_1406 = arith.subi %div3A_1379, %sub3A_1405 : vector<16x1xi32>
      %select_n3A_1407 = arith.select %and3A_1403, %sub3A_1406, %div3A_1379 : vector<16x1xi1>, vector<16x1xi32>
      %add3A_1408 = arith.addi %select_n3A_1374, %select_n3A_1407 : vector<16x1xi32>
      %ge3A_1409 = vector.broadcast %add3A_1408 : vector<16x1xi32> to vector<16x2048xi32>
      %ge3A_1410 = arith.cmpi sge, %bitcast_convert_type3A, %ge3A_1409 : vector<16x2048xi32>
      %convert_element_type3A_1411 = arith.extui %ge3A_1410 : vector<16x2048xi1> to vector<16x2048xi32>
      %reduce_sum3A_1412 = arith.constant dense<0> : vector<16xi32>
      %reduce_sum3A_1413 = vector.multi_reduction <add>, %convert_element_type3A_1411, %reduce_sum3A_1412 [1] : vector<16x2048xi32> to vector<16xi32>
      %broadcast_in_dim3A_1414 = vector.shape_cast %reduce_sum3A_1413 : vector<16xi32> to vector<16x1xi32>
      %ge3A_1415 = arith.constant 256 : i32
      %ge3A_1416 = vector.broadcast %ge3A_1415 : i32 to vector<16x1xi32>
      %ge3A_1417 = arith.cmpi sge, %broadcast_in_dim3A_1414, %ge3A_1416 : vector<16x1xi32>
      %select_n3A_1418 = arith.select %ge3A_1417, %add3A_1408, %select_n3A_1374 : vector<16x1xi1>, vector<16x1xi32>
      %select_n3A_1419 = arith.select %ge3A_1417, %select_n3A_1375, %add3A_1408 : vector<16x1xi1>, vector<16x1xi32>
      %sub3A_1420 = arith.subi %select_n3A_1419, %select_n3A_1418 : vector<16x1xi32>
      %jit3A_1421 = arith.constant 2 : i32
      %div3A_1422 = vector.broadcast %jit3A_1421 : i32 to vector<16x1xi32>
      %div3A_1423 = arith.divsi %sub3A_1420, %div3A_1422 : vector<16x1xi32>
      %sign3A_1424 = arith.constant 0 : i32
      %sign3A_1425 = vector.broadcast %sign3A_1424 : i32 to vector<16x1xi32>
      %sign3A_1426 = arith.cmpi sgt, %sub3A_1420, %sign3A_1425 : vector<16x1xi32>
      %sign3A_1427 = arith.extui %sign3A_1426 : vector<16x1xi1> to vector<16x1xi32>
      %sign3A_1428 = arith.constant 0 : i32
      %sign3A_1429 = vector.broadcast %sign3A_1428 : i32 to vector<16x1xi32>
      %sign3A_1430 = arith.cmpi slt, %sub3A_1420, %sign3A_1429 : vector<16x1xi32>
      %sign3A_1431 = arith.extui %sign3A_1430 : vector<16x1xi1> to vector<16x1xi32>
      %sign3A_1432 = arith.subi %sign3A_1427, %sign3A_1431 : vector<16x1xi32>
      %sign3A_1433 = arith.constant 0 : i32
      %sign3A_1434 = arith.cmpi sgt, %jit3A_1421, %sign3A_1433 : i32
      %sign3A_1435 = arith.extui %sign3A_1434 : i1 to i32
      %sign3A_1436 = arith.constant 0 : i32
      %sign3A_1437 = arith.cmpi slt, %jit3A_1421, %sign3A_1436 : i32
      %sign3A_1438 = arith.extui %sign3A_1437 : i1 to i32
      %sign3A_1439 = arith.subi %sign3A_1435, %sign3A_1438 : i32
      %ne3A_1440 = vector.broadcast %sign3A_1439 : i32 to vector<16x1xi32>
      %ne3A_1441 = arith.cmpi ne, %sign3A_1432, %ne3A_1440 : vector<16x1xi32>
      %rem3A_1442 = vector.broadcast %jit3A_1421 : i32 to vector<16x1xi32>
      %rem3A_1443 = arith.remsi %sub3A_1420, %rem3A_1442 : vector<16x1xi32>
      %ne3A_1444 = arith.constant 0 : i32
      %ne3A_1445 = vector.broadcast %ne3A_1444 : i32 to vector<16x1xi32>
      %ne3A_1446 = arith.cmpi ne, %rem3A_1443, %ne3A_1445 : vector<16x1xi32>
      %and3A_1447 = arith.andi %ne3A_1441, %ne3A_1446 : vector<16x1xi1>
      %sub3A_1448 = arith.constant 1 : i32
      %sub3A_1449 = vector.broadcast %sub3A_1448 : i32 to vector<16x1xi32>
      %sub3A_1450 = arith.subi %div3A_1423, %sub3A_1449 : vector<16x1xi32>
      %select_n3A_1451 = arith.select %and3A_1447, %sub3A_1450, %div3A_1423 : vector<16x1xi1>, vector<16x1xi32>
      %add3A_1452 = arith.addi %select_n3A_1418, %select_n3A_1451 : vector<16x1xi32>
      %ge3A_1453 = vector.broadcast %add3A_1452 : vector<16x1xi32> to vector<16x2048xi32>
      %ge3A_1454 = arith.cmpi sge, %bitcast_convert_type3A, %ge3A_1453 : vector<16x2048xi32>
      %convert_element_type3A_1455 = arith.extui %ge3A_1454 : vector<16x2048xi1> to vector<16x2048xi32>
      %reduce_sum3A_1456 = arith.constant dense<0> : vector<16xi32>
      %reduce_sum3A_1457 = vector.multi_reduction <add>, %convert_element_type3A_1455, %reduce_sum3A_1456 [1] : vector<16x2048xi32> to vector<16xi32>
      %broadcast_in_dim3A_1458 = vector.shape_cast %reduce_sum3A_1457 : vector<16xi32> to vector<16x1xi32>
      %ge3A_1459 = arith.constant 256 : i32
      %ge3A_1460 = vector.broadcast %ge3A_1459 : i32 to vector<16x1xi32>
      %ge3A_1461 = arith.cmpi sge, %broadcast_in_dim3A_1458, %ge3A_1460 : vector<16x1xi32>
      %select_n3A_1462 = arith.select %ge3A_1461, %add3A_1452, %select_n3A_1418 : vector<16x1xi1>, vector<16x1xi32>
      %select_n3A_1463 = arith.select %ge3A_1461, %select_n3A_1419, %add3A_1452 : vector<16x1xi1>, vector<16x1xi32>
      %sub3A_1464 = arith.subi %select_n3A_1463, %select_n3A_1462 : vector<16x1xi32>
      %jit3A_1465 = arith.constant 2 : i32
      %div3A_1466 = vector.broadcast %jit3A_1465 : i32 to vector<16x1xi32>
      %div3A_1467 = arith.divsi %sub3A_1464, %div3A_1466 : vector<16x1xi32>
      %sign3A_1468 = arith.constant 0 : i32
      %sign3A_1469 = vector.broadcast %sign3A_1468 : i32 to vector<16x1xi32>
      %sign3A_1470 = arith.cmpi sgt, %sub3A_1464, %sign3A_1469 : vector<16x1xi32>
      %sign3A_1471 = arith.extui %sign3A_1470 : vector<16x1xi1> to vector<16x1xi32>
      %sign3A_1472 = arith.constant 0 : i32
      %sign3A_1473 = vector.broadcast %sign3A_1472 : i32 to vector<16x1xi32>
      %sign3A_1474 = arith.cmpi slt, %sub3A_1464, %sign3A_1473 : vector<16x1xi32>
      %sign3A_1475 = arith.extui %sign3A_1474 : vector<16x1xi1> to vector<16x1xi32>
      %sign3A_1476 = arith.subi %sign3A_1471, %sign3A_1475 : vector<16x1xi32>
      %sign3A_1477 = arith.constant 0 : i32
      %sign3A_1478 = arith.cmpi sgt, %jit3A_1465, %sign3A_1477 : i32
      %sign3A_1479 = arith.extui %sign3A_1478 : i1 to i32
      %sign3A_1480 = arith.constant 0 : i32
      %sign3A_1481 = arith.cmpi slt, %jit3A_1465, %sign3A_1480 : i32
      %sign3A_1482 = arith.extui %sign3A_1481 : i1 to i32
      %sign3A_1483 = arith.subi %sign3A_1479, %sign3A_1482 : i32
      %ne3A_1484 = vector.broadcast %sign3A_1483 : i32 to vector<16x1xi32>
      %ne3A_1485 = arith.cmpi ne, %sign3A_1476, %ne3A_1484 : vector<16x1xi32>
      %rem3A_1486 = vector.broadcast %jit3A_1465 : i32 to vector<16x1xi32>
      %rem3A_1487 = arith.remsi %sub3A_1464, %rem3A_1486 : vector<16x1xi32>
      %ne3A_1488 = arith.constant 0 : i32
      %ne3A_1489 = vector.broadcast %ne3A_1488 : i32 to vector<16x1xi32>
      %ne3A_1490 = arith.cmpi ne, %rem3A_1487, %ne3A_1489 : vector<16x1xi32>
      %and3A_1491 = arith.andi %ne3A_1485, %ne3A_1490 : vector<16x1xi1>
      %sub3A_1492 = arith.constant 1 : i32
      %sub3A_1493 = vector.broadcast %sub3A_1492 : i32 to vector<16x1xi32>
      %sub3A_1494 = arith.subi %div3A_1467, %sub3A_1493 : vector<16x1xi32>
      %select_n3A_1495 = arith.select %and3A_1491, %sub3A_1494, %div3A_1467 : vector<16x1xi1>, vector<16x1xi32>
      %add3A_1496 = arith.addi %select_n3A_1462, %select_n3A_1495 : vector<16x1xi32>
      %ge3A_1497 = vector.broadcast %add3A_1496 : vector<16x1xi32> to vector<16x2048xi32>
      %ge3A_1498 = arith.cmpi sge, %bitcast_convert_type3A, %ge3A_1497 : vector<16x2048xi32>
      %convert_element_type3A_1499 = arith.extui %ge3A_1498 : vector<16x2048xi1> to vector<16x2048xi32>
      %reduce_sum3A_1500 = arith.constant dense<0> : vector<16xi32>
      %reduce_sum3A_1501 = vector.multi_reduction <add>, %convert_element_type3A_1499, %reduce_sum3A_1500 [1] : vector<16x2048xi32> to vector<16xi32>
      %broadcast_in_dim3A_1502 = vector.shape_cast %reduce_sum3A_1501 : vector<16xi32> to vector<16x1xi32>
      %ge3A_1503 = arith.constant 256 : i32
      %ge3A_1504 = vector.broadcast %ge3A_1503 : i32 to vector<16x1xi32>
      %ge3A_1505 = arith.cmpi sge, %broadcast_in_dim3A_1502, %ge3A_1504 : vector<16x1xi32>
      %select_n3A_1506 = arith.select %ge3A_1505, %add3A_1496, %select_n3A_1462 : vector<16x1xi1>, vector<16x1xi32>
      %select_n3A_1507 = arith.select %ge3A_1505, %select_n3A_1463, %add3A_1496 : vector<16x1xi1>, vector<16x1xi32>
      %sub3A_1508 = arith.subi %select_n3A_1507, %select_n3A_1506 : vector<16x1xi32>
      %jit3A_1509 = arith.constant 2 : i32
      %div3A_1510 = vector.broadcast %jit3A_1509 : i32 to vector<16x1xi32>
      %div3A_1511 = arith.divsi %sub3A_1508, %div3A_1510 : vector<16x1xi32>
      %sign3A_1512 = arith.constant 0 : i32
      %sign3A_1513 = vector.broadcast %sign3A_1512 : i32 to vector<16x1xi32>
      %sign3A_1514 = arith.cmpi sgt, %sub3A_1508, %sign3A_1513 : vector<16x1xi32>
      %sign3A_1515 = arith.extui %sign3A_1514 : vector<16x1xi1> to vector<16x1xi32>
      %sign3A_1516 = arith.constant 0 : i32
      %sign3A_1517 = vector.broadcast %sign3A_1516 : i32 to vector<16x1xi32>
      %sign3A_1518 = arith.cmpi slt, %sub3A_1508, %sign3A_1517 : vector<16x1xi32>
      %sign3A_1519 = arith.extui %sign3A_1518 : vector<16x1xi1> to vector<16x1xi32>
      %sign3A_1520 = arith.subi %sign3A_1515, %sign3A_1519 : vector<16x1xi32>
      %sign3A_1521 = arith.constant 0 : i32
      %sign3A_1522 = arith.cmpi sgt, %jit3A_1509, %sign3A_1521 : i32
      %sign3A_1523 = arith.extui %sign3A_1522 : i1 to i32
      %sign3A_1524 = arith.constant 0 : i32
      %sign3A_1525 = arith.cmpi slt, %jit3A_1509, %sign3A_1524 : i32
      %sign3A_1526 = arith.extui %sign3A_1525 : i1 to i32
      %sign3A_1527 = arith.subi %sign3A_1523, %sign3A_1526 : i32
      %ne3A_1528 = vector.broadcast %sign3A_1527 : i32 to vector<16x1xi32>
      %ne3A_1529 = arith.cmpi ne, %sign3A_1520, %ne3A_1528 : vector<16x1xi32>
      %rem3A_1530 = vector.broadcast %jit3A_1509 : i32 to vector<16x1xi32>
      %rem3A_1531 = arith.remsi %sub3A_1508, %rem3A_1530 : vector<16x1xi32>
      %ne3A_1532 = arith.constant 0 : i32
      %ne3A_1533 = vector.broadcast %ne3A_1532 : i32 to vector<16x1xi32>
      %ne3A_1534 = arith.cmpi ne, %rem3A_1531, %ne3A_1533 : vector<16x1xi32>
      %and3A_1535 = arith.andi %ne3A_1529, %ne3A_1534 : vector<16x1xi1>
      %sub3A_1536 = arith.constant 1 : i32
      %sub3A_1537 = vector.broadcast %sub3A_1536 : i32 to vector<16x1xi32>
      %sub3A_1538 = arith.subi %div3A_1511, %sub3A_1537 : vector<16x1xi32>
      %select_n3A_1539 = arith.select %and3A_1535, %sub3A_1538, %div3A_1511 : vector<16x1xi1>, vector<16x1xi32>
      %add3A_1540 = arith.addi %select_n3A_1506, %select_n3A_1539 : vector<16x1xi32>
      %ge3A_1541 = vector.broadcast %add3A_1540 : vector<16x1xi32> to vector<16x2048xi32>
      %ge3A_1542 = arith.cmpi sge, %bitcast_convert_type3A, %ge3A_1541 : vector<16x2048xi32>
      %convert_element_type3A_1543 = arith.extui %ge3A_1542 : vector<16x2048xi1> to vector<16x2048xi32>
      %reduce_sum3A_1544 = arith.constant dense<0> : vector<16xi32>
      %reduce_sum3A_1545 = vector.multi_reduction <add>, %convert_element_type3A_1543, %reduce_sum3A_1544 [1] : vector<16x2048xi32> to vector<16xi32>
      %broadcast_in_dim3A_1546 = vector.shape_cast %reduce_sum3A_1545 : vector<16xi32> to vector<16x1xi32>
      %ge3A_1547 = arith.constant 256 : i32
      %ge3A_1548 = vector.broadcast %ge3A_1547 : i32 to vector<16x1xi32>
      %ge3A_1549 = arith.cmpi sge, %broadcast_in_dim3A_1546, %ge3A_1548 : vector<16x1xi32>
      %select_n3A_1550 = arith.select %ge3A_1549, %add3A_1540, %select_n3A_1506 : vector<16x1xi1>, vector<16x1xi32>
      %select_n3A_1551 = arith.select %ge3A_1549, %select_n3A_1507, %add3A_1540 : vector<16x1xi1>, vector<16x1xi32>
      %sub3A_1552 = arith.subi %select_n3A_1551, %select_n3A_1550 : vector<16x1xi32>
      %jit3A_1553 = arith.constant 2 : i32
      %div3A_1554 = vector.broadcast %jit3A_1553 : i32 to vector<16x1xi32>
      %div3A_1555 = arith.divsi %sub3A_1552, %div3A_1554 : vector<16x1xi32>
      %sign3A_1556 = arith.constant 0 : i32
      %sign3A_1557 = vector.broadcast %sign3A_1556 : i32 to vector<16x1xi32>
      %sign3A_1558 = arith.cmpi sgt, %sub3A_1552, %sign3A_1557 : vector<16x1xi32>
      %sign3A_1559 = arith.extui %sign3A_1558 : vector<16x1xi1> to vector<16x1xi32>
      %sign3A_1560 = arith.constant 0 : i32
      %sign3A_1561 = vector.broadcast %sign3A_1560 : i32 to vector<16x1xi32>
      %sign3A_1562 = arith.cmpi slt, %sub3A_1552, %sign3A_1561 : vector<16x1xi32>
      %sign3A_1563 = arith.extui %sign3A_1562 : vector<16x1xi1> to vector<16x1xi32>
      %sign3A_1564 = arith.subi %sign3A_1559, %sign3A_1563 : vector<16x1xi32>
      %sign3A_1565 = arith.constant 0 : i32
      %sign3A_1566 = arith.cmpi sgt, %jit3A_1553, %sign3A_1565 : i32
      %sign3A_1567 = arith.extui %sign3A_1566 : i1 to i32
      %sign3A_1568 = arith.constant 0 : i32
      %sign3A_1569 = arith.cmpi slt, %jit3A_1553, %sign3A_1568 : i32
      %sign3A_1570 = arith.extui %sign3A_1569 : i1 to i32
      %sign3A_1571 = arith.subi %sign3A_1567, %sign3A_1570 : i32
      %ne3A_1572 = vector.broadcast %sign3A_1571 : i32 to vector<16x1xi32>
      %ne3A_1573 = arith.cmpi ne, %sign3A_1564, %ne3A_1572 : vector<16x1xi32>
      %rem3A_1574 = vector.broadcast %jit3A_1553 : i32 to vector<16x1xi32>
      %rem3A_1575 = arith.remsi %sub3A_1552, %rem3A_1574 : vector<16x1xi32>
      %ne3A_1576 = arith.constant 0 : i32
      %ne3A_1577 = vector.broadcast %ne3A_1576 : i32 to vector<16x1xi32>
      %ne3A_1578 = arith.cmpi ne, %rem3A_1575, %ne3A_1577 : vector<16x1xi32>
      %and3A_1579 = arith.andi %ne3A_1573, %ne3A_1578 : vector<16x1xi1>
      %sub3A_1580 = arith.constant 1 : i32
      %sub3A_1581 = vector.broadcast %sub3A_1580 : i32 to vector<16x1xi32>
      %sub3A_1582 = arith.subi %div3A_1555, %sub3A_1581 : vector<16x1xi32>
      %select_n3A_1583 = arith.select %and3A_1579, %sub3A_1582, %div3A_1555 : vector<16x1xi1>, vector<16x1xi32>
      %add3A_1584 = arith.addi %select_n3A_1550, %select_n3A_1583 : vector<16x1xi32>
      %ge3A_1585 = vector.broadcast %add3A_1584 : vector<16x1xi32> to vector<16x2048xi32>
      %ge3A_1586 = arith.cmpi sge, %bitcast_convert_type3A, %ge3A_1585 : vector<16x2048xi32>
      %convert_element_type3A_1587 = arith.extui %ge3A_1586 : vector<16x2048xi1> to vector<16x2048xi32>
      %reduce_sum3A_1588 = arith.constant dense<0> : vector<16xi32>
      %reduce_sum3A_1589 = vector.multi_reduction <add>, %convert_element_type3A_1587, %reduce_sum3A_1588 [1] : vector<16x2048xi32> to vector<16xi32>
      %broadcast_in_dim3A_1590 = vector.shape_cast %reduce_sum3A_1589 : vector<16xi32> to vector<16x1xi32>
      %ge3A_1591 = arith.constant 256 : i32
      %ge3A_1592 = vector.broadcast %ge3A_1591 : i32 to vector<16x1xi32>
      %ge3A_1593 = arith.cmpi sge, %broadcast_in_dim3A_1590, %ge3A_1592 : vector<16x1xi32>
      %select_n3A_1594 = arith.select %ge3A_1593, %add3A_1584, %select_n3A_1550 : vector<16x1xi1>, vector<16x1xi32>
      %select_n3A_1595 = arith.select %ge3A_1593, %select_n3A_1551, %add3A_1584 : vector<16x1xi1>, vector<16x1xi32>
      %sub3A_1596 = arith.subi %select_n3A_1595, %select_n3A_1594 : vector<16x1xi32>
      %jit3A_1597 = arith.constant 2 : i32
      %div3A_1598 = vector.broadcast %jit3A_1597 : i32 to vector<16x1xi32>
      %div3A_1599 = arith.divsi %sub3A_1596, %div3A_1598 : vector<16x1xi32>
      %sign3A_1600 = arith.constant 0 : i32
      %sign3A_1601 = vector.broadcast %sign3A_1600 : i32 to vector<16x1xi32>
      %sign3A_1602 = arith.cmpi sgt, %sub3A_1596, %sign3A_1601 : vector<16x1xi32>
      %sign3A_1603 = arith.extui %sign3A_1602 : vector<16x1xi1> to vector<16x1xi32>
      %sign3A_1604 = arith.constant 0 : i32
      %sign3A_1605 = vector.broadcast %sign3A_1604 : i32 to vector<16x1xi32>
      %sign3A_1606 = arith.cmpi slt, %sub3A_1596, %sign3A_1605 : vector<16x1xi32>
      %sign3A_1607 = arith.extui %sign3A_1606 : vector<16x1xi1> to vector<16x1xi32>
      %sign3A_1608 = arith.subi %sign3A_1603, %sign3A_1607 : vector<16x1xi32>
      %sign3A_1609 = arith.constant 0 : i32
      %sign3A_1610 = arith.cmpi sgt, %jit3A_1597, %sign3A_1609 : i32
      %sign3A_1611 = arith.extui %sign3A_1610 : i1 to i32
      %sign3A_1612 = arith.constant 0 : i32
      %sign3A_1613 = arith.cmpi slt, %jit3A_1597, %sign3A_1612 : i32
      %sign3A_1614 = arith.extui %sign3A_1613 : i1 to i32
      %sign3A_1615 = arith.subi %sign3A_1611, %sign3A_1614 : i32
      %ne3A_1616 = vector.broadcast %sign3A_1615 : i32 to vector<16x1xi32>
      %ne3A_1617 = arith.cmpi ne, %sign3A_1608, %ne3A_1616 : vector<16x1xi32>
      %rem3A_1618 = vector.broadcast %jit3A_1597 : i32 to vector<16x1xi32>
      %rem3A_1619 = arith.remsi %sub3A_1596, %rem3A_1618 : vector<16x1xi32>
      %ne3A_1620 = arith.constant 0 : i32
      %ne3A_1621 = vector.broadcast %ne3A_1620 : i32 to vector<16x1xi32>
      %ne3A_1622 = arith.cmpi ne, %rem3A_1619, %ne3A_1621 : vector<16x1xi32>
      %and3A_1623 = arith.andi %ne3A_1617, %ne3A_1622 : vector<16x1xi1>
      %sub3A_1624 = arith.constant 1 : i32
      %sub3A_1625 = vector.broadcast %sub3A_1624 : i32 to vector<16x1xi32>
      %sub3A_1626 = arith.subi %div3A_1599, %sub3A_1625 : vector<16x1xi32>
      %select_n3A_1627 = arith.select %and3A_1623, %sub3A_1626, %div3A_1599 : vector<16x1xi1>, vector<16x1xi32>
      %add3A_1628 = arith.addi %select_n3A_1594, %select_n3A_1627 : vector<16x1xi32>
      %ge3A_1629 = vector.broadcast %add3A_1628 : vector<16x1xi32> to vector<16x2048xi32>
      %ge3A_1630 = arith.cmpi sge, %bitcast_convert_type3A, %ge3A_1629 : vector<16x2048xi32>
      %convert_element_type3A_1631 = arith.extui %ge3A_1630 : vector<16x2048xi1> to vector<16x2048xi32>
      %reduce_sum3A_1632 = arith.constant dense<0> : vector<16xi32>
      %reduce_sum3A_1633 = vector.multi_reduction <add>, %convert_element_type3A_1631, %reduce_sum3A_1632 [1] : vector<16x2048xi32> to vector<16xi32>
      %broadcast_in_dim3A_1634 = vector.shape_cast %reduce_sum3A_1633 : vector<16xi32> to vector<16x1xi32>
      %ge3A_1635 = arith.constant 256 : i32
      %ge3A_1636 = vector.broadcast %ge3A_1635 : i32 to vector<16x1xi32>
      %ge3A_1637 = arith.cmpi sge, %broadcast_in_dim3A_1634, %ge3A_1636 : vector<16x1xi32>
      %select_n3A_1638 = arith.select %ge3A_1637, %add3A_1628, %select_n3A_1594 : vector<16x1xi1>, vector<16x1xi32>
      %select_n3A_1639 = arith.select %ge3A_1637, %select_n3A_1595, %add3A_1628 : vector<16x1xi1>, vector<16x1xi32>
      %sub3A_1640 = arith.subi %select_n3A_1639, %select_n3A_1638 : vector<16x1xi32>
      %jit3A_1641 = arith.constant 2 : i32
      %div3A_1642 = vector.broadcast %jit3A_1641 : i32 to vector<16x1xi32>
      %div3A_1643 = arith.divsi %sub3A_1640, %div3A_1642 : vector<16x1xi32>
      %sign3A_1644 = arith.constant 0 : i32
      %sign3A_1645 = vector.broadcast %sign3A_1644 : i32 to vector<16x1xi32>
      %sign3A_1646 = arith.cmpi sgt, %sub3A_1640, %sign3A_1645 : vector<16x1xi32>
      %sign3A_1647 = arith.extui %sign3A_1646 : vector<16x1xi1> to vector<16x1xi32>
      %sign3A_1648 = arith.constant 0 : i32
      %sign3A_1649 = vector.broadcast %sign3A_1648 : i32 to vector<16x1xi32>
      %sign3A_1650 = arith.cmpi slt, %sub3A_1640, %sign3A_1649 : vector<16x1xi32>
      %sign3A_1651 = arith.extui %sign3A_1650 : vector<16x1xi1> to vector<16x1xi32>
      %sign3A_1652 = arith.subi %sign3A_1647, %sign3A_1651 : vector<16x1xi32>
      %sign3A_1653 = arith.constant 0 : i32
      %sign3A_1654 = arith.cmpi sgt, %jit3A_1641, %sign3A_1653 : i32
      %sign3A_1655 = arith.extui %sign3A_1654 : i1 to i32
      %sign3A_1656 = arith.constant 0 : i32
      %sign3A_1657 = arith.cmpi slt, %jit3A_1641, %sign3A_1656 : i32
      %sign3A_1658 = arith.extui %sign3A_1657 : i1 to i32
      %sign3A_1659 = arith.subi %sign3A_1655, %sign3A_1658 : i32
      %ne3A_1660 = vector.broadcast %sign3A_1659 : i32 to vector<16x1xi32>
      %ne3A_1661 = arith.cmpi ne, %sign3A_1652, %ne3A_1660 : vector<16x1xi32>
      %rem3A_1662 = vector.broadcast %jit3A_1641 : i32 to vector<16x1xi32>
      %rem3A_1663 = arith.remsi %sub3A_1640, %rem3A_1662 : vector<16x1xi32>
      %ne3A_1664 = arith.constant 0 : i32
      %ne3A_1665 = vector.broadcast %ne3A_1664 : i32 to vector<16x1xi32>
      %ne3A_1666 = arith.cmpi ne, %rem3A_1663, %ne3A_1665 : vector<16x1xi32>
      %and3A_1667 = arith.andi %ne3A_1661, %ne3A_1666 : vector<16x1xi1>
      %sub3A_1668 = arith.constant 1 : i32
      %sub3A_1669 = vector.broadcast %sub3A_1668 : i32 to vector<16x1xi32>
      %sub3A_1670 = arith.subi %div3A_1643, %sub3A_1669 : vector<16x1xi32>
      %select_n3A_1671 = arith.select %and3A_1667, %sub3A_1670, %div3A_1643 : vector<16x1xi1>, vector<16x1xi32>
      %add3A_1672 = arith.addi %select_n3A_1638, %select_n3A_1671 : vector<16x1xi32>
      %ge3A_1673 = vector.broadcast %add3A_1672 : vector<16x1xi32> to vector<16x2048xi32>
      %ge3A_1674 = arith.cmpi sge, %bitcast_convert_type3A, %ge3A_1673 : vector<16x2048xi32>
      %convert_element_type3A_1675 = arith.extui %ge3A_1674 : vector<16x2048xi1> to vector<16x2048xi32>
      %reduce_sum3A_1676 = arith.constant dense<0> : vector<16xi32>
      %reduce_sum3A_1677 = vector.multi_reduction <add>, %convert_element_type3A_1675, %reduce_sum3A_1676 [1] : vector<16x2048xi32> to vector<16xi32>
      %broadcast_in_dim3A_1678 = vector.shape_cast %reduce_sum3A_1677 : vector<16xi32> to vector<16x1xi32>
      %ge3A_1679 = arith.constant 256 : i32
      %ge3A_1680 = vector.broadcast %ge3A_1679 : i32 to vector<16x1xi32>
      %ge3A_1681 = arith.cmpi sge, %broadcast_in_dim3A_1678, %ge3A_1680 : vector<16x1xi32>
      %select_n3A_1682 = arith.select %ge3A_1681, %add3A_1672, %select_n3A_1638 : vector<16x1xi1>, vector<16x1xi32>
      %select_n3A_1683 = arith.select %ge3A_1681, %select_n3A_1639, %add3A_1672 : vector<16x1xi1>, vector<16x1xi32>
      %sub3A_1684 = arith.subi %select_n3A_1683, %select_n3A_1682 : vector<16x1xi32>
      %jit3A_1685 = arith.constant 2 : i32
      %div3A_1686 = vector.broadcast %jit3A_1685 : i32 to vector<16x1xi32>
      %div3A_1687 = arith.divsi %sub3A_1684, %div3A_1686 : vector<16x1xi32>
      %sign3A_1688 = arith.constant 0 : i32
      %sign3A_1689 = vector.broadcast %sign3A_1688 : i32 to vector<16x1xi32>
      %sign3A_1690 = arith.cmpi sgt, %sub3A_1684, %sign3A_1689 : vector<16x1xi32>
      %sign3A_1691 = arith.extui %sign3A_1690 : vector<16x1xi1> to vector<16x1xi32>
      %sign3A_1692 = arith.constant 0 : i32
      %sign3A_1693 = vector.broadcast %sign3A_1692 : i32 to vector<16x1xi32>
      %sign3A_1694 = arith.cmpi slt, %sub3A_1684, %sign3A_1693 : vector<16x1xi32>
      %sign3A_1695 = arith.extui %sign3A_1694 : vector<16x1xi1> to vector<16x1xi32>
      %sign3A_1696 = arith.subi %sign3A_1691, %sign3A_1695 : vector<16x1xi32>
      %sign3A_1697 = arith.constant 0 : i32
      %sign3A_1698 = arith.cmpi sgt, %jit3A_1685, %sign3A_1697 : i32
      %sign3A_1699 = arith.extui %sign3A_1698 : i1 to i32
      %sign3A_1700 = arith.constant 0 : i32
      %sign3A_1701 = arith.cmpi slt, %jit3A_1685, %sign3A_1700 : i32
      %sign3A_1702 = arith.extui %sign3A_1701 : i1 to i32
      %sign3A_1703 = arith.subi %sign3A_1699, %sign3A_1702 : i32
      %ne3A_1704 = vector.broadcast %sign3A_1703 : i32 to vector<16x1xi32>
      %ne3A_1705 = arith.cmpi ne, %sign3A_1696, %ne3A_1704 : vector<16x1xi32>
      %rem3A_1706 = vector.broadcast %jit3A_1685 : i32 to vector<16x1xi32>
      %rem3A_1707 = arith.remsi %sub3A_1684, %rem3A_1706 : vector<16x1xi32>
      %ne3A_1708 = arith.constant 0 : i32
      %ne3A_1709 = vector.broadcast %ne3A_1708 : i32 to vector<16x1xi32>
      %ne3A_1710 = arith.cmpi ne, %rem3A_1707, %ne3A_1709 : vector<16x1xi32>
      %and3A_1711 = arith.andi %ne3A_1705, %ne3A_1710 : vector<16x1xi1>
      %sub3A_1712 = arith.constant 1 : i32
      %sub3A_1713 = vector.broadcast %sub3A_1712 : i32 to vector<16x1xi32>
      %sub3A_1714 = arith.subi %div3A_1687, %sub3A_1713 : vector<16x1xi32>
      %select_n3A_1715 = arith.select %and3A_1711, %sub3A_1714, %div3A_1687 : vector<16x1xi1>, vector<16x1xi32>
      %add3A_1716 = arith.addi %select_n3A_1682, %select_n3A_1715 : vector<16x1xi32>
      %ge3A_1717 = vector.broadcast %add3A_1716 : vector<16x1xi32> to vector<16x2048xi32>
      %ge3A_1718 = arith.cmpi sge, %bitcast_convert_type3A, %ge3A_1717 : vector<16x2048xi32>
      %convert_element_type3A_1719 = arith.extui %ge3A_1718 : vector<16x2048xi1> to vector<16x2048xi32>
      %reduce_sum3A_1720 = arith.constant dense<0> : vector<16xi32>
      %reduce_sum3A_1721 = vector.multi_reduction <add>, %convert_element_type3A_1719, %reduce_sum3A_1720 [1] : vector<16x2048xi32> to vector<16xi32>
      %broadcast_in_dim3A_1722 = vector.shape_cast %reduce_sum3A_1721 : vector<16xi32> to vector<16x1xi32>
      %ge3A_1723 = arith.constant 256 : i32
      %ge3A_1724 = vector.broadcast %ge3A_1723 : i32 to vector<16x1xi32>
      %ge3A_1725 = arith.cmpi sge, %broadcast_in_dim3A_1722, %ge3A_1724 : vector<16x1xi32>
      %select_n3A_1726 = arith.select %ge3A_1725, %add3A_1716, %select_n3A_1682 : vector<16x1xi1>, vector<16x1xi32>
      %gt3A = vector.broadcast %select_n3A_1726 : vector<16x1xi32> to vector<16x2048xi32>
      %gt3A_1727 = arith.cmpi sgt, %bitcast_convert_type3A, %gt3A : vector<16x2048xi32>
      %convert_element_type3A_1728 = arith.extui %gt3A_1727 : vector<16x2048xi1> to vector<16x2048xi32>
      %reduce_sum3A_1729 = arith.constant dense<0> : vector<16xi32>
      %reduce_sum3A_1730 = vector.multi_reduction <add>, %convert_element_type3A_1728, %reduce_sum3A_1729 [1] : vector<16x2048xi32> to vector<16xi32>
      %broadcast_in_dim3A_1731 = vector.shape_cast %reduce_sum3A_1730 : vector<16xi32> to vector<16x1xi32>
      %sub3A_1732 = arith.constant 256 : i32
      %sub3A_1733 = vector.broadcast %sub3A_1732 : i32 to vector<16x1xi32>
      %sub3A_1734 = arith.subi %sub3A_1733, %broadcast_in_dim3A_1731 : vector<16x1xi32>
      %eq3A_1735 = vector.broadcast %select_n3A_1726 : vector<16x1xi32> to vector<16x2048xi32>
      %eq3A_1736 = arith.cmpi eq, %bitcast_convert_type3A, %eq3A_1735 : vector<16x2048xi32>
      %iota3A = tpu.iota {dimensions = array<i32: 1>} : vector<16x2048xi32>
      %broadcast_in_dim3A_1737 = arith.constant 0 : i32
      %broadcast_in_dim3A_1738 = vector.broadcast %broadcast_in_dim3A_1737 : i32 to vector<16x1xi32>
      %broadcast_in_dim3A_1739 = arith.constant 2048 : i32
      %broadcast_in_dim3A_1740 = vector.broadcast %broadcast_in_dim3A_1739 : i32 to vector<16x1xi32>
      %sub3A_1741 = arith.subi %broadcast_in_dim3A_1740, %broadcast_in_dim3A_1738 : vector<16x1xi32>
      %jit3A_1742 = arith.constant 2 : i32
      %div3A_1743 = vector.broadcast %jit3A_1742 : i32 to vector<16x1xi32>
      %div3A_1744 = arith.divsi %sub3A_1741, %div3A_1743 : vector<16x1xi32>
      %sign3A_1745 = arith.constant 0 : i32
      %sign3A_1746 = vector.broadcast %sign3A_1745 : i32 to vector<16x1xi32>
      %sign3A_1747 = arith.cmpi sgt, %sub3A_1741, %sign3A_1746 : vector<16x1xi32>
      %sign3A_1748 = arith.extui %sign3A_1747 : vector<16x1xi1> to vector<16x1xi32>
      %sign3A_1749 = arith.constant 0 : i32
      %sign3A_1750 = vector.broadcast %sign3A_1749 : i32 to vector<16x1xi32>
      %sign3A_1751 = arith.cmpi slt, %sub3A_1741, %sign3A_1750 : vector<16x1xi32>
      %sign3A_1752 = arith.extui %sign3A_1751 : vector<16x1xi1> to vector<16x1xi32>
      %sign3A_1753 = arith.subi %sign3A_1748, %sign3A_1752 : vector<16x1xi32>
      %sign3A_1754 = arith.constant 0 : i32
      %sign3A_1755 = arith.cmpi sgt, %jit3A_1742, %sign3A_1754 : i32
      %sign3A_1756 = arith.extui %sign3A_1755 : i1 to i32
      %sign3A_1757 = arith.constant 0 : i32
      %sign3A_1758 = arith.cmpi slt, %jit3A_1742, %sign3A_1757 : i32
      %sign3A_1759 = arith.extui %sign3A_1758 : i1 to i32
      %sign3A_1760 = arith.subi %sign3A_1756, %sign3A_1759 : i32
      %ne3A_1761 = vector.broadcast %sign3A_1760 : i32 to vector<16x1xi32>
      %ne3A_1762 = arith.cmpi ne, %sign3A_1753, %ne3A_1761 : vector<16x1xi32>
      %rem3A_1763 = vector.broadcast %jit3A_1742 : i32 to vector<16x1xi32>
      %rem3A_1764 = arith.remsi %sub3A_1741, %rem3A_1763 : vector<16x1xi32>
      %ne3A_1765 = arith.constant 0 : i32
      %ne3A_1766 = vector.broadcast %ne3A_1765 : i32 to vector<16x1xi32>
      %ne3A_1767 = arith.cmpi ne, %rem3A_1764, %ne3A_1766 : vector<16x1xi32>
      %and3A_1768 = arith.andi %ne3A_1762, %ne3A_1767 : vector<16x1xi1>
      %sub3A_1769 = arith.constant 1 : i32
      %sub3A_1770 = vector.broadcast %sub3A_1769 : i32 to vector<16x1xi32>
      %sub3A_1771 = arith.subi %div3A_1744, %sub3A_1770 : vector<16x1xi32>
      %select_n3A_1772 = arith.select %and3A_1768, %sub3A_1771, %div3A_1744 : vector<16x1xi1>, vector<16x1xi32>
      %add3A_1773 = arith.addi %broadcast_in_dim3A_1738, %select_n3A_1772 : vector<16x1xi32>
      %lt3A = vector.broadcast %add3A_1773 : vector<16x1xi32> to vector<16x2048xi32>
      %lt3A_1774 = arith.cmpi slt, %iota3A, %lt3A : vector<16x2048xi32>
      %and3A_1775 = arith.andi %eq3A_1736, %lt3A_1774 : vector<16x2048xi1>
      %convert_element_type3A_1776 = arith.extui %and3A_1775 : vector<16x2048xi1> to vector<16x2048xi32>
      %reduce_sum3A_1777 = arith.constant dense<0> : vector<16xi32>
      %reduce_sum3A_1778 = vector.multi_reduction <add>, %convert_element_type3A_1776, %reduce_sum3A_1777 [1] : vector<16x2048xi32> to vector<16xi32>
      %broadcast_in_dim3A_1779 = vector.shape_cast %reduce_sum3A_1778 : vector<16xi32> to vector<16x1xi32>
      %ge3A_1780 = arith.cmpi sge, %broadcast_in_dim3A_1779, %sub3A_1734 : vector<16x1xi32>
      %select_n3A_1781 = arith.select %ge3A_1780, %add3A_1773, %broadcast_in_dim3A_1740 : vector<16x1xi1>, vector<16x1xi32>
      %select_n3A_1782 = arith.select %ge3A_1780, %broadcast_in_dim3A_1738, %add3A_1773 : vector<16x1xi1>, vector<16x1xi32>
      %sub3A_1783 = arith.subi %select_n3A_1781, %select_n3A_1782 : vector<16x1xi32>
      %jit3A_1784 = arith.constant 2 : i32
      %div3A_1785 = vector.broadcast %jit3A_1784 : i32 to vector<16x1xi32>
      %div3A_1786 = arith.divsi %sub3A_1783, %div3A_1785 : vector<16x1xi32>
      %sign3A_1787 = arith.constant 0 : i32
      %sign3A_1788 = vector.broadcast %sign3A_1787 : i32 to vector<16x1xi32>
      %sign3A_1789 = arith.cmpi sgt, %sub3A_1783, %sign3A_1788 : vector<16x1xi32>
      %sign3A_1790 = arith.extui %sign3A_1789 : vector<16x1xi1> to vector<16x1xi32>
      %sign3A_1791 = arith.constant 0 : i32
      %sign3A_1792 = vector.broadcast %sign3A_1791 : i32 to vector<16x1xi32>
      %sign3A_1793 = arith.cmpi slt, %sub3A_1783, %sign3A_1792 : vector<16x1xi32>
      %sign3A_1794 = arith.extui %sign3A_1793 : vector<16x1xi1> to vector<16x1xi32>
      %sign3A_1795 = arith.subi %sign3A_1790, %sign3A_1794 : vector<16x1xi32>
      %sign3A_1796 = arith.constant 0 : i32
      %sign3A_1797 = arith.cmpi sgt, %jit3A_1784, %sign3A_1796 : i32
      %sign3A_1798 = arith.extui %sign3A_1797 : i1 to i32
      %sign3A_1799 = arith.constant 0 : i32
      %sign3A_1800 = arith.cmpi slt, %jit3A_1784, %sign3A_1799 : i32
      %sign3A_1801 = arith.extui %sign3A_1800 : i1 to i32
      %sign3A_1802 = arith.subi %sign3A_1798, %sign3A_1801 : i32
      %ne3A_1803 = vector.broadcast %sign3A_1802 : i32 to vector<16x1xi32>
      %ne3A_1804 = arith.cmpi ne, %sign3A_1795, %ne3A_1803 : vector<16x1xi32>
      %rem3A_1805 = vector.broadcast %jit3A_1784 : i32 to vector<16x1xi32>
      %rem3A_1806 = arith.remsi %sub3A_1783, %rem3A_1805 : vector<16x1xi32>
      %ne3A_1807 = arith.constant 0 : i32
      %ne3A_1808 = vector.broadcast %ne3A_1807 : i32 to vector<16x1xi32>
      %ne3A_1809 = arith.cmpi ne, %rem3A_1806, %ne3A_1808 : vector<16x1xi32>
      %and3A_1810 = arith.andi %ne3A_1804, %ne3A_1809 : vector<16x1xi1>
      %sub3A_1811 = arith.constant 1 : i32
      %sub3A_1812 = vector.broadcast %sub3A_1811 : i32 to vector<16x1xi32>
      %sub3A_1813 = arith.subi %div3A_1786, %sub3A_1812 : vector<16x1xi32>
      %select_n3A_1814 = arith.select %and3A_1810, %sub3A_1813, %div3A_1786 : vector<16x1xi1>, vector<16x1xi32>
      %add3A_1815 = arith.addi %select_n3A_1782, %select_n3A_1814 : vector<16x1xi32>
      %lt3A_1816 = vector.broadcast %add3A_1815 : vector<16x1xi32> to vector<16x2048xi32>
      %lt3A_1817 = arith.cmpi slt, %iota3A, %lt3A_1816 : vector<16x2048xi32>
      %and3A_1818 = arith.andi %eq3A_1736, %lt3A_1817 : vector<16x2048xi1>
      %convert_element_type3A_1819 = arith.extui %and3A_1818 : vector<16x2048xi1> to vector<16x2048xi32>
      %reduce_sum3A_1820 = arith.constant dense<0> : vector<16xi32>
      %reduce_sum3A_1821 = vector.multi_reduction <add>, %convert_element_type3A_1819, %reduce_sum3A_1820 [1] : vector<16x2048xi32> to vector<16xi32>
      %broadcast_in_dim3A_1822 = vector.shape_cast %reduce_sum3A_1821 : vector<16xi32> to vector<16x1xi32>
      %ge3A_1823 = arith.cmpi sge, %broadcast_in_dim3A_1822, %sub3A_1734 : vector<16x1xi32>
      %select_n3A_1824 = arith.select %ge3A_1823, %add3A_1815, %select_n3A_1781 : vector<16x1xi1>, vector<16x1xi32>
      %select_n3A_1825 = arith.select %ge3A_1823, %select_n3A_1782, %add3A_1815 : vector<16x1xi1>, vector<16x1xi32>
      %sub3A_1826 = arith.subi %select_n3A_1824, %select_n3A_1825 : vector<16x1xi32>
      %jit3A_1827 = arith.constant 2 : i32
      %div3A_1828 = vector.broadcast %jit3A_1827 : i32 to vector<16x1xi32>
      %div3A_1829 = arith.divsi %sub3A_1826, %div3A_1828 : vector<16x1xi32>
      %sign3A_1830 = arith.constant 0 : i32
      %sign3A_1831 = vector.broadcast %sign3A_1830 : i32 to vector<16x1xi32>
      %sign3A_1832 = arith.cmpi sgt, %sub3A_1826, %sign3A_1831 : vector<16x1xi32>
      %sign3A_1833 = arith.extui %sign3A_1832 : vector<16x1xi1> to vector<16x1xi32>
      %sign3A_1834 = arith.constant 0 : i32
      %sign3A_1835 = vector.broadcast %sign3A_1834 : i32 to vector<16x1xi32>
      %sign3A_1836 = arith.cmpi slt, %sub3A_1826, %sign3A_1835 : vector<16x1xi32>
      %sign3A_1837 = arith.extui %sign3A_1836 : vector<16x1xi1> to vector<16x1xi32>
      %sign3A_1838 = arith.subi %sign3A_1833, %sign3A_1837 : vector<16x1xi32>
      %sign3A_1839 = arith.constant 0 : i32
      %sign3A_1840 = arith.cmpi sgt, %jit3A_1827, %sign3A_1839 : i32
      %sign3A_1841 = arith.extui %sign3A_1840 : i1 to i32
      %sign3A_1842 = arith.constant 0 : i32
      %sign3A_1843 = arith.cmpi slt, %jit3A_1827, %sign3A_1842 : i32
      %sign3A_1844 = arith.extui %sign3A_1843 : i1 to i32
      %sign3A_1845 = arith.subi %sign3A_1841, %sign3A_1844 : i32
      %ne3A_1846 = vector.broadcast %sign3A_1845 : i32 to vector<16x1xi32>
      %ne3A_1847 = arith.cmpi ne, %sign3A_1838, %ne3A_1846 : vector<16x1xi32>
      %rem3A_1848 = vector.broadcast %jit3A_1827 : i32 to vector<16x1xi32>
      %rem3A_1849 = arith.remsi %sub3A_1826, %rem3A_1848 : vector<16x1xi32>
      %ne3A_1850 = arith.constant 0 : i32
      %ne3A_1851 = vector.broadcast %ne3A_1850 : i32 to vector<16x1xi32>
      %ne3A_1852 = arith.cmpi ne, %rem3A_1849, %ne3A_1851 : vector<16x1xi32>
      %and3A_1853 = arith.andi %ne3A_1847, %ne3A_1852 : vector<16x1xi1>
      %sub3A_1854 = arith.constant 1 : i32
      %sub3A_1855 = vector.broadcast %sub3A_1854 : i32 to vector<16x1xi32>
      %sub3A_1856 = arith.subi %div3A_1829, %sub3A_1855 : vector<16x1xi32>
      %select_n3A_1857 = arith.select %and3A_1853, %sub3A_1856, %div3A_1829 : vector<16x1xi1>, vector<16x1xi32>
      %add3A_1858 = arith.addi %select_n3A_1825, %select_n3A_1857 : vector<16x1xi32>
      %lt3A_1859 = vector.broadcast %add3A_1858 : vector<16x1xi32> to vector<16x2048xi32>
      %lt3A_1860 = arith.cmpi slt, %iota3A, %lt3A_1859 : vector<16x2048xi32>
      %and3A_1861 = arith.andi %eq3A_1736, %lt3A_1860 : vector<16x2048xi1>
      %convert_element_type3A_1862 = arith.extui %and3A_1861 : vector<16x2048xi1> to vector<16x2048xi32>
      %reduce_sum3A_1863 = arith.constant dense<0> : vector<16xi32>
      %reduce_sum3A_1864 = vector.multi_reduction <add>, %convert_element_type3A_1862, %reduce_sum3A_1863 [1] : vector<16x2048xi32> to vector<16xi32>
      %broadcast_in_dim3A_1865 = vector.shape_cast %reduce_sum3A_1864 : vector<16xi32> to vector<16x1xi32>
      %ge3A_1866 = arith.cmpi sge, %broadcast_in_dim3A_1865, %sub3A_1734 : vector<16x1xi32>
      %select_n3A_1867 = arith.select %ge3A_1866, %add3A_1858, %select_n3A_1824 : vector<16x1xi1>, vector<16x1xi32>
      %select_n3A_1868 = arith.select %ge3A_1866, %select_n3A_1825, %add3A_1858 : vector<16x1xi1>, vector<16x1xi32>
      %sub3A_1869 = arith.subi %select_n3A_1867, %select_n3A_1868 : vector<16x1xi32>
      %jit3A_1870 = arith.constant 2 : i32
      %div3A_1871 = vector.broadcast %jit3A_1870 : i32 to vector<16x1xi32>
      %div3A_1872 = arith.divsi %sub3A_1869, %div3A_1871 : vector<16x1xi32>
      %sign3A_1873 = arith.constant 0 : i32
      %sign3A_1874 = vector.broadcast %sign3A_1873 : i32 to vector<16x1xi32>
      %sign3A_1875 = arith.cmpi sgt, %sub3A_1869, %sign3A_1874 : vector<16x1xi32>
      %sign3A_1876 = arith.extui %sign3A_1875 : vector<16x1xi1> to vector<16x1xi32>
      %sign3A_1877 = arith.constant 0 : i32
      %sign3A_1878 = vector.broadcast %sign3A_1877 : i32 to vector<16x1xi32>
      %sign3A_1879 = arith.cmpi slt, %sub3A_1869, %sign3A_1878 : vector<16x1xi32>
      %sign3A_1880 = arith.extui %sign3A_1879 : vector<16x1xi1> to vector<16x1xi32>
      %sign3A_1881 = arith.subi %sign3A_1876, %sign3A_1880 : vector<16x1xi32>
      %sign3A_1882 = arith.constant 0 : i32
      %sign3A_1883 = arith.cmpi sgt, %jit3A_1870, %sign3A_1882 : i32
      %sign3A_1884 = arith.extui %sign3A_1883 : i1 to i32
      %sign3A_1885 = arith.constant 0 : i32
      %sign3A_1886 = arith.cmpi slt, %jit3A_1870, %sign3A_1885 : i32
      %sign3A_1887 = arith.extui %sign3A_1886 : i1 to i32
      %sign3A_1888 = arith.subi %sign3A_1884, %sign3A_1887 : i32
      %ne3A_1889 = vector.broadcast %sign3A_1888 : i32 to vector<16x1xi32>
      %ne3A_1890 = arith.cmpi ne, %sign3A_1881, %ne3A_1889 : vector<16x1xi32>
      %rem3A_1891 = vector.broadcast %jit3A_1870 : i32 to vector<16x1xi32>
      %rem3A_1892 = arith.remsi %sub3A_1869, %rem3A_1891 : vector<16x1xi32>
      %ne3A_1893 = arith.constant 0 : i32
      %ne3A_1894 = vector.broadcast %ne3A_1893 : i32 to vector<16x1xi32>
      %ne3A_1895 = arith.cmpi ne, %rem3A_1892, %ne3A_1894 : vector<16x1xi32>
      %and3A_1896 = arith.andi %ne3A_1890, %ne3A_1895 : vector<16x1xi1>
      %sub3A_1897 = arith.constant 1 : i32
      %sub3A_1898 = vector.broadcast %sub3A_1897 : i32 to vector<16x1xi32>
      %sub3A_1899 = arith.subi %div3A_1872, %sub3A_1898 : vector<16x1xi32>
      %select_n3A_1900 = arith.select %and3A_1896, %sub3A_1899, %div3A_1872 : vector<16x1xi1>, vector<16x1xi32>
      %add3A_1901 = arith.addi %select_n3A_1868, %select_n3A_1900 : vector<16x1xi32>
      %lt3A_1902 = vector.broadcast %add3A_1901 : vector<16x1xi32> to vector<16x2048xi32>
      %lt3A_1903 = arith.cmpi slt, %iota3A, %lt3A_1902 : vector<16x2048xi32>
      %and3A_1904 = arith.andi %eq3A_1736, %lt3A_1903 : vector<16x2048xi1>
      %convert_element_type3A_1905 = arith.extui %and3A_1904 : vector<16x2048xi1> to vector<16x2048xi32>
      %reduce_sum3A_1906 = arith.constant dense<0> : vector<16xi32>
      %reduce_sum3A_1907 = vector.multi_reduction <add>, %convert_element_type3A_1905, %reduce_sum3A_1906 [1] : vector<16x2048xi32> to vector<16xi32>
      %broadcast_in_dim3A_1908 = vector.shape_cast %reduce_sum3A_1907 : vector<16xi32> to vector<16x1xi32>
      %ge3A_1909 = arith.cmpi sge, %broadcast_in_dim3A_1908, %sub3A_1734 : vector<16x1xi32>
      %select_n3A_1910 = arith.select %ge3A_1909, %add3A_1901, %select_n3A_1867 : vector<16x1xi1>, vector<16x1xi32>
      %select_n3A_1911 = arith.select %ge3A_1909, %select_n3A_1868, %add3A_1901 : vector<16x1xi1>, vector<16x1xi32>
      %sub3A_1912 = arith.subi %select_n3A_1910, %select_n3A_1911 : vector<16x1xi32>
      %jit3A_1913 = arith.constant 2 : i32
      %div3A_1914 = vector.broadcast %jit3A_1913 : i32 to vector<16x1xi32>
      %div3A_1915 = arith.divsi %sub3A_1912, %div3A_1914 : vector<16x1xi32>
      %sign3A_1916 = arith.constant 0 : i32
      %sign3A_1917 = vector.broadcast %sign3A_1916 : i32 to vector<16x1xi32>
      %sign3A_1918 = arith.cmpi sgt, %sub3A_1912, %sign3A_1917 : vector<16x1xi32>
      %sign3A_1919 = arith.extui %sign3A_1918 : vector<16x1xi1> to vector<16x1xi32>
      %sign3A_1920 = arith.constant 0 : i32
      %sign3A_1921 = vector.broadcast %sign3A_1920 : i32 to vector<16x1xi32>
      %sign3A_1922 = arith.cmpi slt, %sub3A_1912, %sign3A_1921 : vector<16x1xi32>
      %sign3A_1923 = arith.extui %sign3A_1922 : vector<16x1xi1> to vector<16x1xi32>
      %sign3A_1924 = arith.subi %sign3A_1919, %sign3A_1923 : vector<16x1xi32>
      %sign3A_1925 = arith.constant 0 : i32
      %sign3A_1926 = arith.cmpi sgt, %jit3A_1913, %sign3A_1925 : i32
      %sign3A_1927 = arith.extui %sign3A_1926 : i1 to i32
      %sign3A_1928 = arith.constant 0 : i32
      %sign3A_1929 = arith.cmpi slt, %jit3A_1913, %sign3A_1928 : i32
      %sign3A_1930 = arith.extui %sign3A_1929 : i1 to i32
      %sign3A_1931 = arith.subi %sign3A_1927, %sign3A_1930 : i32
      %ne3A_1932 = vector.broadcast %sign3A_1931 : i32 to vector<16x1xi32>
      %ne3A_1933 = arith.cmpi ne, %sign3A_1924, %ne3A_1932 : vector<16x1xi32>
      %rem3A_1934 = vector.broadcast %jit3A_1913 : i32 to vector<16x1xi32>
      %rem3A_1935 = arith.remsi %sub3A_1912, %rem3A_1934 : vector<16x1xi32>
      %ne3A_1936 = arith.constant 0 : i32
      %ne3A_1937 = vector.broadcast %ne3A_1936 : i32 to vector<16x1xi32>
      %ne3A_1938 = arith.cmpi ne, %rem3A_1935, %ne3A_1937 : vector<16x1xi32>
      %and3A_1939 = arith.andi %ne3A_1933, %ne3A_1938 : vector<16x1xi1>
      %sub3A_1940 = arith.constant 1 : i32
      %sub3A_1941 = vector.broadcast %sub3A_1940 : i32 to vector<16x1xi32>
      %sub3A_1942 = arith.subi %div3A_1915, %sub3A_1941 : vector<16x1xi32>
      %select_n3A_1943 = arith.select %and3A_1939, %sub3A_1942, %div3A_1915 : vector<16x1xi1>, vector<16x1xi32>
      %add3A_1944 = arith.addi %select_n3A_1911, %select_n3A_1943 : vector<16x1xi32>
      %lt3A_1945 = vector.broadcast %add3A_1944 : vector<16x1xi32> to vector<16x2048xi32>
      %lt3A_1946 = arith.cmpi slt, %iota3A, %lt3A_1945 : vector<16x2048xi32>
      %and3A_1947 = arith.andi %eq3A_1736, %lt3A_1946 : vector<16x2048xi1>
      %convert_element_type3A_1948 = arith.extui %and3A_1947 : vector<16x2048xi1> to vector<16x2048xi32>
      %reduce_sum3A_1949 = arith.constant dense<0> : vector<16xi32>
      %reduce_sum3A_1950 = vector.multi_reduction <add>, %convert_element_type3A_1948, %reduce_sum3A_1949 [1] : vector<16x2048xi32> to vector<16xi32>
      %broadcast_in_dim3A_1951 = vector.shape_cast %reduce_sum3A_1950 : vector<16xi32> to vector<16x1xi32>
      %ge3A_1952 = arith.cmpi sge, %broadcast_in_dim3A_1951, %sub3A_1734 : vector<16x1xi32>
      %select_n3A_1953 = arith.select %ge3A_1952, %add3A_1944, %select_n3A_1910 : vector<16x1xi1>, vector<16x1xi32>
      %select_n3A_1954 = arith.select %ge3A_1952, %select_n3A_1911, %add3A_1944 : vector<16x1xi1>, vector<16x1xi32>
      %sub3A_1955 = arith.subi %select_n3A_1953, %select_n3A_1954 : vector<16x1xi32>
      %jit3A_1956 = arith.constant 2 : i32
      %div3A_1957 = vector.broadcast %jit3A_1956 : i32 to vector<16x1xi32>
      %div3A_1958 = arith.divsi %sub3A_1955, %div3A_1957 : vector<16x1xi32>
      %sign3A_1959 = arith.constant 0 : i32
      %sign3A_1960 = vector.broadcast %sign3A_1959 : i32 to vector<16x1xi32>
      %sign3A_1961 = arith.cmpi sgt, %sub3A_1955, %sign3A_1960 : vector<16x1xi32>
      %sign3A_1962 = arith.extui %sign3A_1961 : vector<16x1xi1> to vector<16x1xi32>
      %sign3A_1963 = arith.constant 0 : i32
      %sign3A_1964 = vector.broadcast %sign3A_1963 : i32 to vector<16x1xi32>
      %sign3A_1965 = arith.cmpi slt, %sub3A_1955, %sign3A_1964 : vector<16x1xi32>
      %sign3A_1966 = arith.extui %sign3A_1965 : vector<16x1xi1> to vector<16x1xi32>
      %sign3A_1967 = arith.subi %sign3A_1962, %sign3A_1966 : vector<16x1xi32>
      %sign3A_1968 = arith.constant 0 : i32
      %sign3A_1969 = arith.cmpi sgt, %jit3A_1956, %sign3A_1968 : i32
      %sign3A_1970 = arith.extui %sign3A_1969 : i1 to i32
      %sign3A_1971 = arith.constant 0 : i32
      %sign3A_1972 = arith.cmpi slt, %jit3A_1956, %sign3A_1971 : i32
      %sign3A_1973 = arith.extui %sign3A_1972 : i1 to i32
      %sign3A_1974 = arith.subi %sign3A_1970, %sign3A_1973 : i32
      %ne3A_1975 = vector.broadcast %sign3A_1974 : i32 to vector<16x1xi32>
      %ne3A_1976 = arith.cmpi ne, %sign3A_1967, %ne3A_1975 : vector<16x1xi32>
      %rem3A_1977 = vector.broadcast %jit3A_1956 : i32 to vector<16x1xi32>
      %rem3A_1978 = arith.remsi %sub3A_1955, %rem3A_1977 : vector<16x1xi32>
      %ne3A_1979 = arith.constant 0 : i32
      %ne3A_1980 = vector.broadcast %ne3A_1979 : i32 to vector<16x1xi32>
      %ne3A_1981 = arith.cmpi ne, %rem3A_1978, %ne3A_1980 : vector<16x1xi32>
      %and3A_1982 = arith.andi %ne3A_1976, %ne3A_1981 : vector<16x1xi1>
      %sub3A_1983 = arith.constant 1 : i32
      %sub3A_1984 = vector.broadcast %sub3A_1983 : i32 to vector<16x1xi32>
      %sub3A_1985 = arith.subi %div3A_1958, %sub3A_1984 : vector<16x1xi32>
      %select_n3A_1986 = arith.select %and3A_1982, %sub3A_1985, %div3A_1958 : vector<16x1xi1>, vector<16x1xi32>
      %add3A_1987 = arith.addi %select_n3A_1954, %select_n3A_1986 : vector<16x1xi32>
      %lt3A_1988 = vector.broadcast %add3A_1987 : vector<16x1xi32> to vector<16x2048xi32>
      %lt3A_1989 = arith.cmpi slt, %iota3A, %lt3A_1988 : vector<16x2048xi32>
      %and3A_1990 = arith.andi %eq3A_1736, %lt3A_1989 : vector<16x2048xi1>
      %convert_element_type3A_1991 = arith.extui %and3A_1990 : vector<16x2048xi1> to vector<16x2048xi32>
      %reduce_sum3A_1992 = arith.constant dense<0> : vector<16xi32>
      %reduce_sum3A_1993 = vector.multi_reduction <add>, %convert_element_type3A_1991, %reduce_sum3A_1992 [1] : vector<16x2048xi32> to vector<16xi32>
      %broadcast_in_dim3A_1994 = vector.shape_cast %reduce_sum3A_1993 : vector<16xi32> to vector<16x1xi32>
      %ge3A_1995 = arith.cmpi sge, %broadcast_in_dim3A_1994, %sub3A_1734 : vector<16x1xi32>
      %select_n3A_1996 = arith.select %ge3A_1995, %add3A_1987, %select_n3A_1953 : vector<16x1xi1>, vector<16x1xi32>
      %select_n3A_1997 = arith.select %ge3A_1995, %select_n3A_1954, %add3A_1987 : vector<16x1xi1>, vector<16x1xi32>
      %sub3A_1998 = arith.subi %select_n3A_1996, %select_n3A_1997 : vector<16x1xi32>
      %jit3A_1999 = arith.constant 2 : i32
      %div3A_2000 = vector.broadcast %jit3A_1999 : i32 to vector<16x1xi32>
      %div3A_2001 = arith.divsi %sub3A_1998, %div3A_2000 : vector<16x1xi32>
      %sign3A_2002 = arith.constant 0 : i32
      %sign3A_2003 = vector.broadcast %sign3A_2002 : i32 to vector<16x1xi32>
      %sign3A_2004 = arith.cmpi sgt, %sub3A_1998, %sign3A_2003 : vector<16x1xi32>
      %sign3A_2005 = arith.extui %sign3A_2004 : vector<16x1xi1> to vector<16x1xi32>
      %sign3A_2006 = arith.constant 0 : i32
      %sign3A_2007 = vector.broadcast %sign3A_2006 : i32 to vector<16x1xi32>
      %sign3A_2008 = arith.cmpi slt, %sub3A_1998, %sign3A_2007 : vector<16x1xi32>
      %sign3A_2009 = arith.extui %sign3A_2008 : vector<16x1xi1> to vector<16x1xi32>
      %sign3A_2010 = arith.subi %sign3A_2005, %sign3A_2009 : vector<16x1xi32>
      %sign3A_2011 = arith.constant 0 : i32
      %sign3A_2012 = arith.cmpi sgt, %jit3A_1999, %sign3A_2011 : i32
      %sign3A_2013 = arith.extui %sign3A_2012 : i1 to i32
      %sign3A_2014 = arith.constant 0 : i32
      %sign3A_2015 = arith.cmpi slt, %jit3A_1999, %sign3A_2014 : i32
      %sign3A_2016 = arith.extui %sign3A_2015 : i1 to i32
      %sign3A_2017 = arith.subi %sign3A_2013, %sign3A_2016 : i32
      %ne3A_2018 = vector.broadcast %sign3A_2017 : i32 to vector<16x1xi32>
      %ne3A_2019 = arith.cmpi ne, %sign3A_2010, %ne3A_2018 : vector<16x1xi32>
      %rem3A_2020 = vector.broadcast %jit3A_1999 : i32 to vector<16x1xi32>
      %rem3A_2021 = arith.remsi %sub3A_1998, %rem3A_2020 : vector<16x1xi32>
      %ne3A_2022 = arith.constant 0 : i32
      %ne3A_2023 = vector.broadcast %ne3A_2022 : i32 to vector<16x1xi32>
      %ne3A_2024 = arith.cmpi ne, %rem3A_2021, %ne3A_2023 : vector<16x1xi32>
      %and3A_2025 = arith.andi %ne3A_2019, %ne3A_2024 : vector<16x1xi1>
      %sub3A_2026 = arith.constant 1 : i32
      %sub3A_2027 = vector.broadcast %sub3A_2026 : i32 to vector<16x1xi32>
      %sub3A_2028 = arith.subi %div3A_2001, %sub3A_2027 : vector<16x1xi32>
      %select_n3A_2029 = arith.select %and3A_2025, %sub3A_2028, %div3A_2001 : vector<16x1xi1>, vector<16x1xi32>
      %add3A_2030 = arith.addi %select_n3A_1997, %select_n3A_2029 : vector<16x1xi32>
      %lt3A_2031 = vector.broadcast %add3A_2030 : vector<16x1xi32> to vector<16x2048xi32>
      %lt3A_2032 = arith.cmpi slt, %iota3A, %lt3A_2031 : vector<16x2048xi32>
      %and3A_2033 = arith.andi %eq3A_1736, %lt3A_2032 : vector<16x2048xi1>
      %convert_element_type3A_2034 = arith.extui %and3A_2033 : vector<16x2048xi1> to vector<16x2048xi32>
      %reduce_sum3A_2035 = arith.constant dense<0> : vector<16xi32>
      %reduce_sum3A_2036 = vector.multi_reduction <add>, %convert_element_type3A_2034, %reduce_sum3A_2035 [1] : vector<16x2048xi32> to vector<16xi32>
      %broadcast_in_dim3A_2037 = vector.shape_cast %reduce_sum3A_2036 : vector<16xi32> to vector<16x1xi32>
      %ge3A_2038 = arith.cmpi sge, %broadcast_in_dim3A_2037, %sub3A_1734 : vector<16x1xi32>
      %select_n3A_2039 = arith.select %ge3A_2038, %add3A_2030, %select_n3A_1996 : vector<16x1xi1>, vector<16x1xi32>
      %select_n3A_2040 = arith.select %ge3A_2038, %select_n3A_1997, %add3A_2030 : vector<16x1xi1>, vector<16x1xi32>
      %sub3A_2041 = arith.subi %select_n3A_2039, %select_n3A_2040 : vector<16x1xi32>
      %jit3A_2042 = arith.constant 2 : i32
      %div3A_2043 = vector.broadcast %jit3A_2042 : i32 to vector<16x1xi32>
      %div3A_2044 = arith.divsi %sub3A_2041, %div3A_2043 : vector<16x1xi32>
      %sign3A_2045 = arith.constant 0 : i32
      %sign3A_2046 = vector.broadcast %sign3A_2045 : i32 to vector<16x1xi32>
      %sign3A_2047 = arith.cmpi sgt, %sub3A_2041, %sign3A_2046 : vector<16x1xi32>
      %sign3A_2048 = arith.extui %sign3A_2047 : vector<16x1xi1> to vector<16x1xi32>
      %sign3A_2049 = arith.constant 0 : i32
      %sign3A_2050 = vector.broadcast %sign3A_2049 : i32 to vector<16x1xi32>
      %sign3A_2051 = arith.cmpi slt, %sub3A_2041, %sign3A_2050 : vector<16x1xi32>
      %sign3A_2052 = arith.extui %sign3A_2051 : vector<16x1xi1> to vector<16x1xi32>
      %sign3A_2053 = arith.subi %sign3A_2048, %sign3A_2052 : vector<16x1xi32>
      %sign3A_2054 = arith.constant 0 : i32
      %sign3A_2055 = arith.cmpi sgt, %jit3A_2042, %sign3A_2054 : i32
      %sign3A_2056 = arith.extui %sign3A_2055 : i1 to i32
      %sign3A_2057 = arith.constant 0 : i32
      %sign3A_2058 = arith.cmpi slt, %jit3A_2042, %sign3A_2057 : i32
      %sign3A_2059 = arith.extui %sign3A_2058 : i1 to i32
      %sign3A_2060 = arith.subi %sign3A_2056, %sign3A_2059 : i32
      %ne3A_2061 = vector.broadcast %sign3A_2060 : i32 to vector<16x1xi32>
      %ne3A_2062 = arith.cmpi ne, %sign3A_2053, %ne3A_2061 : vector<16x1xi32>
      %rem3A_2063 = vector.broadcast %jit3A_2042 : i32 to vector<16x1xi32>
      %rem3A_2064 = arith.remsi %sub3A_2041, %rem3A_2063 : vector<16x1xi32>
      %ne3A_2065 = arith.constant 0 : i32
      %ne3A_2066 = vector.broadcast %ne3A_2065 : i32 to vector<16x1xi32>
      %ne3A_2067 = arith.cmpi ne, %rem3A_2064, %ne3A_2066 : vector<16x1xi32>
      %and3A_2068 = arith.andi %ne3A_2062, %ne3A_2067 : vector<16x1xi1>
      %sub3A_2069 = arith.constant 1 : i32
      %sub3A_2070 = vector.broadcast %sub3A_2069 : i32 to vector<16x1xi32>
      %sub3A_2071 = arith.subi %div3A_2044, %sub3A_2070 : vector<16x1xi32>
      %select_n3A_2072 = arith.select %and3A_2068, %sub3A_2071, %div3A_2044 : vector<16x1xi1>, vector<16x1xi32>
      %add3A_2073 = arith.addi %select_n3A_2040, %select_n3A_2072 : vector<16x1xi32>
      %lt3A_2074 = vector.broadcast %add3A_2073 : vector<16x1xi32> to vector<16x2048xi32>
      %lt3A_2075 = arith.cmpi slt, %iota3A, %lt3A_2074 : vector<16x2048xi32>
      %and3A_2076 = arith.andi %eq3A_1736, %lt3A_2075 : vector<16x2048xi1>
      %convert_element_type3A_2077 = arith.extui %and3A_2076 : vector<16x2048xi1> to vector<16x2048xi32>
      %reduce_sum3A_2078 = arith.constant dense<0> : vector<16xi32>
      %reduce_sum3A_2079 = vector.multi_reduction <add>, %convert_element_type3A_2077, %reduce_sum3A_2078 [1] : vector<16x2048xi32> to vector<16xi32>
      %broadcast_in_dim3A_2080 = vector.shape_cast %reduce_sum3A_2079 : vector<16xi32> to vector<16x1xi32>
      %ge3A_2081 = arith.cmpi sge, %broadcast_in_dim3A_2080, %sub3A_1734 : vector<16x1xi32>
      %select_n3A_2082 = arith.select %ge3A_2081, %add3A_2073, %select_n3A_2039 : vector<16x1xi1>, vector<16x1xi32>
      %select_n3A_2083 = arith.select %ge3A_2081, %select_n3A_2040, %add3A_2073 : vector<16x1xi1>, vector<16x1xi32>
      %sub3A_2084 = arith.subi %select_n3A_2082, %select_n3A_2083 : vector<16x1xi32>
      %jit3A_2085 = arith.constant 2 : i32
      %div3A_2086 = vector.broadcast %jit3A_2085 : i32 to vector<16x1xi32>
      %div3A_2087 = arith.divsi %sub3A_2084, %div3A_2086 : vector<16x1xi32>
      %sign3A_2088 = arith.constant 0 : i32
      %sign3A_2089 = vector.broadcast %sign3A_2088 : i32 to vector<16x1xi32>
      %sign3A_2090 = arith.cmpi sgt, %sub3A_2084, %sign3A_2089 : vector<16x1xi32>
      %sign3A_2091 = arith.extui %sign3A_2090 : vector<16x1xi1> to vector<16x1xi32>
      %sign3A_2092 = arith.constant 0 : i32
      %sign3A_2093 = vector.broadcast %sign3A_2092 : i32 to vector<16x1xi32>
      %sign3A_2094 = arith.cmpi slt, %sub3A_2084, %sign3A_2093 : vector<16x1xi32>
      %sign3A_2095 = arith.extui %sign3A_2094 : vector<16x1xi1> to vector<16x1xi32>
      %sign3A_2096 = arith.subi %sign3A_2091, %sign3A_2095 : vector<16x1xi32>
      %sign3A_2097 = arith.constant 0 : i32
      %sign3A_2098 = arith.cmpi sgt, %jit3A_2085, %sign3A_2097 : i32
      %sign3A_2099 = arith.extui %sign3A_2098 : i1 to i32
      %sign3A_2100 = arith.constant 0 : i32
      %sign3A_2101 = arith.cmpi slt, %jit3A_2085, %sign3A_2100 : i32
      %sign3A_2102 = arith.extui %sign3A_2101 : i1 to i32
      %sign3A_2103 = arith.subi %sign3A_2099, %sign3A_2102 : i32
      %ne3A_2104 = vector.broadcast %sign3A_2103 : i32 to vector<16x1xi32>
      %ne3A_2105 = arith.cmpi ne, %sign3A_2096, %ne3A_2104 : vector<16x1xi32>
      %rem3A_2106 = vector.broadcast %jit3A_2085 : i32 to vector<16x1xi32>
      %rem3A_2107 = arith.remsi %sub3A_2084, %rem3A_2106 : vector<16x1xi32>
      %ne3A_2108 = arith.constant 0 : i32
      %ne3A_2109 = vector.broadcast %ne3A_2108 : i32 to vector<16x1xi32>
      %ne3A_2110 = arith.cmpi ne, %rem3A_2107, %ne3A_2109 : vector<16x1xi32>
      %and3A_2111 = arith.andi %ne3A_2105, %ne3A_2110 : vector<16x1xi1>
      %sub3A_2112 = arith.constant 1 : i32
      %sub3A_2113 = vector.broadcast %sub3A_2112 : i32 to vector<16x1xi32>
      %sub3A_2114 = arith.subi %div3A_2087, %sub3A_2113 : vector<16x1xi32>
      %select_n3A_2115 = arith.select %and3A_2111, %sub3A_2114, %div3A_2087 : vector<16x1xi1>, vector<16x1xi32>
      %add3A_2116 = arith.addi %select_n3A_2083, %select_n3A_2115 : vector<16x1xi32>
      %lt3A_2117 = vector.broadcast %add3A_2116 : vector<16x1xi32> to vector<16x2048xi32>
      %lt3A_2118 = arith.cmpi slt, %iota3A, %lt3A_2117 : vector<16x2048xi32>
      %and3A_2119 = arith.andi %eq3A_1736, %lt3A_2118 : vector<16x2048xi1>
      %convert_element_type3A_2120 = arith.extui %and3A_2119 : vector<16x2048xi1> to vector<16x2048xi32>
      %reduce_sum3A_2121 = arith.constant dense<0> : vector<16xi32>
      %reduce_sum3A_2122 = vector.multi_reduction <add>, %convert_element_type3A_2120, %reduce_sum3A_2121 [1] : vector<16x2048xi32> to vector<16xi32>
      %broadcast_in_dim3A_2123 = vector.shape_cast %reduce_sum3A_2122 : vector<16xi32> to vector<16x1xi32>
      %ge3A_2124 = arith.cmpi sge, %broadcast_in_dim3A_2123, %sub3A_1734 : vector<16x1xi32>
      %select_n3A_2125 = arith.select %ge3A_2124, %add3A_2116, %select_n3A_2082 : vector<16x1xi1>, vector<16x1xi32>
      %select_n3A_2126 = arith.select %ge3A_2124, %select_n3A_2083, %add3A_2116 : vector<16x1xi1>, vector<16x1xi32>
      %sub3A_2127 = arith.subi %select_n3A_2125, %select_n3A_2126 : vector<16x1xi32>
      %jit3A_2128 = arith.constant 2 : i32
      %div3A_2129 = vector.broadcast %jit3A_2128 : i32 to vector<16x1xi32>
      %div3A_2130 = arith.divsi %sub3A_2127, %div3A_2129 : vector<16x1xi32>
      %sign3A_2131 = arith.constant 0 : i32
      %sign3A_2132 = vector.broadcast %sign3A_2131 : i32 to vector<16x1xi32>
      %sign3A_2133 = arith.cmpi sgt, %sub3A_2127, %sign3A_2132 : vector<16x1xi32>
      %sign3A_2134 = arith.extui %sign3A_2133 : vector<16x1xi1> to vector<16x1xi32>
      %sign3A_2135 = arith.constant 0 : i32
      %sign3A_2136 = vector.broadcast %sign3A_2135 : i32 to vector<16x1xi32>
      %sign3A_2137 = arith.cmpi slt, %sub3A_2127, %sign3A_2136 : vector<16x1xi32>
      %sign3A_2138 = arith.extui %sign3A_2137 : vector<16x1xi1> to vector<16x1xi32>
      %sign3A_2139 = arith.subi %sign3A_2134, %sign3A_2138 : vector<16x1xi32>
      %sign3A_2140 = arith.constant 0 : i32
      %sign3A_2141 = arith.cmpi sgt, %jit3A_2128, %sign3A_2140 : i32
      %sign3A_2142 = arith.extui %sign3A_2141 : i1 to i32
      %sign3A_2143 = arith.constant 0 : i32
      %sign3A_2144 = arith.cmpi slt, %jit3A_2128, %sign3A_2143 : i32
      %sign3A_2145 = arith.extui %sign3A_2144 : i1 to i32
      %sign3A_2146 = arith.subi %sign3A_2142, %sign3A_2145 : i32
      %ne3A_2147 = vector.broadcast %sign3A_2146 : i32 to vector<16x1xi32>
      %ne3A_2148 = arith.cmpi ne, %sign3A_2139, %ne3A_2147 : vector<16x1xi32>
      %rem3A_2149 = vector.broadcast %jit3A_2128 : i32 to vector<16x1xi32>
      %rem3A_2150 = arith.remsi %sub3A_2127, %rem3A_2149 : vector<16x1xi32>
      %ne3A_2151 = arith.constant 0 : i32
      %ne3A_2152 = vector.broadcast %ne3A_2151 : i32 to vector<16x1xi32>
      %ne3A_2153 = arith.cmpi ne, %rem3A_2150, %ne3A_2152 : vector<16x1xi32>
      %and3A_2154 = arith.andi %ne3A_2148, %ne3A_2153 : vector<16x1xi1>
      %sub3A_2155 = arith.constant 1 : i32
      %sub3A_2156 = vector.broadcast %sub3A_2155 : i32 to vector<16x1xi32>
      %sub3A_2157 = arith.subi %div3A_2130, %sub3A_2156 : vector<16x1xi32>
      %select_n3A_2158 = arith.select %and3A_2154, %sub3A_2157, %div3A_2130 : vector<16x1xi1>, vector<16x1xi32>
      %add3A_2159 = arith.addi %select_n3A_2126, %select_n3A_2158 : vector<16x1xi32>
      %lt3A_2160 = vector.broadcast %add3A_2159 : vector<16x1xi32> to vector<16x2048xi32>
      %lt3A_2161 = arith.cmpi slt, %iota3A, %lt3A_2160 : vector<16x2048xi32>
      %and3A_2162 = arith.andi %eq3A_1736, %lt3A_2161 : vector<16x2048xi1>
      %convert_element_type3A_2163 = arith.extui %and3A_2162 : vector<16x2048xi1> to vector<16x2048xi32>
      %reduce_sum3A_2164 = arith.constant dense<0> : vector<16xi32>
      %reduce_sum3A_2165 = vector.multi_reduction <add>, %convert_element_type3A_2163, %reduce_sum3A_2164 [1] : vector<16x2048xi32> to vector<16xi32>
      %broadcast_in_dim3A_2166 = vector.shape_cast %reduce_sum3A_2165 : vector<16xi32> to vector<16x1xi32>
      %ge3A_2167 = arith.cmpi sge, %broadcast_in_dim3A_2166, %sub3A_1734 : vector<16x1xi32>
      %select_n3A_2168 = arith.select %ge3A_2167, %add3A_2159, %select_n3A_2125 : vector<16x1xi1>, vector<16x1xi32>
      %select_n3A_2169 = arith.select %ge3A_2167, %select_n3A_2126, %add3A_2159 : vector<16x1xi1>, vector<16x1xi32>
      %sub3A_2170 = arith.subi %select_n3A_2168, %select_n3A_2169 : vector<16x1xi32>
      %jit3A_2171 = arith.constant 2 : i32
      %div3A_2172 = vector.broadcast %jit3A_2171 : i32 to vector<16x1xi32>
      %div3A_2173 = arith.divsi %sub3A_2170, %div3A_2172 : vector<16x1xi32>
      %sign3A_2174 = arith.constant 0 : i32
      %sign3A_2175 = vector.broadcast %sign3A_2174 : i32 to vector<16x1xi32>
      %sign3A_2176 = arith.cmpi sgt, %sub3A_2170, %sign3A_2175 : vector<16x1xi32>
      %sign3A_2177 = arith.extui %sign3A_2176 : vector<16x1xi1> to vector<16x1xi32>
      %sign3A_2178 = arith.constant 0 : i32
      %sign3A_2179 = vector.broadcast %sign3A_2178 : i32 to vector<16x1xi32>
      %sign3A_2180 = arith.cmpi slt, %sub3A_2170, %sign3A_2179 : vector<16x1xi32>
      %sign3A_2181 = arith.extui %sign3A_2180 : vector<16x1xi1> to vector<16x1xi32>
      %sign3A_2182 = arith.subi %sign3A_2177, %sign3A_2181 : vector<16x1xi32>
      %sign3A_2183 = arith.constant 0 : i32
      %sign3A_2184 = arith.cmpi sgt, %jit3A_2171, %sign3A_2183 : i32
      %sign3A_2185 = arith.extui %sign3A_2184 : i1 to i32
      %sign3A_2186 = arith.constant 0 : i32
      %sign3A_2187 = arith.cmpi slt, %jit3A_2171, %sign3A_2186 : i32
      %sign3A_2188 = arith.extui %sign3A_2187 : i1 to i32
      %sign3A_2189 = arith.subi %sign3A_2185, %sign3A_2188 : i32
      %ne3A_2190 = vector.broadcast %sign3A_2189 : i32 to vector<16x1xi32>
      %ne3A_2191 = arith.cmpi ne, %sign3A_2182, %ne3A_2190 : vector<16x1xi32>
      %rem3A_2192 = vector.broadcast %jit3A_2171 : i32 to vector<16x1xi32>
      %rem3A_2193 = arith.remsi %sub3A_2170, %rem3A_2192 : vector<16x1xi32>
      %ne3A_2194 = arith.constant 0 : i32
      %ne3A_2195 = vector.broadcast %ne3A_2194 : i32 to vector<16x1xi32>
      %ne3A_2196 = arith.cmpi ne, %rem3A_2193, %ne3A_2195 : vector<16x1xi32>
      %and3A_2197 = arith.andi %ne3A_2191, %ne3A_2196 : vector<16x1xi1>
      %sub3A_2198 = arith.constant 1 : i32
      %sub3A_2199 = vector.broadcast %sub3A_2198 : i32 to vector<16x1xi32>
      %sub3A_2200 = arith.subi %div3A_2173, %sub3A_2199 : vector<16x1xi32>
      %select_n3A_2201 = arith.select %and3A_2197, %sub3A_2200, %div3A_2173 : vector<16x1xi1>, vector<16x1xi32>
      %add3A_2202 = arith.addi %select_n3A_2169, %select_n3A_2201 : vector<16x1xi32>
      %lt3A_2203 = vector.broadcast %add3A_2202 : vector<16x1xi32> to vector<16x2048xi32>
      %lt3A_2204 = arith.cmpi slt, %iota3A, %lt3A_2203 : vector<16x2048xi32>
      %and3A_2205 = arith.andi %eq3A_1736, %lt3A_2204 : vector<16x2048xi1>
      %convert_element_type3A_2206 = arith.extui %and3A_2205 : vector<16x2048xi1> to vector<16x2048xi32>
      %reduce_sum3A_2207 = arith.constant dense<0> : vector<16xi32>
      %reduce_sum3A_2208 = vector.multi_reduction <add>, %convert_element_type3A_2206, %reduce_sum3A_2207 [1] : vector<16x2048xi32> to vector<16xi32>
      %broadcast_in_dim3A_2209 = vector.shape_cast %reduce_sum3A_2208 : vector<16xi32> to vector<16x1xi32>
      %ge3A_2210 = arith.cmpi sge, %broadcast_in_dim3A_2209, %sub3A_1734 : vector<16x1xi32>
      %select_n3A_2211 = arith.select %ge3A_2210, %add3A_2202, %select_n3A_2168 : vector<16x1xi1>, vector<16x1xi32>
      %select_n3A_2212 = arith.select %ge3A_2210, %select_n3A_2169, %add3A_2202 : vector<16x1xi1>, vector<16x1xi32>
      %sub3A_2213 = arith.subi %select_n3A_2211, %select_n3A_2212 : vector<16x1xi32>
      %jit3A_2214 = arith.constant 2 : i32
      %div3A_2215 = vector.broadcast %jit3A_2214 : i32 to vector<16x1xi32>
      %div3A_2216 = arith.divsi %sub3A_2213, %div3A_2215 : vector<16x1xi32>
      %sign3A_2217 = arith.constant 0 : i32
      %sign3A_2218 = vector.broadcast %sign3A_2217 : i32 to vector<16x1xi32>
      %sign3A_2219 = arith.cmpi sgt, %sub3A_2213, %sign3A_2218 : vector<16x1xi32>
      %sign3A_2220 = arith.extui %sign3A_2219 : vector<16x1xi1> to vector<16x1xi32>
      %sign3A_2221 = arith.constant 0 : i32
      %sign3A_2222 = vector.broadcast %sign3A_2221 : i32 to vector<16x1xi32>
      %sign3A_2223 = arith.cmpi slt, %sub3A_2213, %sign3A_2222 : vector<16x1xi32>
      %sign3A_2224 = arith.extui %sign3A_2223 : vector<16x1xi1> to vector<16x1xi32>
      %sign3A_2225 = arith.subi %sign3A_2220, %sign3A_2224 : vector<16x1xi32>
      %sign3A_2226 = arith.constant 0 : i32
      %sign3A_2227 = arith.cmpi sgt, %jit3A_2214, %sign3A_2226 : i32
      %sign3A_2228 = arith.extui %sign3A_2227 : i1 to i32
      %sign3A_2229 = arith.constant 0 : i32
      %sign3A_2230 = arith.cmpi slt, %jit3A_2214, %sign3A_2229 : i32
      %sign3A_2231 = arith.extui %sign3A_2230 : i1 to i32
      %sign3A_2232 = arith.subi %sign3A_2228, %sign3A_2231 : i32
      %ne3A_2233 = vector.broadcast %sign3A_2232 : i32 to vector<16x1xi32>
      %ne3A_2234 = arith.cmpi ne, %sign3A_2225, %ne3A_2233 : vector<16x1xi32>
      %rem3A_2235 = vector.broadcast %jit3A_2214 : i32 to vector<16x1xi32>
      %rem3A_2236 = arith.remsi %sub3A_2213, %rem3A_2235 : vector<16x1xi32>
      %ne3A_2237 = arith.constant 0 : i32
      %ne3A_2238 = vector.broadcast %ne3A_2237 : i32 to vector<16x1xi32>
      %ne3A_2239 = arith.cmpi ne, %rem3A_2236, %ne3A_2238 : vector<16x1xi32>
      %and3A_2240 = arith.andi %ne3A_2234, %ne3A_2239 : vector<16x1xi1>
      %sub3A_2241 = arith.constant 1 : i32
      %sub3A_2242 = vector.broadcast %sub3A_2241 : i32 to vector<16x1xi32>
      %sub3A_2243 = arith.subi %div3A_2216, %sub3A_2242 : vector<16x1xi32>
      %select_n3A_2244 = arith.select %and3A_2240, %sub3A_2243, %div3A_2216 : vector<16x1xi1>, vector<16x1xi32>
      %add3A_2245 = arith.addi %select_n3A_2212, %select_n3A_2244 : vector<16x1xi32>
      %lt3A_2246 = vector.broadcast %add3A_2245 : vector<16x1xi32> to vector<16x2048xi32>
      %lt3A_2247 = arith.cmpi slt, %iota3A, %lt3A_2246 : vector<16x2048xi32>
      %and3A_2248 = arith.andi %eq3A_1736, %lt3A_2247 : vector<16x2048xi1>
      %convert_element_type3A_2249 = arith.extui %and3A_2248 : vector<16x2048xi1> to vector<16x2048xi32>
      %reduce_sum3A_2250 = arith.constant dense<0> : vector<16xi32>
      %reduce_sum3A_2251 = vector.multi_reduction <add>, %convert_element_type3A_2249, %reduce_sum3A_2250 [1] : vector<16x2048xi32> to vector<16xi32>
      %broadcast_in_dim3A_2252 = vector.shape_cast %reduce_sum3A_2251 : vector<16xi32> to vector<16x1xi32>
      %ge3A_2253 = arith.cmpi sge, %broadcast_in_dim3A_2252, %sub3A_1734 : vector<16x1xi32>
      %select_n3A_2254 = arith.select %ge3A_2253, %add3A_2245, %select_n3A_2211 : vector<16x1xi1>, vector<16x1xi32>
      %gt3A_2255 = vector.broadcast %select_n3A_1726 : vector<16x1xi32> to vector<16x2048xi32>
      %gt3A_2256 = arith.cmpi sgt, %bitcast_convert_type3A, %gt3A_2255 : vector<16x2048xi32>
      %lt3A_2257 = vector.broadcast %select_n3A_2254 : vector<16x1xi32> to vector<16x2048xi32>
      %lt3A_2258 = arith.cmpi slt, %iota3A, %lt3A_2257 : vector<16x2048xi32>
      %and3A_2259 = arith.andi %eq3A_1736, %lt3A_2258 : vector<16x2048xi1>
      %or3A = arith.ori %gt3A_2256, %and3A_2259 : vector<16x2048xi1>
      %convert_element_type3A_2260 = arith.extui %or3A : vector<16x2048xi1> to vector<16x2048xi32>
      %convert_element_type3A_2261 = arith.sitofp %convert_element_type3A_2260 : vector<16x2048xi32> to vector<16x2048xf32>
      %iota3A_2262 = tpu.iota {dimensions = array<i32: 0>} : vector<256x256xi32>
      %iota3A_2263 = tpu.iota {dimensions = array<i32: 1>} : vector<256x256xi32>
      %lt3A_2264 = arith.cmpi slt, %iota3A_2262, %iota3A_2263 : vector<256x256xi32>
      %convert_element_type3A_2265 = arith.extui %lt3A_2264 : vector<256x256xi1> to vector<256x256xi32>
      %convert_element_type3A_2266 = arith.sitofp %convert_element_type3A_2265 : vector<256x256xi32> to vector<256x256xf32>
      %broadcast_in_dim3A_2267 = arith.constant 0.000000e+00 : f32
      %broadcast_in_dim3A_2268 = vector.broadcast %broadcast_in_dim3A_2267 : f32 to vector<16x1xf32>
      %slice3A_2269 = vector.extract_strided_slice %convert_element_type3A_2261 {offsets = [0, 0], sizes = [16, 256], strides = [1, 1]} : vector<16x2048xf32> to vector<16x256xf32>
      %dot_general3A_2270 = arith.constant dense<0.000000e+00> : vector<16x256xf32>
      %dot_general3A_2271 = tpu.matmul %slice3A_2269, %convert_element_type3A_2266, %dot_general3A_2270 {dimension_numbers = #tpu.dot_dimension_numbers<[1], [0], [0], [1], [0, 0, 1, 1], [], []>, precision = #tpu.contract_precision<fp32>, transpose_lhs_hint = false} : vector<16x256xf32>, vector<256x256xf32>, vector<16x256xf32> -> vector<16x256xf32>
      %add3A_2272 = vector.broadcast %broadcast_in_dim3A_2268 : vector<16x1xf32> to vector<16x256xf32>
      %add3A_2273 = arith.addf %dot_general3A_2271, %add3A_2272 : vector<16x256xf32>
      %reduce_sum3A_2274 = arith.constant dense<0.000000e+00> : vector<16xf32>
      %reduce_sum3A_2275 = vector.multi_reduction <add>, %slice3A_2269, %reduce_sum3A_2274 [1] : vector<16x256xf32> to vector<16xf32>
      %broadcast_in_dim3A_2276 = vector.shape_cast %reduce_sum3A_2275 : vector<16xf32> to vector<16x1xf32>
      %add3A_2277 = arith.addf %broadcast_in_dim3A_2268, %broadcast_in_dim3A_2276 : vector<16x1xf32>
      %slice3A_2278 = vector.extract_strided_slice %convert_element_type3A_2261 {offsets = [0, 256], sizes = [16, 256], strides = [1, 1]} : vector<16x2048xf32> to vector<16x256xf32>
      %dot_general3A_2279 = arith.constant dense<0.000000e+00> : vector<16x256xf32>
      %dot_general3A_2280 = tpu.matmul %slice3A_2278, %convert_element_type3A_2266, %dot_general3A_2279 {dimension_numbers = #tpu.dot_dimension_numbers<[1], [0], [0], [1], [0, 0, 1, 1], [], []>, precision = #tpu.contract_precision<fp32>, transpose_lhs_hint = false} : vector<16x256xf32>, vector<256x256xf32>, vector<16x256xf32> -> vector<16x256xf32>
      %add3A_2281 = vector.broadcast %add3A_2277 : vector<16x1xf32> to vector<16x256xf32>
      %add3A_2282 = arith.addf %dot_general3A_2280, %add3A_2281 : vector<16x256xf32>
      %reduce_sum3A_2283 = arith.constant dense<0.000000e+00> : vector<16xf32>
      %reduce_sum3A_2284 = vector.multi_reduction <add>, %slice3A_2278, %reduce_sum3A_2283 [1] : vector<16x256xf32> to vector<16xf32>
      %broadcast_in_dim3A_2285 = vector.shape_cast %reduce_sum3A_2284 : vector<16xf32> to vector<16x1xf32>
      %add3A_2286 = arith.addf %add3A_2277, %broadcast_in_dim3A_2285 : vector<16x1xf32>
      %slice3A_2287 = vector.extract_strided_slice %convert_element_type3A_2261 {offsets = [0, 512], sizes = [16, 256], strides = [1, 1]} : vector<16x2048xf32> to vector<16x256xf32>
      %dot_general3A_2288 = arith.constant dense<0.000000e+00> : vector<16x256xf32>
      %dot_general3A_2289 = tpu.matmul %slice3A_2287, %convert_element_type3A_2266, %dot_general3A_2288 {dimension_numbers = #tpu.dot_dimension_numbers<[1], [0], [0], [1], [0, 0, 1, 1], [], []>, precision = #tpu.contract_precision<fp32>, transpose_lhs_hint = false} : vector<16x256xf32>, vector<256x256xf32>, vector<16x256xf32> -> vector<16x256xf32>
      %add3A_2290 = vector.broadcast %add3A_2286 : vector<16x1xf32> to vector<16x256xf32>
      %add3A_2291 = arith.addf %dot_general3A_2289, %add3A_2290 : vector<16x256xf32>
      %reduce_sum3A_2292 = arith.constant dense<0.000000e+00> : vector<16xf32>
      %reduce_sum3A_2293 = vector.multi_reduction <add>, %slice3A_2287, %reduce_sum3A_2292 [1] : vector<16x256xf32> to vector<16xf32>
      %broadcast_in_dim3A_2294 = vector.shape_cast %reduce_sum3A_2293 : vector<16xf32> to vector<16x1xf32>
      %add3A_2295 = arith.addf %add3A_2286, %broadcast_in_dim3A_2294 : vector<16x1xf32>
      %slice3A_2296 = vector.extract_strided_slice %convert_element_type3A_2261 {offsets = [0, 768], sizes = [16, 256], strides = [1, 1]} : vector<16x2048xf32> to vector<16x256xf32>
      %dot_general3A_2297 = arith.constant dense<0.000000e+00> : vector<16x256xf32>
      %dot_general3A_2298 = tpu.matmul %slice3A_2296, %convert_element_type3A_2266, %dot_general3A_2297 {dimension_numbers = #tpu.dot_dimension_numbers<[1], [0], [0], [1], [0, 0, 1, 1], [], []>, precision = #tpu.contract_precision<fp32>, transpose_lhs_hint = false} : vector<16x256xf32>, vector<256x256xf32>, vector<16x256xf32> -> vector<16x256xf32>
      %add3A_2299 = vector.broadcast %add3A_2295 : vector<16x1xf32> to vector<16x256xf32>
      %add3A_2300 = arith.addf %dot_general3A_2298, %add3A_2299 : vector<16x256xf32>
      %reduce_sum3A_2301 = arith.constant dense<0.000000e+00> : vector<16xf32>
      %reduce_sum3A_2302 = vector.multi_reduction <add>, %slice3A_2296, %reduce_sum3A_2301 [1] : vector<16x256xf32> to vector<16xf32>
      %broadcast_in_dim3A_2303 = vector.shape_cast %reduce_sum3A_2302 : vector<16xf32> to vector<16x1xf32>
      %add3A_2304 = arith.addf %add3A_2295, %broadcast_in_dim3A_2303 : vector<16x1xf32>
      %slice3A_2305 = vector.extract_strided_slice %convert_element_type3A_2261 {offsets = [0, 1024], sizes = [16, 256], strides = [1, 1]} : vector<16x2048xf32> to vector<16x256xf32>
      %dot_general3A_2306 = arith.constant dense<0.000000e+00> : vector<16x256xf32>
      %dot_general3A_2307 = tpu.matmul %slice3A_2305, %convert_element_type3A_2266, %dot_general3A_2306 {dimension_numbers = #tpu.dot_dimension_numbers<[1], [0], [0], [1], [0, 0, 1, 1], [], []>, precision = #tpu.contract_precision<fp32>, transpose_lhs_hint = false} : vector<16x256xf32>, vector<256x256xf32>, vector<16x256xf32> -> vector<16x256xf32>
      %add3A_2308 = vector.broadcast %add3A_2304 : vector<16x1xf32> to vector<16x256xf32>
      %add3A_2309 = arith.addf %dot_general3A_2307, %add3A_2308 : vector<16x256xf32>
      %reduce_sum3A_2310 = arith.constant dense<0.000000e+00> : vector<16xf32>
      %reduce_sum3A_2311 = vector.multi_reduction <add>, %slice3A_2305, %reduce_sum3A_2310 [1] : vector<16x256xf32> to vector<16xf32>
      %broadcast_in_dim3A_2312 = vector.shape_cast %reduce_sum3A_2311 : vector<16xf32> to vector<16x1xf32>
      %add3A_2313 = arith.addf %add3A_2304, %broadcast_in_dim3A_2312 : vector<16x1xf32>
      %slice3A_2314 = vector.extract_strided_slice %convert_element_type3A_2261 {offsets = [0, 1280], sizes = [16, 256], strides = [1, 1]} : vector<16x2048xf32> to vector<16x256xf32>
      %dot_general3A_2315 = arith.constant dense<0.000000e+00> : vector<16x256xf32>
      %dot_general3A_2316 = tpu.matmul %slice3A_2314, %convert_element_type3A_2266, %dot_general3A_2315 {dimension_numbers = #tpu.dot_dimension_numbers<[1], [0], [0], [1], [0, 0, 1, 1], [], []>, precision = #tpu.contract_precision<fp32>, transpose_lhs_hint = false} : vector<16x256xf32>, vector<256x256xf32>, vector<16x256xf32> -> vector<16x256xf32>
      %add3A_2317 = vector.broadcast %add3A_2313 : vector<16x1xf32> to vector<16x256xf32>
      %add3A_2318 = arith.addf %dot_general3A_2316, %add3A_2317 : vector<16x256xf32>
      %reduce_sum3A_2319 = arith.constant dense<0.000000e+00> : vector<16xf32>
      %reduce_sum3A_2320 = vector.multi_reduction <add>, %slice3A_2314, %reduce_sum3A_2319 [1] : vector<16x256xf32> to vector<16xf32>
      %broadcast_in_dim3A_2321 = vector.shape_cast %reduce_sum3A_2320 : vector<16xf32> to vector<16x1xf32>
      %add3A_2322 = arith.addf %add3A_2313, %broadcast_in_dim3A_2321 : vector<16x1xf32>
      %slice3A_2323 = vector.extract_strided_slice %convert_element_type3A_2261 {offsets = [0, 1536], sizes = [16, 256], strides = [1, 1]} : vector<16x2048xf32> to vector<16x256xf32>
      %dot_general3A_2324 = arith.constant dense<0.000000e+00> : vector<16x256xf32>
      %dot_general3A_2325 = tpu.matmul %slice3A_2323, %convert_element_type3A_2266, %dot_general3A_2324 {dimension_numbers = #tpu.dot_dimension_numbers<[1], [0], [0], [1], [0, 0, 1, 1], [], []>, precision = #tpu.contract_precision<fp32>, transpose_lhs_hint = false} : vector<16x256xf32>, vector<256x256xf32>, vector<16x256xf32> -> vector<16x256xf32>
      %add3A_2326 = vector.broadcast %add3A_2322 : vector<16x1xf32> to vector<16x256xf32>
      %add3A_2327 = arith.addf %dot_general3A_2325, %add3A_2326 : vector<16x256xf32>
      %reduce_sum3A_2328 = arith.constant dense<0.000000e+00> : vector<16xf32>
      %reduce_sum3A_2329 = vector.multi_reduction <add>, %slice3A_2323, %reduce_sum3A_2328 [1] : vector<16x256xf32> to vector<16xf32>
      %broadcast_in_dim3A_2330 = vector.shape_cast %reduce_sum3A_2329 : vector<16xf32> to vector<16x1xf32>
      %add3A_2331 = arith.addf %add3A_2322, %broadcast_in_dim3A_2330 : vector<16x1xf32>
      %slice3A_2332 = vector.extract_strided_slice %convert_element_type3A_2261 {offsets = [0, 1792], sizes = [16, 256], strides = [1, 1]} : vector<16x2048xf32> to vector<16x256xf32>
      %dot_general3A_2333 = arith.constant dense<0.000000e+00> : vector<16x256xf32>
      %dot_general3A_2334 = tpu.matmul %slice3A_2332, %convert_element_type3A_2266, %dot_general3A_2333 {dimension_numbers = #tpu.dot_dimension_numbers<[1], [0], [0], [1], [0, 0, 1, 1], [], []>, precision = #tpu.contract_precision<fp32>, transpose_lhs_hint = false} : vector<16x256xf32>, vector<256x256xf32>, vector<16x256xf32> -> vector<16x256xf32>
      %add3A_2335 = vector.broadcast %add3A_2331 : vector<16x1xf32> to vector<16x256xf32>
      %add3A_2336 = arith.addf %dot_general3A_2334, %add3A_2335 : vector<16x256xf32>
      %concatenate3A_2337 = tpu.concatenate %add3A_2273, %add3A_2282, %add3A_2291, %add3A_2300, %add3A_2309, %add3A_2318, %add3A_2327, %add3A_2336 in 1 : vector<16x256xf32>, vector<16x256xf32>, vector<16x256xf32>, vector<16x256xf32>, vector<16x256xf32>, vector<16x256xf32>, vector<16x256xf32>, vector<16x256xf32> -> vector<16x2048xf32>
      %convert_element_type3A_2338 = arith.fptosi %concatenate3A_2337 : vector<16x2048xf32> to vector<16x2048xi32>
      %jit3A_2339 = arith.constant 256 : i32
      %broadcast_in_dim3A_2340 = vector.broadcast %jit3A_2339 : i32 to vector<16x2048xi32>
      %select_n3A_2341 = arith.select %or3A, %convert_element_type3A_2338, %broadcast_in_dim3A_2340 : vector<16x2048xi1>, vector<16x2048xi32>
      %iota3A_2342 = tpu.iota {dimensions = array<i32: 0>} : vector<256x2048xi32>
      %iota3A_2343 = tpu.iota {dimensions = array<i32: 1>} : vector<1x2048xi32>
      %slice3A_2344 = vector.extract_strided_slice %select_n3A_2341 {offsets = [0, 0], sizes = [1, 2048], strides = [1, 1]} : vector<16x2048xi32> to vector<1x2048xi32>
      %eq3A_2345 = vector.broadcast %slice3A_2344 : vector<1x2048xi32> to vector<256x2048xi32>
      %eq3A_2346 = arith.cmpi eq, %eq3A_2345, %iota3A_2342 : vector<256x2048xi32>
      %jit3A_2347 = arith.constant 1.000000e+00 : f32
      %jit3A_2348 = arith.constant 0.000000e+00 : f32
      %broadcast_in_dim3A_2349 = vector.broadcast %jit3A_2347 : f32 to vector<256x2048xf32>
      %broadcast_in_dim3A_2350 = vector.broadcast %jit3A_2348 : f32 to vector<256x2048xf32>
      %select_n3A_2351 = arith.select %eq3A_2346, %broadcast_in_dim3A_2349, %broadcast_in_dim3A_2350 : vector<256x2048xi1>, vector<256x2048xf32>
      %add3A_2352 = arith.constant 0 : i32
      %add3A_2353 = vector.broadcast %add3A_2352 : i32 to vector<1x2048xi32>
      %add3A_2354 = arith.addi %iota3A_2343, %add3A_2353 : vector<1x2048xi32>
      %convert_element_type3A_2355 = arith.sitofp %add3A_2354 : vector<1x2048xi32> to vector<1x2048xf32>
      %slice3A_2356 = vector.extract_strided_slice %concatenate3A_367 {offsets = [0, 0], sizes = [1, 2048], strides = [1, 1]} : vector<16x2048xf32> to vector<1x2048xf32>
      %concatenate3A_2357 = tpu.concatenate %convert_element_type3A_2355, %slice3A_2356 in 0 : vector<1x2048xf32>, vector<1x2048xf32> -> vector<2x2048xf32>
      %dot_general3A_2358 = arith.constant dense<0.000000e+00> : vector<256x2xf32>
      %dot_general3A_2359 = tpu.matmul %select_n3A_2351, %concatenate3A_2357, %dot_general3A_2358 {dimension_numbers = #tpu.dot_dimension_numbers<[1], [1], [0], [0], [0, 0, 1, 0], [], []>, precision = #tpu.contract_precision<fp32>, transpose_lhs_hint = false} : vector<256x2048xf32>, vector<2x2048xf32>, vector<256x2xf32> -> vector<256x2xf32>
      %slice3A_2360 = vector.extract_strided_slice %dot_general3A_2359 {offsets = [0, 0], sizes = [256, 1], strides = [1, 1]} : vector<256x2xf32> to vector<256x1xf32>
      %convert_element_type3A_2361 = arith.fptosi %slice3A_2360 : vector<256x1xf32> to vector<256x1xi32>
      %swap3A_2362 = arith.constant 0 : index
      %swap3A_2363 = arith.constant 0 : index
      %swap3A_2364 = vector.load %arg3[%swap3A_2362, %swap3A_2363] : memref<256x16xi32, #tpu.memory_space<vmem>>, vector<256x1xi32>
      tpu.vector_store %arg3[%swap3A_2362, %swap3A_2363], %convert_element_type3A_2361 {strides = array<i32>} : memref<256x16xi32, #tpu.memory_space<vmem>>, vector<256x1xi32>,
      %slice3A_2365 = vector.extract_strided_slice %dot_general3A_2359 {offsets = [0, 1], sizes = [256, 1], strides = [1, 1]} : vector<256x2xf32> to vector<256x1xf32>
      %swap3A_2366 = arith.constant 0 : index
      %swap3A_2367 = arith.constant 0 : index
      %swap3A_2368 = vector.load %arg4[%swap3A_2366, %swap3A_2367] : memref<256x16xf32, #tpu.memory_space<vmem>>, vector<256x1xf32>
      tpu.vector_store %arg4[%swap3A_2366, %swap3A_2367], %slice3A_2365 {strides = array<i32>} : memref<256x16xf32, #tpu.memory_space<vmem>>, vector<256x1xf32>,
      %slice3A_2369 = vector.extract_strided_slice %select_n3A_2341 {offsets = [1, 0], sizes = [1, 2048], strides = [1, 1]} : vector<16x2048xi32> to vector<1x2048xi32>
      %eq3A_2370 = vector.broadcast %slice3A_2369 : vector<1x2048xi32> to vector<256x2048xi32>
      %eq3A_2371 = arith.cmpi eq, %eq3A_2370, %iota3A_2342 : vector<256x2048xi32>
      %jit3A_2372 = arith.constant 1.000000e+00 : f32
      %jit3A_2373 = arith.constant 0.000000e+00 : f32
      %broadcast_in_dim3A_2374 = vector.broadcast %jit3A_2372 : f32 to vector<256x2048xf32>
      %broadcast_in_dim3A_2375 = vector.broadcast %jit3A_2373 : f32 to vector<256x2048xf32>
      %select_n3A_2376 = arith.select %eq3A_2371, %broadcast_in_dim3A_2374, %broadcast_in_dim3A_2375 : vector<256x2048xi1>, vector<256x2048xf32>
      %add3A_2377 = arith.constant 0 : i32
      %add3A_2378 = vector.broadcast %add3A_2377 : i32 to vector<1x2048xi32>
      %add3A_2379 = arith.addi %iota3A_2343, %add3A_2378 : vector<1x2048xi32>
      %convert_element_type3A_2380 = arith.sitofp %add3A_2379 : vector<1x2048xi32> to vector<1x2048xf32>
      %slice3A_2381 = vector.extract_strided_slice %concatenate3A_367 {offsets = [1, 0], sizes = [1, 2048], strides = [1, 1]} : vector<16x2048xf32> to vector<1x2048xf32>
      %concatenate3A_2382 = tpu.concatenate %convert_element_type3A_2380, %slice3A_2381 in 0 : vector<1x2048xf32>, vector<1x2048xf32> -> vector<2x2048xf32>
      %dot_general3A_2383 = arith.constant dense<0.000000e+00> : vector<256x2xf32>
      %dot_general3A_2384 = tpu.matmul %select_n3A_2376, %concatenate3A_2382, %dot_general3A_2383 {dimension_numbers = #tpu.dot_dimension_numbers<[1], [1], [0], [0], [0, 0, 1, 0], [], []>, precision = #tpu.contract_precision<fp32>, transpose_lhs_hint = false} : vector<256x2048xf32>, vector<2x2048xf32>, vector<256x2xf32> -> vector<256x2xf32>
      %slice3A_2385 = vector.extract_strided_slice %dot_general3A_2384 {offsets = [0, 0], sizes = [256, 1], strides = [1, 1]} : vector<256x2xf32> to vector<256x1xf32>
      %convert_element_type3A_2386 = arith.fptosi %slice3A_2385 : vector<256x1xf32> to vector<256x1xi32>
      %swap3A_2387 = arith.constant 0 : index
      %swap3A_2388 = arith.constant 2 : index
      %swap3A_2389 = vector.load %arg3[%swap3A_2387, %swap3A_2388] : memref<256x16xi32, #tpu.memory_space<vmem>>, vector<256x1xi32>
      tpu.vector_store %arg3[%swap3A_2387, %swap3A_2388], %convert_element_type3A_2386 {strides = array<i32>} : memref<256x16xi32, #tpu.memory_space<vmem>>, vector<256x1xi32>,
      %slice3A_2390 = vector.extract_strided_slice %dot_general3A_2384 {offsets = [0, 1], sizes = [256, 1], strides = [1, 1]} : vector<256x2xf32> to vector<256x1xf32>
      %swap3A_2391 = arith.constant 0 : index
      %swap3A_2392 = arith.constant 2 : index
      %swap3A_2393 = vector.load %arg4[%swap3A_2391, %swap3A_2392] : memref<256x16xf32, #tpu.memory_space<vmem>>, vector<256x1xf32>
      tpu.vector_store %arg4[%swap3A_2391, %swap3A_2392], %slice3A_2390 {strides = array<i32>} : memref<256x16xf32, #tpu.memory_space<vmem>>, vector<256x1xf32>,
      %slice3A_2394 = vector.extract_strided_slice %select_n3A_2341 {offsets = [2, 0], sizes = [1, 2048], strides = [1, 1]} : vector<16x2048xi32> to vector<1x2048xi32>
      %eq3A_2395 = vector.broadcast %slice3A_2394 : vector<1x2048xi32> to vector<256x2048xi32>
      %eq3A_2396 = arith.cmpi eq, %eq3A_2395, %iota3A_2342 : vector<256x2048xi32>
      %jit3A_2397 = arith.constant 1.000000e+00 : f32
      %jit3A_2398 = arith.constant 0.000000e+00 : f32
      %broadcast_in_dim3A_2399 = vector.broadcast %jit3A_2397 : f32 to vector<256x2048xf32>
      %broadcast_in_dim3A_2400 = vector.broadcast %jit3A_2398 : f32 to vector<256x2048xf32>
      %select_n3A_2401 = arith.select %eq3A_2396, %broadcast_in_dim3A_2399, %broadcast_in_dim3A_2400 : vector<256x2048xi1>, vector<256x2048xf32>
      %add3A_2402 = arith.constant 0 : i32
      %add3A_2403 = vector.broadcast %add3A_2402 : i32 to vector<1x2048xi32>
      %add3A_2404 = arith.addi %iota3A_2343, %add3A_2403 : vector<1x2048xi32>
      %convert_element_type3A_2405 = arith.sitofp %add3A_2404 : vector<1x2048xi32> to vector<1x2048xf32>
      %slice3A_2406 = vector.extract_strided_slice %concatenate3A_367 {offsets = [2, 0], sizes = [1, 2048], strides = [1, 1]} : vector<16x2048xf32> to vector<1x2048xf32>
      %concatenate3A_2407 = tpu.concatenate %convert_element_type3A_2405, %slice3A_2406 in 0 : vector<1x2048xf32>, vector<1x2048xf32> -> vector<2x2048xf32>
      %dot_general3A_2408 = arith.constant dense<0.000000e+00> : vector<256x2xf32>
      %dot_general3A_2409 = tpu.matmul %select_n3A_2401, %concatenate3A_2407, %dot_general3A_2408 {dimension_numbers = #tpu.dot_dimension_numbers<[1], [1], [0], [0], [0, 0, 1, 0], [], []>, precision = #tpu.contract_precision<fp32>, transpose_lhs_hint = false} : vector<256x2048xf32>, vector<2x2048xf32>, vector<256x2xf32> -> vector<256x2xf32>
      %slice3A_2410 = vector.extract_strided_slice %dot_general3A_2409 {offsets = [0, 0], sizes = [256, 1], strides = [1, 1]} : vector<256x2xf32> to vector<256x1xf32>
      %convert_element_type3A_2411 = arith.fptosi %slice3A_2410 : vector<256x1xf32> to vector<256x1xi32>
      %swap3A_2412 = arith.constant 0 : index
      %swap3A_2413 = arith.constant 4 : index
      %swap3A_2414 = vector.load %arg3[%swap3A_2412, %swap3A_2413] : memref<256x16xi32, #tpu.memory_space<vmem>>, vector<256x1xi32>
      tpu.vector_store %arg3[%swap3A_2412, %swap3A_2413], %convert_element_type3A_2411 {strides = array<i32>} : memref<256x16xi32, #tpu.memory_space<vmem>>, vector<256x1xi32>,
      %slice3A_2415 = vector.extract_strided_slice %dot_general3A_2409 {offsets = [0, 1], sizes = [256, 1], strides = [1, 1]} : vector<256x2xf32> to vector<256x1xf32>
      %swap3A_2416 = arith.constant 0 : index
      %swap3A_2417 = arith.constant 4 : index
      %swap3A_2418 = vector.load %arg4[%swap3A_2416, %swap3A_2417] : memref<256x16xf32, #tpu.memory_space<vmem>>, vector<256x1xf32>
      tpu.vector_store %arg4[%swap3A_2416, %swap3A_2417], %slice3A_2415 {strides = array<i32>} : memref<256x16xf32, #tpu.memory_space<vmem>>, vector<256x1xf32>,
      %slice3A_2419 = vector.extract_strided_slice %select_n3A_2341 {offsets = [3, 0], sizes = [1, 2048], strides = [1, 1]} : vector<16x2048xi32> to vector<1x2048xi32>
      %eq3A_2420 = vector.broadcast %slice3A_2419 : vector<1x2048xi32> to vector<256x2048xi32>
      %eq3A_2421 = arith.cmpi eq, %eq3A_2420, %iota3A_2342 : vector<256x2048xi32>
      %jit3A_2422 = arith.constant 1.000000e+00 : f32
      %jit3A_2423 = arith.constant 0.000000e+00 : f32
      %broadcast_in_dim3A_2424 = vector.broadcast %jit3A_2422 : f32 to vector<256x2048xf32>
      %broadcast_in_dim3A_2425 = vector.broadcast %jit3A_2423 : f32 to vector<256x2048xf32>
      %select_n3A_2426 = arith.select %eq3A_2421, %broadcast_in_dim3A_2424, %broadcast_in_dim3A_2425 : vector<256x2048xi1>, vector<256x2048xf32>
      %add3A_2427 = arith.constant 0 : i32
      %add3A_2428 = vector.broadcast %add3A_2427 : i32 to vector<1x2048xi32>
      %add3A_2429 = arith.addi %iota3A_2343, %add3A_2428 : vector<1x2048xi32>
      %convert_element_type3A_2430 = arith.sitofp %add3A_2429 : vector<1x2048xi32> to vector<1x2048xf32>
      %slice3A_2431 = vector.extract_strided_slice %concatenate3A_367 {offsets = [3, 0], sizes = [1, 2048], strides = [1, 1]} : vector<16x2048xf32> to vector<1x2048xf32>
      %concatenate3A_2432 = tpu.concatenate %convert_element_type3A_2430, %slice3A_2431 in 0 : vector<1x2048xf32>, vector<1x2048xf32> -> vector<2x2048xf32>
      %dot_general3A_2433 = arith.constant dense<0.000000e+00> : vector<256x2xf32>
      %dot_general3A_2434 = tpu.matmul %select_n3A_2426, %concatenate3A_2432, %dot_general3A_2433 {dimension_numbers = #tpu.dot_dimension_numbers<[1], [1], [0], [0], [0, 0, 1, 0], [], []>, precision = #tpu.contract_precision<fp32>, transpose_lhs_hint = false} : vector<256x2048xf32>, vector<2x2048xf32>, vector<256x2xf32> -> vector<256x2xf32>
      %slice3A_2435 = vector.extract_strided_slice %dot_general3A_2434 {offsets = [0, 0], sizes = [256, 1], strides = [1, 1]} : vector<256x2xf32> to vector<256x1xf32>
      %convert_element_type3A_2436 = arith.fptosi %slice3A_2435 : vector<256x1xf32> to vector<256x1xi32>
      %swap3A_2437 = arith.constant 0 : index
      %swap3A_2438 = arith.constant 6 : index
      %swap3A_2439 = vector.load %arg3[%swap3A_2437, %swap3A_2438] : memref<256x16xi32, #tpu.memory_space<vmem>>, vector<256x1xi32>
      tpu.vector_store %arg3[%swap3A_2437, %swap3A_2438], %convert_element_type3A_2436 {strides = array<i32>} : memref<256x16xi32, #tpu.memory_space<vmem>>, vector<256x1xi32>,
      %slice3A_2440 = vector.extract_strided_slice %dot_general3A_2434 {offsets = [0, 1], sizes = [256, 1], strides = [1, 1]} : vector<256x2xf32> to vector<256x1xf32>
      %swap3A_2441 = arith.constant 0 : index
      %swap3A_2442 = arith.constant 6 : index
      %swap3A_2443 = vector.load %arg4[%swap3A_2441, %swap3A_2442] : memref<256x16xf32, #tpu.memory_space<vmem>>, vector<256x1xf32>
      tpu.vector_store %arg4[%swap3A_2441, %swap3A_2442], %slice3A_2440 {strides = array<i32>} : memref<256x16xf32, #tpu.memory_space<vmem>>, vector<256x1xf32>,
      %slice3A_2444 = vector.extract_strided_slice %select_n3A_2341 {offsets = [4, 0], sizes = [1, 2048], strides = [1, 1]} : vector<16x2048xi32> to vector<1x2048xi32>
      %eq3A_2445 = vector.broadcast %slice3A_2444 : vector<1x2048xi32> to vector<256x2048xi32>
      %eq3A_2446 = arith.cmpi eq, %eq3A_2445, %iota3A_2342 : vector<256x2048xi32>
      %jit3A_2447 = arith.constant 1.000000e+00 : f32
      %jit3A_2448 = arith.constant 0.000000e+00 : f32
      %broadcast_in_dim3A_2449 = vector.broadcast %jit3A_2447 : f32 to vector<256x2048xf32>
      %broadcast_in_dim3A_2450 = vector.broadcast %jit3A_2448 : f32 to vector<256x2048xf32>
      %select_n3A_2451 = arith.select %eq3A_2446, %broadcast_in_dim3A_2449, %broadcast_in_dim3A_2450 : vector<256x2048xi1>, vector<256x2048xf32>
      %add3A_2452 = arith.constant 0 : i32
      %add3A_2453 = vector.broadcast %add3A_2452 : i32 to vector<1x2048xi32>
      %add3A_2454 = arith.addi %iota3A_2343, %add3A_2453 : vector<1x2048xi32>
      %convert_element_type3A_2455 = arith.sitofp %add3A_2454 : vector<1x2048xi32> to vector<1x2048xf32>
      %slice3A_2456 = vector.extract_strided_slice %concatenate3A_367 {offsets = [4, 0], sizes = [1, 2048], strides = [1, 1]} : vector<16x2048xf32> to vector<1x2048xf32>
      %concatenate3A_2457 = tpu.concatenate %convert_element_type3A_2455, %slice3A_2456 in 0 : vector<1x2048xf32>, vector<1x2048xf32> -> vector<2x2048xf32>
      %dot_general3A_2458 = arith.constant dense<0.000000e+00> : vector<256x2xf32>
      %dot_general3A_2459 = tpu.matmul %select_n3A_2451, %concatenate3A_2457, %dot_general3A_2458 {dimension_numbers = #tpu.dot_dimension_numbers<[1], [1], [0], [0], [0, 0, 1, 0], [], []>, precision = #tpu.contract_precision<fp32>, transpose_lhs_hint = false} : vector<256x2048xf32>, vector<2x2048xf32>, vector<256x2xf32> -> vector<256x2xf32>
      %slice3A_2460 = vector.extract_strided_slice %dot_general3A_2459 {offsets = [0, 0], sizes = [256, 1], strides = [1, 1]} : vector<256x2xf32> to vector<256x1xf32>
      %convert_element_type3A_2461 = arith.fptosi %slice3A_2460 : vector<256x1xf32> to vector<256x1xi32>
      %swap3A_2462 = arith.constant 0 : index
      %swap3A_2463 = arith.constant 8 : index
      %swap3A_2464 = vector.load %arg3[%swap3A_2462, %swap3A_2463] : memref<256x16xi32, #tpu.memory_space<vmem>>, vector<256x1xi32>
      tpu.vector_store %arg3[%swap3A_2462, %swap3A_2463], %convert_element_type3A_2461 {strides = array<i32>} : memref<256x16xi32, #tpu.memory_space<vmem>>, vector<256x1xi32>,
      %slice3A_2465 = vector.extract_strided_slice %dot_general3A_2459 {offsets = [0, 1], sizes = [256, 1], strides = [1, 1]} : vector<256x2xf32> to vector<256x1xf32>
      %swap3A_2466 = arith.constant 0 : index
      %swap3A_2467 = arith.constant 8 : index
      %swap3A_2468 = vector.load %arg4[%swap3A_2466, %swap3A_2467] : memref<256x16xf32, #tpu.memory_space<vmem>>, vector<256x1xf32>
      tpu.vector_store %arg4[%swap3A_2466, %swap3A_2467], %slice3A_2465 {strides = array<i32>} : memref<256x16xf32, #tpu.memory_space<vmem>>, vector<256x1xf32>,
      %slice3A_2469 = vector.extract_strided_slice %select_n3A_2341 {offsets = [5, 0], sizes = [1, 2048], strides = [1, 1]} : vector<16x2048xi32> to vector<1x2048xi32>
      %eq3A_2470 = vector.broadcast %slice3A_2469 : vector<1x2048xi32> to vector<256x2048xi32>
      %eq3A_2471 = arith.cmpi eq, %eq3A_2470, %iota3A_2342 : vector<256x2048xi32>
      %jit3A_2472 = arith.constant 1.000000e+00 : f32
      %jit3A_2473 = arith.constant 0.000000e+00 : f32
      %broadcast_in_dim3A_2474 = vector.broadcast %jit3A_2472 : f32 to vector<256x2048xf32>
      %broadcast_in_dim3A_2475 = vector.broadcast %jit3A_2473 : f32 to vector<256x2048xf32>
      %select_n3A_2476 = arith.select %eq3A_2471, %broadcast_in_dim3A_2474, %broadcast_in_dim3A_2475 : vector<256x2048xi1>, vector<256x2048xf32>
      %add3A_2477 = arith.constant 0 : i32
      %add3A_2478 = vector.broadcast %add3A_2477 : i32 to vector<1x2048xi32>
      %add3A_2479 = arith.addi %iota3A_2343, %add3A_2478 : vector<1x2048xi32>
      %convert_element_type3A_2480 = arith.sitofp %add3A_2479 : vector<1x2048xi32> to vector<1x2048xf32>
      %slice3A_2481 = vector.extract_strided_slice %concatenate3A_367 {offsets = [5, 0], sizes = [1, 2048], strides = [1, 1]} : vector<16x2048xf32> to vector<1x2048xf32>
      %concatenate3A_2482 = tpu.concatenate %convert_element_type3A_2480, %slice3A_2481 in 0 : vector<1x2048xf32>, vector<1x2048xf32> -> vector<2x2048xf32>
      %dot_general3A_2483 = arith.constant dense<0.000000e+00> : vector<256x2xf32>
      %dot_general3A_2484 = tpu.matmul %select_n3A_2476, %concatenate3A_2482, %dot_general3A_2483 {dimension_numbers = #tpu.dot_dimension_numbers<[1], [1], [0], [0], [0, 0, 1, 0], [], []>, precision = #tpu.contract_precision<fp32>, transpose_lhs_hint = false} : vector<256x2048xf32>, vector<2x2048xf32>, vector<256x2xf32> -> vector<256x2xf32>
      %slice3A_2485 = vector.extract_strided_slice %dot_general3A_2484 {offsets = [0, 0], sizes = [256, 1], strides = [1, 1]} : vector<256x2xf32> to vector<256x1xf32>
      %convert_element_type3A_2486 = arith.fptosi %slice3A_2485 : vector<256x1xf32> to vector<256x1xi32>
      %swap3A_2487 = arith.constant 0 : index
      %swap3A_2488 = arith.constant 10 : index
      %swap3A_2489 = vector.load %arg3[%swap3A_2487, %swap3A_2488] : memref<256x16xi32, #tpu.memory_space<vmem>>, vector<256x1xi32>
      tpu.vector_store %arg3[%swap3A_2487, %swap3A_2488], %convert_element_type3A_2486 {strides = array<i32>} : memref<256x16xi32, #tpu.memory_space<vmem>>, vector<256x1xi32>,
      %slice3A_2490 = vector.extract_strided_slice %dot_general3A_2484 {offsets = [0, 1], sizes = [256, 1], strides = [1, 1]} : vector<256x2xf32> to vector<256x1xf32>
      %swap3A_2491 = arith.constant 0 : index
      %swap3A_2492 = arith.constant 10 : index
      %swap3A_2493 = vector.load %arg4[%swap3A_2491, %swap3A_2492] : memref<256x16xf32, #tpu.memory_space<vmem>>, vector<256x1xf32>
      tpu.vector_store %arg4[%swap3A_2491, %swap3A_2492], %slice3A_2490 {strides = array<i32>} : memref<256x16xf32, #tpu.memory_space<vmem>>, vector<256x1xf32>,
      %slice3A_2494 = vector.extract_strided_slice %select_n3A_2341 {offsets = [6, 0], sizes = [1, 2048], strides = [1, 1]} : vector<16x2048xi32> to vector<1x2048xi32>
      %eq3A_2495 = vector.broadcast %slice3A_2494 : vector<1x2048xi32> to vector<256x2048xi32>
      %eq3A_2496 = arith.cmpi eq, %eq3A_2495, %iota3A_2342 : vector<256x2048xi32>
      %jit3A_2497 = arith.constant 1.000000e+00 : f32
      %jit3A_2498 = arith.constant 0.000000e+00 : f32
      %broadcast_in_dim3A_2499 = vector.broadcast %jit3A_2497 : f32 to vector<256x2048xf32>
      %broadcast_in_dim3A_2500 = vector.broadcast %jit3A_2498 : f32 to vector<256x2048xf32>
      %select_n3A_2501 = arith.select %eq3A_2496, %broadcast_in_dim3A_2499, %broadcast_in_dim3A_2500 : vector<256x2048xi1>, vector<256x2048xf32>
      %add3A_2502 = arith.constant 0 : i32
      %add3A_2503 = vector.broadcast %add3A_2502 : i32 to vector<1x2048xi32>
      %add3A_2504 = arith.addi %iota3A_2343, %add3A_2503 : vector<1x2048xi32>
      %convert_element_type3A_2505 = arith.sitofp %add3A_2504 : vector<1x2048xi32> to vector<1x2048xf32>
      %slice3A_2506 = vector.extract_strided_slice %concatenate3A_367 {offsets = [6, 0], sizes = [1, 2048], strides = [1, 1]} : vector<16x2048xf32> to vector<1x2048xf32>
      %concatenate3A_2507 = tpu.concatenate %convert_element_type3A_2505, %slice3A_2506 in 0 : vector<1x2048xf32>, vector<1x2048xf32> -> vector<2x2048xf32>
      %dot_general3A_2508 = arith.constant dense<0.000000e+00> : vector<256x2xf32>
      %dot_general3A_2509 = tpu.matmul %select_n3A_2501, %concatenate3A_2507, %dot_general3A_2508 {dimension_numbers = #tpu.dot_dimension_numbers<[1], [1], [0], [0], [0, 0, 1, 0], [], []>, precision = #tpu.contract_precision<fp32>, transpose_lhs_hint = false} : vector<256x2048xf32>, vector<2x2048xf32>, vector<256x2xf32> -> vector<256x2xf32>
      %slice3A_2510 = vector.extract_strided_slice %dot_general3A_2509 {offsets = [0, 0], sizes = [256, 1], strides = [1, 1]} : vector<256x2xf32> to vector<256x1xf32>
      %convert_element_type3A_2511 = arith.fptosi %slice3A_2510 : vector<256x1xf32> to vector<256x1xi32>
      %swap3A_2512 = arith.constant 0 : index
      %swap3A_2513 = arith.constant 12 : index
      %swap3A_2514 = vector.load %arg3[%swap3A_2512, %swap3A_2513] : memref<256x16xi32, #tpu.memory_space<vmem>>, vector<256x1xi32>
      tpu.vector_store %arg3[%swap3A_2512, %swap3A_2513], %convert_element_type3A_2511 {strides = array<i32>} : memref<256x16xi32, #tpu.memory_space<vmem>>, vector<256x1xi32>,
      %slice3A_2515 = vector.extract_strided_slice %dot_general3A_2509 {offsets = [0, 1], sizes = [256, 1], strides = [1, 1]} : vector<256x2xf32> to vector<256x1xf32>
      %swap3A_2516 = arith.constant 0 : index
      %swap3A_2517 = arith.constant 12 : index
      %swap3A_2518 = vector.load %arg4[%swap3A_2516, %swap3A_2517] : memref<256x16xf32, #tpu.memory_space<vmem>>, vector<256x1xf32>
      tpu.vector_store %arg4[%swap3A_2516, %swap3A_2517], %slice3A_2515 {strides = array<i32>} : memref<256x16xf32, #tpu.memory_space<vmem>>, vector<256x1xf32>,
      %slice3A_2519 = vector.extract_strided_slice %select_n3A_2341 {offsets = [7, 0], sizes = [1, 2048], strides = [1, 1]} : vector<16x2048xi32> to vector<1x2048xi32>
      %eq3A_2520 = vector.broadcast %slice3A_2519 : vector<1x2048xi32> to vector<256x2048xi32>
      %eq3A_2521 = arith.cmpi eq, %eq3A_2520, %iota3A_2342 : vector<256x2048xi32>
      %jit3A_2522 = arith.constant 1.000000e+00 : f32
      %jit3A_2523 = arith.constant 0.000000e+00 : f32
      %broadcast_in_dim3A_2524 = vector.broadcast %jit3A_2522 : f32 to vector<256x2048xf32>
      %broadcast_in_dim3A_2525 = vector.broadcast %jit3A_2523 : f32 to vector<256x2048xf32>
      %select_n3A_2526 = arith.select %eq3A_2521, %broadcast_in_dim3A_2524, %broadcast_in_dim3A_2525 : vector<256x2048xi1>, vector<256x2048xf32>
      %add3A_2527 = arith.constant 0 : i32
      %add3A_2528 = vector.broadcast %add3A_2527 : i32 to vector<1x2048xi32>
      %add3A_2529 = arith.addi %iota3A_2343, %add3A_2528 : vector<1x2048xi32>
      %convert_element_type3A_2530 = arith.sitofp %add3A_2529 : vector<1x2048xi32> to vector<1x2048xf32>
      %slice3A_2531 = vector.extract_strided_slice %concatenate3A_367 {offsets = [7, 0], sizes = [1, 2048], strides = [1, 1]} : vector<16x2048xf32> to vector<1x2048xf32>
      %concatenate3A_2532 = tpu.concatenate %convert_element_type3A_2530, %slice3A_2531 in 0 : vector<1x2048xf32>, vector<1x2048xf32> -> vector<2x2048xf32>
      %dot_general3A_2533 = arith.constant dense<0.000000e+00> : vector<256x2xf32>
      %dot_general3A_2534 = tpu.matmul %select_n3A_2526, %concatenate3A_2532, %dot_general3A_2533 {dimension_numbers = #tpu.dot_dimension_numbers<[1], [1], [0], [0], [0, 0, 1, 0], [], []>, precision = #tpu.contract_precision<fp32>, transpose_lhs_hint = false} : vector<256x2048xf32>, vector<2x2048xf32>, vector<256x2xf32> -> vector<256x2xf32>
      %slice3A_2535 = vector.extract_strided_slice %dot_general3A_2534 {offsets = [0, 0], sizes = [256, 1], strides = [1, 1]} : vector<256x2xf32> to vector<256x1xf32>
      %convert_element_type3A_2536 = arith.fptosi %slice3A_2535 : vector<256x1xf32> to vector<256x1xi32>
      %swap3A_2537 = arith.constant 0 : index
      %swap3A_2538 = arith.constant 14 : index
      %swap3A_2539 = vector.load %arg3[%swap3A_2537, %swap3A_2538] : memref<256x16xi32, #tpu.memory_space<vmem>>, vector<256x1xi32>
      tpu.vector_store %arg3[%swap3A_2537, %swap3A_2538], %convert_element_type3A_2536 {strides = array<i32>} : memref<256x16xi32, #tpu.memory_space<vmem>>, vector<256x1xi32>,
      %slice3A_2540 = vector.extract_strided_slice %dot_general3A_2534 {offsets = [0, 1], sizes = [256, 1], strides = [1, 1]} : vector<256x2xf32> to vector<256x1xf32>
      %swap3A_2541 = arith.constant 0 : index
      %swap3A_2542 = arith.constant 14 : index
      %swap3A_2543 = vector.load %arg4[%swap3A_2541, %swap3A_2542] : memref<256x16xf32, #tpu.memory_space<vmem>>, vector<256x1xf32>
      tpu.vector_store %arg4[%swap3A_2541, %swap3A_2542], %slice3A_2540 {strides = array<i32>} : memref<256x16xf32, #tpu.memory_space<vmem>>, vector<256x1xf32>,
      %slice3A_2544 = vector.extract_strided_slice %select_n3A_2341 {offsets = [8, 0], sizes = [1, 2048], strides = [1, 1]} : vector<16x2048xi32> to vector<1x2048xi32>
      %eq3A_2545 = vector.broadcast %slice3A_2544 : vector<1x2048xi32> to vector<256x2048xi32>
      %eq3A_2546 = arith.cmpi eq, %eq3A_2545, %iota3A_2342 : vector<256x2048xi32>
      %jit3A_2547 = arith.constant 1.000000e+00 : f32
      %jit3A_2548 = arith.constant 0.000000e+00 : f32
      %broadcast_in_dim3A_2549 = vector.broadcast %jit3A_2547 : f32 to vector<256x2048xf32>
      %broadcast_in_dim3A_2550 = vector.broadcast %jit3A_2548 : f32 to vector<256x2048xf32>
      %select_n3A_2551 = arith.select %eq3A_2546, %broadcast_in_dim3A_2549, %broadcast_in_dim3A_2550 : vector<256x2048xi1>, vector<256x2048xf32>
      %add3A_2552 = arith.constant 2048 : i32
      %add3A_2553 = vector.broadcast %add3A_2552 : i32 to vector<1x2048xi32>
      %add3A_2554 = arith.addi %iota3A_2343, %add3A_2553 : vector<1x2048xi32>
      %convert_element_type3A_2555 = arith.sitofp %add3A_2554 : vector<1x2048xi32> to vector<1x2048xf32>
      %slice3A_2556 = vector.extract_strided_slice %concatenate3A_367 {offsets = [8, 0], sizes = [1, 2048], strides = [1, 1]} : vector<16x2048xf32> to vector<1x2048xf32>
      %concatenate3A_2557 = tpu.concatenate %convert_element_type3A_2555, %slice3A_2556 in 0 : vector<1x2048xf32>, vector<1x2048xf32> -> vector<2x2048xf32>
      %dot_general3A_2558 = arith.constant dense<0.000000e+00> : vector<256x2xf32>
      %dot_general3A_2559 = tpu.matmul %select_n3A_2551, %concatenate3A_2557, %dot_general3A_2558 {dimension_numbers = #tpu.dot_dimension_numbers<[1], [1], [0], [0], [0, 0, 1, 0], [], []>, precision = #tpu.contract_precision<fp32>, transpose_lhs_hint = false} : vector<256x2048xf32>, vector<2x2048xf32>, vector<256x2xf32> -> vector<256x2xf32>
      %slice3A_2560 = vector.extract_strided_slice %dot_general3A_2559 {offsets = [0, 0], sizes = [256, 1], strides = [1, 1]} : vector<256x2xf32> to vector<256x1xf32>
      %convert_element_type3A_2561 = arith.fptosi %slice3A_2560 : vector<256x1xf32> to vector<256x1xi32>
      %swap3A_2562 = arith.constant 0 : index
      %swap3A_2563 = arith.constant 1 : index
      %swap3A_2564 = vector.load %arg3[%swap3A_2562, %swap3A_2563] : memref<256x16xi32, #tpu.memory_space<vmem>>, vector<256x1xi32>
      tpu.vector_store %arg3[%swap3A_2562, %swap3A_2563], %convert_element_type3A_2561 {strides = array<i32>} : memref<256x16xi32, #tpu.memory_space<vmem>>, vector<256x1xi32>,
      %slice3A_2565 = vector.extract_strided_slice %dot_general3A_2559 {offsets = [0, 1], sizes = [256, 1], strides = [1, 1]} : vector<256x2xf32> to vector<256x1xf32>
      %swap3A_2566 = arith.constant 0 : index
      %swap3A_2567 = arith.constant 1 : index
      %swap3A_2568 = vector.load %arg4[%swap3A_2566, %swap3A_2567] : memref<256x16xf32, #tpu.memory_space<vmem>>, vector<256x1xf32>
      tpu.vector_store %arg4[%swap3A_2566, %swap3A_2567], %slice3A_2565 {strides = array<i32>} : memref<256x16xf32, #tpu.memory_space<vmem>>, vector<256x1xf32>,
      %slice3A_2569 = vector.extract_strided_slice %select_n3A_2341 {offsets = [9, 0], sizes = [1, 2048], strides = [1, 1]} : vector<16x2048xi32> to vector<1x2048xi32>
      %eq3A_2570 = vector.broadcast %slice3A_2569 : vector<1x2048xi32> to vector<256x2048xi32>
      %eq3A_2571 = arith.cmpi eq, %eq3A_2570, %iota3A_2342 : vector<256x2048xi32>
      %jit3A_2572 = arith.constant 1.000000e+00 : f32
      %jit3A_2573 = arith.constant 0.000000e+00 : f32
      %broadcast_in_dim3A_2574 = vector.broadcast %jit3A_2572 : f32 to vector<256x2048xf32>
      %broadcast_in_dim3A_2575 = vector.broadcast %jit3A_2573 : f32 to vector<256x2048xf32>
      %select_n3A_2576 = arith.select %eq3A_2571, %broadcast_in_dim3A_2574, %broadcast_in_dim3A_2575 : vector<256x2048xi1>, vector<256x2048xf32>
      %add3A_2577 = arith.constant 2048 : i32
      %add3A_2578 = vector.broadcast %add3A_2577 : i32 to vector<1x2048xi32>
      %add3A_2579 = arith.addi %iota3A_2343, %add3A_2578 : vector<1x2048xi32>
      %convert_element_type3A_2580 = arith.sitofp %add3A_2579 : vector<1x2048xi32> to vector<1x2048xf32>
      %slice3A_2581 = vector.extract_strided_slice %concatenate3A_367 {offsets = [9, 0], sizes = [1, 2048], strides = [1, 1]} : vector<16x2048xf32> to vector<1x2048xf32>
      %concatenate3A_2582 = tpu.concatenate %convert_element_type3A_2580, %slice3A_2581 in 0 : vector<1x2048xf32>, vector<1x2048xf32> -> vector<2x2048xf32>
      %dot_general3A_2583 = arith.constant dense<0.000000e+00> : vector<256x2xf32>
      %dot_general3A_2584 = tpu.matmul %select_n3A_2576, %concatenate3A_2582, %dot_general3A_2583 {dimension_numbers = #tpu.dot_dimension_numbers<[1], [1], [0], [0], [0, 0, 1, 0], [], []>, precision = #tpu.contract_precision<fp32>, transpose_lhs_hint = false} : vector<256x2048xf32>, vector<2x2048xf32>, vector<256x2xf32> -> vector<256x2xf32>
      %slice3A_2585 = vector.extract_strided_slice %dot_general3A_2584 {offsets = [0, 0], sizes = [256, 1], strides = [1, 1]} : vector<256x2xf32> to vector<256x1xf32>
      %convert_element_type3A_2586 = arith.fptosi %slice3A_2585 : vector<256x1xf32> to vector<256x1xi32>
      %swap3A_2587 = arith.constant 0 : index
      %swap3A_2588 = arith.constant 3 : index
      %swap3A_2589 = vector.load %arg3[%swap3A_2587, %swap3A_2588] : memref<256x16xi32, #tpu.memory_space<vmem>>, vector<256x1xi32>
      tpu.vector_store %arg3[%swap3A_2587, %swap3A_2588], %convert_element_type3A_2586 {strides = array<i32>} : memref<256x16xi32, #tpu.memory_space<vmem>>, vector<256x1xi32>,
      %slice3A_2590 = vector.extract_strided_slice %dot_general3A_2584 {offsets = [0, 1], sizes = [256, 1], strides = [1, 1]} : vector<256x2xf32> to vector<256x1xf32>
      %swap3A_2591 = arith.constant 0 : index
      %swap3A_2592 = arith.constant 3 : index
      %swap3A_2593 = vector.load %arg4[%swap3A_2591, %swap3A_2592] : memref<256x16xf32, #tpu.memory_space<vmem>>, vector<256x1xf32>
      tpu.vector_store %arg4[%swap3A_2591, %swap3A_2592], %slice3A_2590 {strides = array<i32>} : memref<256x16xf32, #tpu.memory_space<vmem>>, vector<256x1xf32>,
      %slice3A_2594 = vector.extract_strided_slice %select_n3A_2341 {offsets = [10, 0], sizes = [1, 2048], strides = [1, 1]} : vector<16x2048xi32> to vector<1x2048xi32>
      %eq3A_2595 = vector.broadcast %slice3A_2594 : vector<1x2048xi32> to vector<256x2048xi32>
      %eq3A_2596 = arith.cmpi eq, %eq3A_2595, %iota3A_2342 : vector<256x2048xi32>
      %jit3A_2597 = arith.constant 1.000000e+00 : f32
      %jit3A_2598 = arith.constant 0.000000e+00 : f32
      %broadcast_in_dim3A_2599 = vector.broadcast %jit3A_2597 : f32 to vector<256x2048xf32>
      %broadcast_in_dim3A_2600 = vector.broadcast %jit3A_2598 : f32 to vector<256x2048xf32>
      %select_n3A_2601 = arith.select %eq3A_2596, %broadcast_in_dim3A_2599, %broadcast_in_dim3A_2600 : vector<256x2048xi1>, vector<256x2048xf32>
      %add3A_2602 = arith.constant 2048 : i32
      %add3A_2603 = vector.broadcast %add3A_2602 : i32 to vector<1x2048xi32>
      %add3A_2604 = arith.addi %iota3A_2343, %add3A_2603 : vector<1x2048xi32>
      %convert_element_type3A_2605 = arith.sitofp %add3A_2604 : vector<1x2048xi32> to vector<1x2048xf32>
      %slice3A_2606 = vector.extract_strided_slice %concatenate3A_367 {offsets = [10, 0], sizes = [1, 2048], strides = [1, 1]} : vector<16x2048xf32> to vector<1x2048xf32>
      %concatenate3A_2607 = tpu.concatenate %convert_element_type3A_2605, %slice3A_2606 in 0 : vector<1x2048xf32>, vector<1x2048xf32> -> vector<2x2048xf32>
      %dot_general3A_2608 = arith.constant dense<0.000000e+00> : vector<256x2xf32>
      %dot_general3A_2609 = tpu.matmul %select_n3A_2601, %concatenate3A_2607, %dot_general3A_2608 {dimension_numbers = #tpu.dot_dimension_numbers<[1], [1], [0], [0], [0, 0, 1, 0], [], []>, precision = #tpu.contract_precision<fp32>, transpose_lhs_hint = false} : vector<256x2048xf32>, vector<2x2048xf32>, vector<256x2xf32> -> vector<256x2xf32>
      %slice3A_2610 = vector.extract_strided_slice %dot_general3A_2609 {offsets = [0, 0], sizes = [256, 1], strides = [1, 1]} : vector<256x2xf32> to vector<256x1xf32>
      %convert_element_type3A_2611 = arith.fptosi %slice3A_2610 : vector<256x1xf32> to vector<256x1xi32>
      %swap3A_2612 = arith.constant 0 : index
      %swap3A_2613 = arith.constant 5 : index
      %swap3A_2614 = vector.load %arg3[%swap3A_2612, %swap3A_2613] : memref<256x16xi32, #tpu.memory_space<vmem>>, vector<256x1xi32>
      tpu.vector_store %arg3[%swap3A_2612, %swap3A_2613], %convert_element_type3A_2611 {strides = array<i32>} : memref<256x16xi32, #tpu.memory_space<vmem>>, vector<256x1xi32>,
      %slice3A_2615 = vector.extract_strided_slice %dot_general3A_2609 {offsets = [0, 1], sizes = [256, 1], strides = [1, 1]} : vector<256x2xf32> to vector<256x1xf32>
      %swap3A_2616 = arith.constant 0 : index
      %swap3A_2617 = arith.constant 5 : index
      %swap3A_2618 = vector.load %arg4[%swap3A_2616, %swap3A_2617] : memref<256x16xf32, #tpu.memory_space<vmem>>, vector<256x1xf32>
      tpu.vector_store %arg4[%swap3A_2616, %swap3A_2617], %slice3A_2615 {strides = array<i32>} : memref<256x16xf32, #tpu.memory_space<vmem>>, vector<256x1xf32>,
      %slice3A_2619 = vector.extract_strided_slice %select_n3A_2341 {offsets = [11, 0], sizes = [1, 2048], strides = [1, 1]} : vector<16x2048xi32> to vector<1x2048xi32>
      %eq3A_2620 = vector.broadcast %slice3A_2619 : vector<1x2048xi32> to vector<256x2048xi32>
      %eq3A_2621 = arith.cmpi eq, %eq3A_2620, %iota3A_2342 : vector<256x2048xi32>
      %jit3A_2622 = arith.constant 1.000000e+00 : f32
      %jit3A_2623 = arith.constant 0.000000e+00 : f32
      %broadcast_in_dim3A_2624 = vector.broadcast %jit3A_2622 : f32 to vector<256x2048xf32>
      %broadcast_in_dim3A_2625 = vector.broadcast %jit3A_2623 : f32 to vector<256x2048xf32>
      %select_n3A_2626 = arith.select %eq3A_2621, %broadcast_in_dim3A_2624, %broadcast_in_dim3A_2625 : vector<256x2048xi1>, vector<256x2048xf32>
      %add3A_2627 = arith.constant 2048 : i32
      %add3A_2628 = vector.broadcast %add3A_2627 : i32 to vector<1x2048xi32>
      %add3A_2629 = arith.addi %iota3A_2343, %add3A_2628 : vector<1x2048xi32>
      %convert_element_type3A_2630 = arith.sitofp %add3A_2629 : vector<1x2048xi32> to vector<1x2048xf32>
      %slice3A_2631 = vector.extract_strided_slice %concatenate3A_367 {offsets = [11, 0], sizes = [1, 2048], strides = [1, 1]} : vector<16x2048xf32> to vector<1x2048xf32>
      %concatenate3A_2632 = tpu.concatenate %convert_element_type3A_2630, %slice3A_2631 in 0 : vector<1x2048xf32>, vector<1x2048xf32> -> vector<2x2048xf32>
      %dot_general3A_2633 = arith.constant dense<0.000000e+00> : vector<256x2xf32>
      %dot_general3A_2634 = tpu.matmul %select_n3A_2626, %concatenate3A_2632, %dot_general3A_2633 {dimension_numbers = #tpu.dot_dimension_numbers<[1], [1], [0], [0], [0, 0, 1, 0], [], []>, precision = #tpu.contract_precision<fp32>, transpose_lhs_hint = false} : vector<256x2048xf32>, vector<2x2048xf32>, vector<256x2xf32> -> vector<256x2xf32>
      %slice3A_2635 = vector.extract_strided_slice %dot_general3A_2634 {offsets = [0, 0], sizes = [256, 1], strides = [1, 1]} : vector<256x2xf32> to vector<256x1xf32>
      %convert_element_type3A_2636 = arith.fptosi %slice3A_2635 : vector<256x1xf32> to vector<256x1xi32>
      %swap3A_2637 = arith.constant 0 : index
      %swap3A_2638 = arith.constant 7 : index
      %swap3A_2639 = vector.load %arg3[%swap3A_2637, %swap3A_2638] : memref<256x16xi32, #tpu.memory_space<vmem>>, vector<256x1xi32>
      tpu.vector_store %arg3[%swap3A_2637, %swap3A_2638], %convert_element_type3A_2636 {strides = array<i32>} : memref<256x16xi32, #tpu.memory_space<vmem>>, vector<256x1xi32>,
      %slice3A_2640 = vector.extract_strided_slice %dot_general3A_2634 {offsets = [0, 1], sizes = [256, 1], strides = [1, 1]} : vector<256x2xf32> to vector<256x1xf32>
      %swap3A_2641 = arith.constant 0 : index
      %swap3A_2642 = arith.constant 7 : index
      %swap3A_2643 = vector.load %arg4[%swap3A_2641, %swap3A_2642] : memref<256x16xf32, #tpu.memory_space<vmem>>, vector<256x1xf32>
      tpu.vector_store %arg4[%swap3A_2641, %swap3A_2642], %slice3A_2640 {strides = array<i32>} : memref<256x16xf32, #tpu.memory_space<vmem>>, vector<256x1xf32>,
      %slice3A_2644 = vector.extract_strided_slice %select_n3A_2341 {offsets = [12, 0], sizes = [1, 2048], strides = [1, 1]} : vector<16x2048xi32> to vector<1x2048xi32>
      %eq3A_2645 = vector.broadcast %slice3A_2644 : vector<1x2048xi32> to vector<256x2048xi32>
      %eq3A_2646 = arith.cmpi eq, %eq3A_2645, %iota3A_2342 : vector<256x2048xi32>
      %jit3A_2647 = arith.constant 1.000000e+00 : f32
      %jit3A_2648 = arith.constant 0.000000e+00 : f32
      %broadcast_in_dim3A_2649 = vector.broadcast %jit3A_2647 : f32 to vector<256x2048xf32>
      %broadcast_in_dim3A_2650 = vector.broadcast %jit3A_2648 : f32 to vector<256x2048xf32>
      %select_n3A_2651 = arith.select %eq3A_2646, %broadcast_in_dim3A_2649, %broadcast_in_dim3A_2650 : vector<256x2048xi1>, vector<256x2048xf32>
      %add3A_2652 = arith.constant 2048 : i32
      %add3A_2653 = vector.broadcast %add3A_2652 : i32 to vector<1x2048xi32>
      %add3A_2654 = arith.addi %iota3A_2343, %add3A_2653 : vector<1x2048xi32>
      %convert_element_type3A_2655 = arith.sitofp %add3A_2654 : vector<1x2048xi32> to vector<1x2048xf32>
      %slice3A_2656 = vector.extract_strided_slice %concatenate3A_367 {offsets = [12, 0], sizes = [1, 2048], strides = [1, 1]} : vector<16x2048xf32> to vector<1x2048xf32>
      %concatenate3A_2657 = tpu.concatenate %convert_element_type3A_2655, %slice3A_2656 in 0 : vector<1x2048xf32>, vector<1x2048xf32> -> vector<2x2048xf32>
      %dot_general3A_2658 = arith.constant dense<0.000000e+00> : vector<256x2xf32>
      %dot_general3A_2659 = tpu.matmul %select_n3A_2651, %concatenate3A_2657, %dot_general3A_2658 {dimension_numbers = #tpu.dot_dimension_numbers<[1], [1], [0], [0], [0, 0, 1, 0], [], []>, precision = #tpu.contract_precision<fp32>, transpose_lhs_hint = false} : vector<256x2048xf32>, vector<2x2048xf32>, vector<256x2xf32> -> vector<256x2xf32>
      %slice3A_2660 = vector.extract_strided_slice %dot_general3A_2659 {offsets = [0, 0], sizes = [256, 1], strides = [1, 1]} : vector<256x2xf32> to vector<256x1xf32>
      %convert_element_type3A_2661 = arith.fptosi %slice3A_2660 : vector<256x1xf32> to vector<256x1xi32>
      %swap3A_2662 = arith.constant 0 : index
      %swap3A_2663 = arith.constant 9 : index
      %swap3A_2664 = vector.load %arg3[%swap3A_2662, %swap3A_2663] : memref<256x16xi32, #tpu.memory_space<vmem>>, vector<256x1xi32>
      tpu.vector_store %arg3[%swap3A_2662, %swap3A_2663], %convert_element_type3A_2661 {strides = array<i32>} : memref<256x16xi32, #tpu.memory_space<vmem>>, vector<256x1xi32>,
      %slice3A_2665 = vector.extract_strided_slice %dot_general3A_2659 {offsets = [0, 1], sizes = [256, 1], strides = [1, 1]} : vector<256x2xf32> to vector<256x1xf32>
      %swap3A_2666 = arith.constant 0 : index
      %swap3A_2667 = arith.constant 9 : index
      %swap3A_2668 = vector.load %arg4[%swap3A_2666, %swap3A_2667] : memref<256x16xf32, #tpu.memory_space<vmem>>, vector<256x1xf32>
      tpu.vector_store %arg4[%swap3A_2666, %swap3A_2667], %slice3A_2665 {strides = array<i32>} : memref<256x16xf32, #tpu.memory_space<vmem>>, vector<256x1xf32>,
      %slice3A_2669 = vector.extract_strided_slice %select_n3A_2341 {offsets = [13, 0], sizes = [1, 2048], strides = [1, 1]} : vector<16x2048xi32> to vector<1x2048xi32>
      %eq3A_2670 = vector.broadcast %slice3A_2669 : vector<1x2048xi32> to vector<256x2048xi32>
      %eq3A_2671 = arith.cmpi eq, %eq3A_2670, %iota3A_2342 : vector<256x2048xi32>
      %jit3A_2672 = arith.constant 1.000000e+00 : f32
      %jit3A_2673 = arith.constant 0.000000e+00 : f32
      %broadcast_in_dim3A_2674 = vector.broadcast %jit3A_2672 : f32 to vector<256x2048xf32>
      %broadcast_in_dim3A_2675 = vector.broadcast %jit3A_2673 : f32 to vector<256x2048xf32>
      %select_n3A_2676 = arith.select %eq3A_2671, %broadcast_in_dim3A_2674, %broadcast_in_dim3A_2675 : vector<256x2048xi1>, vector<256x2048xf32>
      %add3A_2677 = arith.constant 2048 : i32
      %add3A_2678 = vector.broadcast %add3A_2677 : i32 to vector<1x2048xi32>
      %add3A_2679 = arith.addi %iota3A_2343, %add3A_2678 : vector<1x2048xi32>
      %convert_element_type3A_2680 = arith.sitofp %add3A_2679 : vector<1x2048xi32> to vector<1x2048xf32>
      %slice3A_2681 = vector.extract_strided_slice %concatenate3A_367 {offsets = [13, 0], sizes = [1, 2048], strides = [1, 1]} : vector<16x2048xf32> to vector<1x2048xf32>
      %concatenate3A_2682 = tpu.concatenate %convert_element_type3A_2680, %slice3A_2681 in 0 : vector<1x2048xf32>, vector<1x2048xf32> -> vector<2x2048xf32>
      %dot_general3A_2683 = arith.constant dense<0.000000e+00> : vector<256x2xf32>
      %dot_general3A_2684 = tpu.matmul %select_n3A_2676, %concatenate3A_2682, %dot_general3A_2683 {dimension_numbers = #tpu.dot_dimension_numbers<[1], [1], [0], [0], [0, 0, 1, 0], [], []>, precision = #tpu.contract_precision<fp32>, transpose_lhs_hint = false} : vector<256x2048xf32>, vector<2x2048xf32>, vector<256x2xf32> -> vector<256x2xf32>
      %slice3A_2685 = vector.extract_strided_slice %dot_general3A_2684 {offsets = [0, 0], sizes = [256, 1], strides = [1, 1]} : vector<256x2xf32> to vector<256x1xf32>
      %convert_element_type3A_2686 = arith.fptosi %slice3A_2685 : vector<256x1xf32> to vector<256x1xi32>
      %swap3A_2687 = arith.constant 0 : index
      %swap3A_2688 = arith.constant 11 : index
      %swap3A_2689 = vector.load %arg3[%swap3A_2687, %swap3A_2688] : memref<256x16xi32, #tpu.memory_space<vmem>>, vector<256x1xi32>
      tpu.vector_store %arg3[%swap3A_2687, %swap3A_2688], %convert_element_type3A_2686 {strides = array<i32>} : memref<256x16xi32, #tpu.memory_space<vmem>>, vector<256x1xi32>,
      %slice3A_2690 = vector.extract_strided_slice %dot_general3A_2684 {offsets = [0, 1], sizes = [256, 1], strides = [1, 1]} : vector<256x2xf32> to vector<256x1xf32>
      %swap3A_2691 = arith.constant 0 : index
      %swap3A_2692 = arith.constant 11 : index
      %swap3A_2693 = vector.load %arg4[%swap3A_2691, %swap3A_2692] : memref<256x16xf32, #tpu.memory_space<vmem>>, vector<256x1xf32>
      tpu.vector_store %arg4[%swap3A_2691, %swap3A_2692], %slice3A_2690 {strides = array<i32>} : memref<256x16xf32, #tpu.memory_space<vmem>>, vector<256x1xf32>,
      %slice3A_2694 = vector.extract_strided_slice %select_n3A_2341 {offsets = [14, 0], sizes = [1, 2048], strides = [1, 1]} : vector<16x2048xi32> to vector<1x2048xi32>
      %eq3A_2695 = vector.broadcast %slice3A_2694 : vector<1x2048xi32> to vector<256x2048xi32>
      %eq3A_2696 = arith.cmpi eq, %eq3A_2695, %iota3A_2342 : vector<256x2048xi32>
      %jit3A_2697 = arith.constant 1.000000e+00 : f32
      %jit3A_2698 = arith.constant 0.000000e+00 : f32
      %broadcast_in_dim3A_2699 = vector.broadcast %jit3A_2697 : f32 to vector<256x2048xf32>
      %broadcast_in_dim3A_2700 = vector.broadcast %jit3A_2698 : f32 to vector<256x2048xf32>
      %select_n3A_2701 = arith.select %eq3A_2696, %broadcast_in_dim3A_2699, %broadcast_in_dim3A_2700 : vector<256x2048xi1>, vector<256x2048xf32>
      %add3A_2702 = arith.constant 2048 : i32
      %add3A_2703 = vector.broadcast %add3A_2702 : i32 to vector<1x2048xi32>
      %add3A_2704 = arith.addi %iota3A_2343, %add3A_2703 : vector<1x2048xi32>
      %convert_element_type3A_2705 = arith.sitofp %add3A_2704 : vector<1x2048xi32> to vector<1x2048xf32>
      %slice3A_2706 = vector.extract_strided_slice %concatenate3A_367 {offsets = [14, 0], sizes = [1, 2048], strides = [1, 1]} : vector<16x2048xf32> to vector<1x2048xf32>
      %concatenate3A_2707 = tpu.concatenate %convert_element_type3A_2705, %slice3A_2706 in 0 : vector<1x2048xf32>, vector<1x2048xf32> -> vector<2x2048xf32>
      %dot_general3A_2708 = arith.constant dense<0.000000e+00> : vector<256x2xf32>
      %dot_general3A_2709 = tpu.matmul %select_n3A_2701, %concatenate3A_2707, %dot_general3A_2708 {dimension_numbers = #tpu.dot_dimension_numbers<[1], [1], [0], [0], [0, 0, 1, 0], [], []>, precision = #tpu.contract_precision<fp32>, transpose_lhs_hint = false} : vector<256x2048xf32>, vector<2x2048xf32>, vector<256x2xf32> -> vector<256x2xf32>
      %slice3A_2710 = vector.extract_strided_slice %dot_general3A_2709 {offsets = [0, 0], sizes = [256, 1], strides = [1, 1]} : vector<256x2xf32> to vector<256x1xf32>
      %convert_element_type3A_2711 = arith.fptosi %slice3A_2710 : vector<256x1xf32> to vector<256x1xi32>
      %swap3A_2712 = arith.constant 0 : index
      %swap3A_2713 = arith.constant 13 : index
      %swap3A_2714 = vector.load %arg3[%swap3A_2712, %swap3A_2713] : memref<256x16xi32, #tpu.memory_space<vmem>>, vector<256x1xi32>
      tpu.vector_store %arg3[%swap3A_2712, %swap3A_2713], %convert_element_type3A_2711 {strides = array<i32>} : memref<256x16xi32, #tpu.memory_space<vmem>>, vector<256x1xi32>,
      %slice3A_2715 = vector.extract_strided_slice %dot_general3A_2709 {offsets = [0, 1], sizes = [256, 1], strides = [1, 1]} : vector<256x2xf32> to vector<256x1xf32>
      %swap3A_2716 = arith.constant 0 : index
      %swap3A_2717 = arith.constant 13 : index
      %swap3A_2718 = vector.load %arg4[%swap3A_2716, %swap3A_2717] : memref<256x16xf32, #tpu.memory_space<vmem>>, vector<256x1xf32>
      tpu.vector_store %arg4[%swap3A_2716, %swap3A_2717], %slice3A_2715 {strides = array<i32>} : memref<256x16xf32, #tpu.memory_space<vmem>>, vector<256x1xf32>,
      %slice3A_2719 = vector.extract_strided_slice %select_n3A_2341 {offsets = [15, 0], sizes = [1, 2048], strides = [1, 1]} : vector<16x2048xi32> to vector<1x2048xi32>
      %eq3A_2720 = vector.broadcast %slice3A_2719 : vector<1x2048xi32> to vector<256x2048xi32>
      %eq3A_2721 = arith.cmpi eq, %eq3A_2720, %iota3A_2342 : vector<256x2048xi32>
      %jit3A_2722 = arith.constant 1.000000e+00 : f32
      %jit3A_2723 = arith.constant 0.000000e+00 : f32
      %broadcast_in_dim3A_2724 = vector.broadcast %jit3A_2722 : f32 to vector<256x2048xf32>
      %broadcast_in_dim3A_2725 = vector.broadcast %jit3A_2723 : f32 to vector<256x2048xf32>
      %select_n3A_2726 = arith.select %eq3A_2721, %broadcast_in_dim3A_2724, %broadcast_in_dim3A_2725 : vector<256x2048xi1>, vector<256x2048xf32>
      %add3A_2727 = arith.constant 2048 : i32
      %add3A_2728 = vector.broadcast %add3A_2727 : i32 to vector<1x2048xi32>
      %add3A_2729 = arith.addi %iota3A_2343, %add3A_2728 : vector<1x2048xi32>
      %convert_element_type3A_2730 = arith.sitofp %add3A_2729 : vector<1x2048xi32> to vector<1x2048xf32>
      %slice3A_2731 = vector.extract_strided_slice %concatenate3A_367 {offsets = [15, 0], sizes = [1, 2048], strides = [1, 1]} : vector<16x2048xf32> to vector<1x2048xf32>
      %concatenate3A_2732 = tpu.concatenate %convert_element_type3A_2730, %slice3A_2731 in 0 : vector<1x2048xf32>, vector<1x2048xf32> -> vector<2x2048xf32>
      %dot_general3A_2733 = arith.constant dense<0.000000e+00> : vector<256x2xf32>
      %dot_general3A_2734 = tpu.matmul %select_n3A_2726, %concatenate3A_2732, %dot_general3A_2733 {dimension_numbers = #tpu.dot_dimension_numbers<[1], [1], [0], [0], [0, 0, 1, 0], [], []>, precision = #tpu.contract_precision<fp32>, transpose_lhs_hint = false} : vector<256x2048xf32>, vector<2x2048xf32>, vector<256x2xf32> -> vector<256x2xf32>
      %slice3A_2735 = vector.extract_strided_slice %dot_general3A_2734 {offsets = [0, 0], sizes = [256, 1], strides = [1, 1]} : vector<256x2xf32> to vector<256x1xf32>
      %convert_element_type3A_2736 = arith.fptosi %slice3A_2735 : vector<256x1xf32> to vector<256x1xi32>
      %swap3A_2737 = arith.constant 0 : index
      %swap3A_2738 = arith.constant 15 : index
      %swap3A_2739 = vector.load %arg3[%swap3A_2737, %swap3A_2738] : memref<256x16xi32, #tpu.memory_space<vmem>>, vector<256x1xi32>
      tpu.vector_store %arg3[%swap3A_2737, %swap3A_2738], %convert_element_type3A_2736 {strides = array<i32>} : memref<256x16xi32, #tpu.memory_space<vmem>>, vector<256x1xi32>,
      %slice3A_2740 = vector.extract_strided_slice %dot_general3A_2734 {offsets = [0, 1], sizes = [256, 1], strides = [1, 1]} : vector<256x2xf32> to vector<256x1xf32>
      %swap3A_2741 = arith.constant 0 : index
      %swap3A_2742 = arith.constant 15 : index
      %swap3A_2743 = vector.load %arg4[%swap3A_2741, %swap3A_2742] : memref<256x16xf32, #tpu.memory_space<vmem>>, vector<256x1xf32>
      tpu.vector_store %arg4[%swap3A_2741, %swap3A_2742], %slice3A_2740 {strides = array<i32>} : memref<256x16xf32, #tpu.memory_space<vmem>>, vector<256x1xf32>,
    } else {
    }
    return
  }
  func.func @transform_0(%arg0: i32) -> (i32, i32) {
    %c0_i32 = arith.constant 0 : i32
    %c0_i32_0 = arith.constant 0 : i32
    return %arg0, %c0_i32 : i32, i32
  }
  func.func @transform_1(%arg0: i32) -> (i32, i32) {
    %c0_i32 = arith.constant 0 : i32
    %c0_i32_0 = arith.constant 0 : i32
    %c0_i32_1 = arith.constant 0 : i32
    return %c0_i32, %c0_i32_0 : i32, i32
  }
  func.func @transform_2(%arg0: i32) -> (i32, i32) {
    %c0_i32 = arith.constant 0 : i32
    %c0_i32_0 = arith.constant 0 : i32
    %c0_i32_1 = arith.constant 0 : i32
    return %c0_i32, %c0_i32_0 : i32, i32
  }
  func.func @transform_3(%arg0: i32) -> (i32, i32) {
    %c0_i32 = arith.constant 0 : i32
    %c0_i32_0 = arith.constant 0 : i32
    %c0_i32_1 = arith.constant 0 : i32
    return %c0_i32, %c0_i32_0 : i32, i32
  }
}

</mosaic_0001>

<sc_bundles>
// kernel: kernel.5.cloned.1.call-start
scs
__scs_entry_jumppad:
0x0: {  	(pc) =	sbr.rel $0x88, $3  }
0x1: {  	(tag) =	ssettag $0x0;
	lr =	simm.s32 $0x1  }
0x2: {  	[smem:$0x3F9E] =	sst lr;
	_ =	strace $0xD0000000  }
0x3: {  	_ = 	snop  }
0x4: {  	_ = 	snop  }
0x5: {  	_ = 	snop  }
0x6: {  	_ = 	snop  }
0x7: {  	_ = 	snop  }
__scs_overlays_trampoline_lowered:
0x8: {  	[smem:$0x3FAD] =	sst s0  }
0x9: {  	[smem:$0x3FAE] =	sst s1  }
0xa: {  	[smem:$0x3FAF] =	sst s2  }
0xb: {  	[smem:$0x3FB0] =	sst s3  }
0xc: {  	[smem:$0x3FB1] =	sst s4  }
0xd: {  	[smem:$0x3FB2] =	sst s5  }
0xe: {  	[smem:$0x3FB3] =	sst s6  }
0xf: {  	[smem:$0x3FB4] =	sst s7  }
0x10: {  	[smem:$0x3FB5] =	sst s8  }
0x11: {  	[smem:$0x3FB6] =	sst s9;
	s0 =	simm.s32 @!p0 $0x0  }
0x12: {  	s1 =	sld [smem:$0x3F9C];
	s0 =	simm.s32 @p0 $0x1  }
0x13: {  	[smem:$0x3FB7] =	sst s0;
	s0 =	simm.s32 @!p1 $0x0  }
0x14: {  	s2 =	sld [smem:$0x3F9B];
	s0 =	simm.s32 @p1 $0x1  }
0x15: {  	[smem:$0x3FB8] =	sst s0;
	s0 =	simm.s32 @!p2 $0x0  }
0x16: {  	s3 =	sld [smem:$0x3FDB];
	s0 =	simm.s32 @p2 $0x1  }
0x17: {  	s4 =	simm.s32 $0x1BF5;
	[smem:$0x3FBA] =	sst s0  }
0x18: {  	s0 =	sld [smem:$0x3F9D];
	_ =	swait.ge [sflag:s4], $0x0  }
0x19: {  	s7 =	sld [smem:$0x3F9E]  }
0x1a: {  	s8 =	sadd.s32 $0xFFFFE003, lr  }
0x1b: {  	s9 =	sadd.s32 $0xFFFFFEF7, lr;
	s5 =	simm.s32 $0xFFFFFFFF;
	p2 =	slt.u32 s8, $0xFFFFF086  }
0x1c: {  	p1 =	slt.u32 s9, $0xF7A;
	s5 =	simm.s32 @!p2 $0x0  }
0x1d: {  	s5 =	simm.s32 @p1 $0x1;
	p0 =	seq.s32 s7, s2  }
0x1e: {  	s7 =	smul.u32 @!p0 $0xF7A, s2;
	p2 =	seq.s32 @!p0 s5, $0x0  }
0x1f: {  	s9 =	smul.u32 $0xF7A, s1;
	s8 =	simm.s32 @!p0 $0x1BF5;
	p2 =	por !p2, p0  }
0x20: {  	[sflag:s8] =	ssyncset.s32 @!p0 $0xFFFFF086;
	s6 =	sadd.s32 @!p0 s3, s7;
	s7 =	simm.s32 @!p0 $0x108  }
0x21: {  	s3 =	sadd.s32 s3, s9;
	s6 =	sadd.s32 @!p0 $0x88, s6;
	s7 =	simm.s32 @p2 $0x1082  }
0x22: {  	[simem:s7], [sflag:s8] =	dma.local @!p0 [hbm:s6], $0xF7A  }
0x23: {  	s9 =	sor.u32 $0xD0000000, s2;
	s6 =	simm.s32 $0x108;
	_ =	swait.ge @!p0 [sflag:s8], $0x0  }
0x24: {  	s3 =	sadd.s32 $0x88, s3;
	s6 =	simm.s32 @!p1 $0x1082;
	[sflag:s4] =	ssyncset.s32 $0xFFFFF086  }
0x25: {  	[simem:s6], [sflag:s4] =	dma.local [hbm:s3], $0xF7A  }
0x26: {  	[smem:$0x3F9E] =	sst s1;
	(tag) =	ssettag s2;
	_ =	strace s9  }
0x27: {  	s1 =	sld [smem:$0x3FAE]  }
0x28: {  	s2 =	sld [smem:$0x3FAF]  }
0x29: {  	s4 =	sld [smem:$0x3FB1]  }
0x2a: {  	p0 =	seq.s32 s5, $0x0;
	s5 =	sld [smem:$0x3FB2]  }
0x2b: {  	s6 =	sld [smem:$0x3FB3]  }
0x2c: {  	s7 =	sld [smem:$0x3FB4]  }
0x2d: {  	s3 =	simm.s32 $0x108;
	s8 =	sld [smem:$0x3FB5]  }
0x2e: {  	s3 =	simm.s32 @!p0 $0x1082;
	s9 =	sld [smem:$0x3FB6]  }
0x2f: {  	lr =	sadd.s32 s0, s3;
	s0 =	sld [smem:$0x3FAD]  }
0x30: {  	s3 =	sld [smem:$0x3FB0]  }
0x31: {  	[smem:$0x3FB9] =	sst s10  }
0x32: {  	s10 =	sld [smem:$0x3FB7];
	_ =	sdelay $0x3  }
0x33: {  	p0 =	seq.s32 s10, $0x1;
	s10 =	sld [smem:$0x3FB9];
	_ =	sdelay $0x3  }
0x34: {  	[smem:$0x3FB9] =	sst s10  }
0x35: {  	s10 =	sld [smem:$0x3FB8];
	_ =	sdelay $0x3  }
0x36: {  	p1 =	seq.s32 s10, $0x1;
	s10 =	sld [smem:$0x3FB9];
	_ =	sdelay $0x3  }
0x37: {  	[smem:$0x3FB9] =	sst s10  }
0x38: {  	s10 =	sld [smem:$0x3FBA]  }
0x39: {  	_ = 	snop;
	(pc) =	sbr.ind lr, $3  }
0x3a: {  	_ = 	snop  }
0x3b: {  	_ = 	snop  }
0x3c: {  	p2 =	seq.s32 s10, $0x1;
	s10 =	sld [smem:$0x3FB9]  }
0x3d: {  	_ =	shalt  }
0x3e: {  	_ =	shalt  }
0x3f: {  	_ =	shalt  }
0x40: {  	_ =	shalt  }
0x41: {  	_ =	shalt  }
0x42: {  	_ =	shalt  }
0x43: {  	_ =	shalt  }
0x44: {  	_ =	shalt  }
0x45: {  	_ =	shalt  }
0x46: {  	_ =	shalt  }
0x47: {  	_ =	shalt  }
0x48: {  	_ =	shalt  }
0x49: {  	_ =	shalt  }
0x4a: {  	_ =	shalt  }
0x4b: {  	_ =	shalt  }
0x4c: {  	_ =	shalt  }
0x4d: {  	_ =	shalt  }
0x4e: {  	_ =	shalt  }
0x4f: {  	_ =	shalt  }
0x50: {  	_ =	shalt  }
0x51: {  	_ =	shalt  }
0x52: {  	_ =	shalt  }
0x53: {  	_ =	shalt  }
0x54: {  	_ =	shalt  }
0x55: {  	_ =	shalt  }
0x56: {  	_ =	shalt  }
0x57: {  	_ =	shalt  }
0x58: {  	_ =	shalt  }
0x59: {  	_ =	shalt  }
0x5a: {  	_ =	shalt  }
0x5b: {  	_ =	shalt  }
0x5c: {  	_ =	shalt  }
0x5d: {  	_ =	shalt  }
0x5e: {  	_ =	shalt  }
0x5f: {  	_ =	shalt  }
0x60: {  	_ =	shalt  }
0x61: {  	_ =	shalt  }
0x62: {  	_ =	shalt  }
0x63: {  	_ =	shalt  }
0x64: {  	_ =	shalt  }
0x65: {  	_ =	shalt  }
0x66: {  	_ =	shalt  }
0x67: {  	_ =	shalt  }
0x68: {  	_ =	shalt  }
0x69: {  	_ =	shalt  }
0x6a: {  	_ =	shalt  }
0x6b: {  	_ =	shalt  }
0x6c: {  	_ =	shalt  }
0x6d: {  	_ =	shalt  }
0x6e: {  	_ =	shalt  }
0x6f: {  	_ =	shalt  }
0x70: {  	_ =	shalt  }
0x71: {  	_ =	shalt  }
0x72: {  	_ =	shalt  }
0x73: {  	_ =	shalt  }
0x74: {  	_ =	shalt  }
0x75: {  	_ =	shalt  }
0x76: {  	_ =	shalt  }
0x77: {  	_ =	shalt  }
0x78: {  	_ =	shalt  }
0x79: {  	_ =	shalt  }
0x7a: {  	_ =	shalt  }
0x7b: {  	_ =	shalt  }
0x7c: {  	_ =	shalt  }
0x7d: {  	_ =	shalt  }
0x7e: {  	_ =	shalt  }
0x7f: {  	_ =	shalt  }
0x80: {  	_ =	shalt  }
0x81: {  	_ =	shalt  }
0x82: {  	_ =	shalt  }
0x83: {  	_ =	shalt  }
0x84: {  	_ =	shalt  }
0x85: {  	_ =	shalt  }
0x86: {  	_ =	shalt  }
0x87: {  	_ =	shalt  }
.Lfunc_end0:
.L_simem_size_0:
called_computation_lowered:
.L_overlay_start_0:
0x88: {  	s2 =	sld [smem:$0x3FD9]  }
0x89: {  	s3 =	sld [smem:$0x3FFE];
	_ =	sdelay $0x1  }
0x8a: {  	s1 =	srdreg.scid  }
0x8b: {  	s0 =	sand.u32 $0x1, s1  }
0x8c: {  	s17 =	sshll.u32 s0, $0xA;
	s2 =	sadd.s32 s3, s2  }
0x8d: {  	s2 =	sadd.s32 s2, s17  }
0x8e: {  	[smem:$0x3FC5] =	sst s2  }
0x8f: {  	_ = 	snop  }
0x90: {  	s2 =	sld [smem:$0x3FC9]  }
0x91: {  	s18 =	sld [smem:$0x3FD0];
	(tm) =	ssettm $0x1  }
0x92: {  	s4 =	sld [smem:$0x3FFB];
	_ =	sdelay $0x3  }
0x93: {  	_ =	strace s4  }
0x94: {  	s4 =	sld [smem:$0x3FFC];
	_ =	sdelay $0x3  }
0x95: {  	_ =	strace s4  }
0x96: {  	s4 =	sld [smem:$0x3FFD];
	_ =	sdelay $0x3  }
0x97: {  	_ =	strace s4  }
0x98: {  	_ =	strace $0x8FFFFFFF  }
0x99: {  	s19 =	sld [smem:$0x3FDB];
	_ =	sdelay $0x1  }
0x9a: {  	s5 =	simm.s32 $_scs_section_size  }
0x9b: {  	s6 =	simm.s32 $_size__tile_overlayer_lowered;
	s7 =	simm.s32 $_tile_overlayer_lowered  }
0x9c: {  	s22 =	simm.s32 $0x1BFF;
	s21 =	sshll.u32 s7, $0x1;
	s4 =	sadd.s32 s5, s19  }
0x9d: {  	s8 =	simm.s32 $0x0;
	s20 =	sshll.u32 s6, $0x1;
	s6 =	sadd.s32 s21, s4  }
0x9e: {  	[timem:s8], [sflag:s22] =	dma.local [hbm:s6], s20  }
0x9f: {  	_ =	swait.ge [sflag:s22], s20  }
0xa0: {  	s5 =	ssub.s32 $0x0, s20;
	[sflag:s22] =	ssyncset.done $0x0  }
0xa1: {  	[sflag:s22] =	ssyncadd.s32 s5;
	_ =	sdelay $0x1  }
0xa2: {  	s23 =	simm.s32 $0x1B8B  }
0xa3: {  	_ =	swait.ge [sflag:s23], $0x1  }
0xa4: {  	[sflag:s23] =	ssyncset.done $0x0  }
0xa5: {  	s25 =	simm.s32 $0x1B8E;
	s24 =	sld [smem:$0x3FFE];
	[sflag:s23] =	ssyncadd.s32 $0xFFFFFFFF  }
0xa6: {  	s26 =	simm.s32 $execute0_lowered;
	[smem:$0x3FD2] =	sst s25  }
0xa7: {  	s6 =	sshll.u32 s26, $0x1;
	_ =	strace $0x80000046;
	[dreg:$0x1] =	wrdreg $0xFFFFFFFF  }
0xa8: {  	s28 =	simm.s32 $_size_execute0_lowered;
	s4 =	sadd.s32 s4, s6;
	[dreg:$0x0] =	wrdreg $0x0  }
0xa9: {  	s6 =	sshll.u32 s28, $0x1;
	[dreg:$0x2] =	wrdreg s4  }
0xaa: {  	[dreg:$0x3] =	wrdreg s6  }
0xab: {  	[dreg:$0x4] =	wrdreg $0xC0  }
0xac: {  	_ =	task [dreg:s8], $0x5FFFF  }
0xad: {  	[dreg:$0x1] =	wrdreg $0xFFFFFFFF  }
0xae: {  	[dreg:$0x0] =	wrdreg $0x60  }
0xaf: {  	[dreg:$0x2] =	wrdreg s2  }
0xb0: {  	[dreg:$0x3] =	wrdreg s24  }
0xb1: {  	[dreg:$0x4] =	wrdreg s18  }
0xb2: {  	[dreg:$0x5] =	wrdreg $0x9  }
0xb3: {  	_ =	task.clear_ibuf [dreg:s8], $0x6FFFF;
	_ =	strace $0x90000046  }
0xb4: {  	s29 =	simm.s32 $0x9;
	_ =	strace $0x80000048  }
0xb5: {  	_ =	swait.ge [sflag:s29], $0x1  }
0xb6: {  	[sflag:s29] =	ssyncadd.s32 $0xFFFFFFFF  }
0xb7: {  	_ =	strace $0x90000048  }
0xb8: {  	_ =	sfence  }
0xb9: {  	s30 =	sld [smem:$0x0];
	_ =	sdelay $0x2  }
0xba: {  	s31 =	sshll.u32 s1, $0xD;
	s1 =	sshrl.u32 s1, $0x2  }
0xbb: {  	s3 =	sand.u32 $0x4000, s31;
	s1 =	sadd.s32 s1, s30  }
0xbc: {  	s0 =	sor.u32 s3, s0;
	s1 =	sshll.u32 s1, $0x11  }
0xbd: {  	s0 =	sor.u32 s1, s0  }
0xbe: {  	s0 =	sadd.s32 $0x8F2B, s0  }
0xbf: {  	[sflag:s0] =	ssyncadd.remote.s32 $0x1  }
0xc0: {  	_ =	sfence.sel $0xFFFF  }
0xc1: {  	[dreg:$0x0] =	wrdreg $0xFFFFFFFF;
	(pc) =	sbr.abs _section_cstart, $3  }
0xc2: {  	[dreg:$0x1] =	wrdreg $0xFFFFFFFF  }
0xc3: {  	_ =	task.clear_ibuf [dreg:s8], $0x2FFFF;
	_ =	strace $0x9FFFFFFF  }
0xc4: {  	(tm) =	ssettm $0x7FFFFFFF  }
0xc5: {  	_ =	shalt  }
tec
execute0_lowered:
.L_overlay_start_1:
0x0: {  	(tag) =	ssettag $0x1  }
0x1: {  	s1 =	rddreg [dreg:$0x0];
	s0 =	srdreg.scid  }
0x2: {  	s2 =	rddreg [dreg:$0x1];
	s3 =	stileid.u32  }
0x3: {  	s4 =	rddreg [dreg:$0x2];
	s9 =	simm.s32 $0x3;
	s10 =	simm.s32 $0x1  }
0x4: {  	s20 =	simm.s32 $0x2;
	s28 =	simm.s32 $0x2880;
	s29 =	simm.s32 $0x3080  }
0x5: {  	s30 =	simm.s32 $0x3880;
	s31 =	simm.s32 $0x4080;
	s11 =	simm.s32 $0x5880  }
0x6: {  	s12 =	simm.s32 $0x6080;
	s13 =	simm.s32 $0x6880;
	s14 =	simm.s32 $0x7080  }
0x7: {  	s15 =	simm.s32 $0x7880;
	s16 =	simm.s32 $0x8880;
	s17 =	simm.s32 $0x9080  }
0x8: {  	s18 =	simm.s32 $0x9880;
	s19 =	simm.s32 $0xA080;
	s0 =	sand.u32 $0x1, s0  }
0x9: {  	s5 =	sshll.u32 s3, $0x8;
	s3 =	simm.s32 $0x0;
	s7 =	sadd.s32 $0x300, s1  }
0xa: {  	s6 =	sshll.u32 s0, $0x7;
	[smem:$0x7FF] =	sst s3;
	s0 =	ssub.s32 $0x2, s0  }
0xb: {  	s5 =	sor.u32 s6, s5;
	_ =	strace $0x80000047;
	s23 =	sshrl.u32 s0, $0x1  }
0xc: {  	s6 =	sshrl.u32 s5, $0x3;
	s5 =	sshll.u32 s5, $0x7;
	s0 =	ssub.s32 s0, s23  }
0xd: {  	s23 =	simm.s32 $0x1080;
	s2 =	sadd.s32 s6, s2;
	s22 =	sadd.s32 s4, s5  }
0xe: {  	s5 =	sadd.s32 $0x100, s1;
	s2 =	sadd.s32 $0xE00, s2;
	[dreg:$0x8] =	wrdreg s22  }
0xf: {  	s6 =	sadd.s32 $0x200, s1;
	s24 =	sadd.s32 $0x1000, s22;
	[dreg:$0x4] =	wrdreg s2  }
0x10: {  	s8 =	smax.u32 s0, $0x1;
	s25 =	sadd.s32 $0x2000, s22;
	[dreg:$0x5] =	wrdreg s24  }
0x11: {  	v2 =	vlaneseq.u32;
	s4 =	simm.s32 $0x8080;
	s26 =	sadd.s32 $0x3000, s22;
	[dreg:$0x6] =	wrdreg s25  }
0x12: {  	vm0 =	vmmov $0xffff;
	v1 =	vshrl.u32 v2, $0x3;
	s22 =	simm.s32 $0x880;
	[dreg:$0x7] =	wrdreg s26;
	s26 =	simm.s32 $0x80  }
0x13: {  	v0 =	vand.u32 $0x7, v2;
	v2 =	vor.u32 $0x8, v2;
	v1 =	vmul.u32 $0x8, v1;
	s24 =	simm.s32 $0x1880;
	s25 =	simm.s32 $0x2080;
	s2 =	simm.s32 $0x4880  }
.LBB2_1:
0x14: {  	s21 =	rddreg [dreg:$0x4]  }
0x15: {  	[tilespmem:s3], [sflag:$0x3] =	stream.linear.gather [hbm4b:s21+s3], $0x80, $0x38;
	[tilespmem:$0x10080] =	vst v63  }
0x16: {  	_ =	swait.ge [sflag:s9], $0x80  }
0x17: {  	[sflag:s9] =	ssyncset.done $0x0  }
0x18: {  	[sflag:s9] =	ssyncadd.s32 $0xFFFFFF80  }
0x19: {  	v3 =	vld [tilespmem:$0x0];
	_ =	sdelay $0x4  }
0x1a: {  	v4 =	vshll.u32 v3, $0x3  }
0x1b: {  	v3 =	vand.u32 $0x7, v3;
	v4 =	vand.u32 $0xFFFFFFC0, v4  }
0x1c: {  	v3 =	vor.u32 v3, v4  }
0x1d: {  	v4 =	vperm.xlane v3, v0;
	_ =	sdelay $0x1  }
0x1e: {  	v4 =	vadd.s32 v1, v4;
	_ =	sdelay $0x4  }
0x1f: {  	[tilespmem:s26], [sflag:$0x1] =	stream.indirect_vreg.gather [hbm4b:s1+s3], $0x80, v4, vm0, $0xb8;
	[tilespmem:$0x10080] =	vst v63  }
0x20: {  	v3 =	vperm.xlane v3, v2  }
0x21: {  	[tilespmem:s22], [sflag:$0x1] =	stream.indirect_vreg.gather [hbm4b:s5+s3], $0x80, v4, vm0, $0xb8;
	[tilespmem:$0x10080] =	vst v63  }
0x22: {  	v3 =	vadd.s32 v1, v3  }
0x23: {  	[tilespmem:s23], [sflag:$0x1] =	stream.indirect_vreg.gather [hbm4b:s6+s3], $0x80, v4, vm0, $0xb8;
	[tilespmem:$0x10080] =	vst v63  }
0x24: {  	_ = 	snop  }
0x25: {  	[tilespmem:s24], [sflag:$0x1] =	stream.indirect_vreg.gather [hbm4b:s7+s3], $0x80, v4, vm0, $0xb8;
	[tilespmem:$0x10080] =	vst v63  }
0x26: {  	_ = 	snop  }
0x27: {  	[tilespmem:s25], [sflag:$0x1] =	stream.indirect_vreg.gather [hbm4b:s1+s3], $0x80, v3, vm0, $0xb8;
	[tilespmem:$0x10080] =	vst v63  }
0x28: {  	_ = 	snop  }
0x29: {  	[tilespmem:s28], [sflag:$0x1] =	stream.indirect_vreg.gather [hbm4b:s5+s3], $0x80, v3, vm0, $0xb8;
	[tilespmem:$0x10080] =	vst v63  }
0x2a: {  	_ = 	snop  }
0x2b: {  	[tilespmem:s29], [sflag:$0x1] =	stream.indirect_vreg.gather [hbm4b:s6+s3], $0x80, v3, vm0, $0xb8;
	[tilespmem:$0x10080] =	vst v63  }
0x2c: {  	_ = 	snop  }
0x2d: {  	[tilespmem:s30], [sflag:$0x1] =	stream.indirect_vreg.gather [hbm4b:s7+s3], $0x80, v3, vm0, $0xb8;
	[tilespmem:$0x10080] =	vst v63  }
0x2e: {  	v3 =	vld [tilespmem:$0x10];
	_ =	sdelay $0x4  }
0x2f: {  	v57 =	vshll.u32 v3, $0x3  }
0x30: {  	v3 =	vand.u32 $0x7, v3;
	v4 =	vand.u32 $0xFFFFFFC0, v57  }
0x31: {  	v3 =	vor.u32 v3, v4  }
0x32: {  	v4 =	vperm.xlane v3, v0;
	_ =	sdelay $0x1  }
0x33: {  	v4 =	vadd.s32 v1, v4;
	_ =	sdelay $0x4  }
0x34: {  	[tilespmem:s31], [sflag:$0x1] =	stream.indirect_vreg.gather [hbm4b:s1+s3], $0x80, v4, vm0, $0xb8;
	[tilespmem:$0x10080] =	vst v63  }
0x35: {  	v3 =	vperm.xlane v3, v2  }
0x36: {  	[tilespmem:s2], [sflag:$0x1] =	stream.indirect_vreg.gather [hbm4b:s5+s3], $0x80, v4, vm0, $0xb8;
	[tilespmem:$0x10080] =	vst v63  }
0x37: {  	s0 =	simm.s32 $0x5080;
	v3 =	vadd.s32 v1, v3  }
0x38: {  	[tilespmem:s0], [sflag:$0x1] =	stream.indirect_vreg.gather [hbm4b:s6+s3], $0x80, v4, vm0, $0xb8;
	[tilespmem:$0x10080] =	vst v63  }
0x39: {  	_ = 	snop  }
0x3a: {  	[tilespmem:s11], [sflag:$0x1] =	stream.indirect_vreg.gather [hbm4b:s7+s3], $0x80, v4, vm0, $0xb8;
	[tilespmem:$0x10080] =	vst v63  }
0x3b: {  	_ = 	snop  }
0x3c: {  	[tilespmem:s12], [sflag:$0x1] =	stream.indirect_vreg.gather [hbm4b:s1+s3], $0x80, v3, vm0, $0xb8;
	[tilespmem:$0x10080] =	vst v63  }
0x3d: {  	_ = 	snop  }
0x3e: {  	[tilespmem:s13], [sflag:$0x1] =	stream.indirect_vreg.gather [hbm4b:s5+s3], $0x80, v3, vm0, $0xb8;
	[tilespmem:$0x10080] =	vst v63  }
0x3f: {  	_ = 	snop  }
0x40: {  	[tilespmem:s14], [sflag:$0x1] =	stream.indirect_vreg.gather [hbm4b:s6+s3], $0x80, v3, vm0, $0xb8;
	[tilespmem:$0x10080] =	vst v63  }
0x41: {  	_ = 	snop  }
0x42: {  	[tilespmem:s15], [sflag:$0x1] =	stream.indirect_vreg.gather [hbm4b:s7+s3], $0x80, v3, vm0, $0xb8;
	[tilespmem:$0x10080] =	vst v63  }
0x43: {  	v3 =	vld [tilespmem:$0x20];
	_ =	sdelay $0x4  }
0x44: {  	v58 =	vshll.u32 v3, $0x3  }
0x45: {  	v3 =	vand.u32 $0x7, v3;
	v4 =	vand.u32 $0xFFFFFFC0, v58  }
0x46: {  	v3 =	vor.u32 v3, v4  }
0x47: {  	v4 =	vperm.xlane v3, v0;
	_ =	sdelay $0x1  }
0x48: {  	v4 =	vadd.s32 v1, v4;
	_ =	sdelay $0x4  }
0x49: {  	[tilespmem:s4], [sflag:$0x2] =	stream.indirect_vreg.gather [hbm4b:s1+s3], $0x80, v4, vm0, $0xb8;
	[tilespmem:$0x10080] =	vst v63  }
0x4a: {  	v3 =	vperm.xlane v3, v2  }
0x4b: {  	[tilespmem:s16], [sflag:$0x2] =	stream.indirect_vreg.gather [hbm4b:s5+s3], $0x80, v4, vm0, $0xb8;
	[tilespmem:$0x10080] =	vst v63  }
0x4c: {  	v3 =	vadd.s32 v1, v3  }
0x4d: {  	[tilespmem:s17], [sflag:$0x2] =	stream.indirect_vreg.gather [hbm4b:s6+s3], $0x80, v4, vm0, $0xb8;
	[tilespmem:$0x10080] =	vst v63  }
0x4e: {  	_ = 	snop  }
0x4f: {  	[tilespmem:s18], [sflag:$0x2] =	stream.indirect_vreg.gather [hbm4b:s7+s3], $0x80, v4, vm0, $0xb8;
	[tilespmem:$0x10080] =	vst v63  }
0x50: {  	_ = 	snop  }
0x51: {  	[tilespmem:s19], [sflag:$0x2] =	stream.indirect_vreg.gather [hbm4b:s1+s3], $0x80, v3, vm0, $0xb8;
	[tilespmem:$0x10080] =	vst v63  }
0x52: {  	s21 =	simm.s32 $0xA880  }
0x53: {  	[tilespmem:s21], [sflag:$0x2] =	stream.indirect_vreg.gather [hbm4b:s5+s3], $0x80, v3, vm0, $0xb8;
	[tilespmem:$0x10080] =	vst v63  }
0x54: {  	s21 =	simm.s32 $0xB080  }
0x55: {  	[tilespmem:s21], [sflag:$0x2] =	stream.indirect_vreg.gather [hbm4b:s6+s3], $0x80, v3, vm0, $0xb8;
	[tilespmem:$0x10080] =	vst v63  }
0x56: {  	s21 =	simm.s32 $0xB880  }
0x57: {  	[tilespmem:s21], [sflag:$0x2] =	stream.indirect_vreg.gather [hbm4b:s7+s3], $0x80, v3, vm0, $0xb8;
	[tilespmem:$0x10080] =	vst v63  }
0x58: {  	v3 =	vld [tilespmem:$0x30];
	_ =	sdelay $0x4  }
0x59: {  	v59 =	vshll.u32 v3, $0x3  }
0x5a: {  	v3 =	vand.u32 $0x7, v3;
	v4 =	vand.u32 $0xFFFFFFC0, v59  }
0x5b: {  	v3 =	vor.u32 v3, v4  }
0x5c: {  	v4 =	vperm.xlane v3, v0;
	_ =	sdelay $0x1  }
0x5d: {  	v4 =	vadd.s32 v1, v4;
	_ =	sdelay $0x3  }
0x5e: {  	s21 =	simm.s32 $0xC080  }
0x5f: {  	[tilespmem:s21], [sflag:$0x2] =	stream.indirect_vreg.gather [hbm4b:s1+s3], $0x80, v4, vm0, $0xb8;
	[tilespmem:$0x10080] =	vst v63  }
0x60: {  	v3 =	vperm.xlane v3, v2;
	s21 =	simm.s32 $0xC880  }
0x61: {  	[tilespmem:s21], [sflag:$0x2] =	stream.indirect_vreg.gather [hbm4b:s5+s3], $0x80, v4, vm0, $0xb8;
	[tilespmem:$0x10080] =	vst v63  }
0x62: {  	v3 =	vadd.s32 v1, v3;
	s21 =	simm.s32 $0xD080  }
0x63: {  	[tilespmem:s21], [sflag:$0x2] =	stream.indirect_vreg.gather [hbm4b:s6+s3], $0x80, v4, vm0, $0xb8;
	[tilespmem:$0x10080] =	vst v63  }
0x64: {  	s21 =	simm.s32 $0xD880  }
0x65: {  	[tilespmem:s21], [sflag:$0x2] =	stream.indirect_vreg.gather [hbm4b:s7+s3], $0x80, v4, vm0, $0xb8;
	[tilespmem:$0x10080] =	vst v63  }
0x66: {  	s21 =	simm.s32 $0xE080  }
0x67: {  	[tilespmem:s21], [sflag:$0x2] =	stream.indirect_vreg.gather [hbm4b:s1+s3], $0x80, v3, vm0, $0xb8;
	[tilespmem:$0x10080] =	vst v63  }
0x68: {  	s21 =	simm.s32 $0xE880  }
0x69: {  	[tilespmem:s21], [sflag:$0x2] =	stream.indirect_vreg.gather [hbm4b:s5+s3], $0x80, v3, vm0, $0xb8;
	[tilespmem:$0x10080] =	vst v63  }
0x6a: {  	s21 =	simm.s32 $0xF080  }
0x6b: {  	[tilespmem:s21], [sflag:$0x2] =	stream.indirect_vreg.gather [hbm4b:s6+s3], $0x80, v3, vm0, $0xb8;
	[tilespmem:$0x10080] =	vst v63  }
0x6c: {  	s21 =	simm.s32 $0xF880  }
0x6d: {  	[tilespmem:s21], [sflag:$0x2] =	stream.indirect_vreg.gather [hbm4b:s7+s3], $0x80, v3, vm0, $0xb8;
	[tilespmem:$0x10080] =	vst v63  }
0x6e: {  	_ =	swait.ge [sflag:s10], $0x8000  }
0x6f: {  	[sflag:s10] =	ssyncset.done $0x0  }
0x70: {  	s21 =	rddreg [dreg:$0x8];
	[sflag:s10] =	ssyncadd.s32 $0xFFFF8000  }
0x71: {  	[hbm4b:s21+s3] =	stream.linear.scatter [tilespmem:s26], [sflag:$0x3], $0x8000, $0x38;
	[tilespmem:$0x10080] =	vst v63  }
0x72: {  	_ =	swait.ge [sflag:s9], $0x8000  }
0x73: {  	[sflag:s9] =	ssyncset.done $0x0  }
0x74: {  	[sflag:s9] =	ssyncadd.s32 $0xFFFF8000  }
0x75: {  	v3 =	vld [tilespmem:$0x40];
	_ =	sdelay $0x4  }
0x76: {  	v60 =	vshll.u32 v3, $0x3  }
0x77: {  	v3 =	vand.u32 $0x7, v3;
	v4 =	vand.u32 $0xFFFFFFC0, v60  }
0x78: {  	v3 =	vor.u32 v3, v4  }
0x79: {  	v4 =	vperm.xlane v3, v0;
	_ =	sdelay $0x1  }
0x7a: {  	v4 =	vadd.s32 v1, v4;
	_ =	sdelay $0x4  }
0x7b: {  	[tilespmem:s26], [sflag:$0x1] =	stream.indirect_vreg.gather [hbm4b:s1+s3], $0x80, v4, vm0, $0xb8;
	[tilespmem:$0x10080] =	vst v63  }
0x7c: {  	v3 =	vperm.xlane v3, v2  }
0x7d: {  	[tilespmem:s22], [sflag:$0x1] =	stream.indirect_vreg.gather [hbm4b:s5+s3], $0x80, v4, vm0, $0xb8;
	[tilespmem:$0x10080] =	vst v63  }
0x7e: {  	v3 =	vadd.s32 v1, v3  }
0x7f: {  	[tilespmem:s23], [sflag:$0x1] =	stream.indirect_vreg.gather [hbm4b:s6+s3], $0x80, v4, vm0, $0xb8;
	[tilespmem:$0x10080] =	vst v63  }
0x80: {  	_ = 	snop  }
0x81: {  	[tilespmem:s24], [sflag:$0x1] =	stream.indirect_vreg.gather [hbm4b:s7+s3], $0x80, v4, vm0, $0xb8;
	[tilespmem:$0x10080] =	vst v63  }
0x82: {  	_ = 	snop  }
0x83: {  	[tilespmem:s25], [sflag:$0x1] =	stream.indirect_vreg.gather [hbm4b:s1+s3], $0x80, v3, vm0, $0xb8;
	[tilespmem:$0x10080] =	vst v63  }
0x84: {  	_ = 	snop  }
0x85: {  	[tilespmem:s28], [sflag:$0x1] =	stream.indirect_vreg.gather [hbm4b:s5+s3], $0x80, v3, vm0, $0xb8;
	[tilespmem:$0x10080] =	vst v63  }
0x86: {  	_ = 	snop  }
0x87: {  	[tilespmem:s29], [sflag:$0x1] =	stream.indirect_vreg.gather [hbm4b:s6+s3], $0x80, v3, vm0, $0xb8;
	[tilespmem:$0x10080] =	vst v63  }
0x88: {  	_ = 	snop  }
0x89: {  	[tilespmem:s30], [sflag:$0x1] =	stream.indirect_vreg.gather [hbm4b:s7+s3], $0x80, v3, vm0, $0xb8;
	[tilespmem:$0x10080] =	vst v63  }
0x8a: {  	v3 =	vld [tilespmem:$0x50];
	_ =	sdelay $0x4  }
0x8b: {  	v61 =	vshll.u32 v3, $0x3  }
0x8c: {  	v3 =	vand.u32 $0x7, v3;
	v4 =	vand.u32 $0xFFFFFFC0, v61  }
0x8d: {  	v3 =	vor.u32 v3, v4  }
0x8e: {  	v4 =	vperm.xlane v3, v0;
	_ =	sdelay $0x1  }
0x8f: {  	v4 =	vadd.s32 v1, v4;
	_ =	sdelay $0x4  }
0x90: {  	[tilespmem:s31], [sflag:$0x1] =	stream.indirect_vreg.gather [hbm4b:s1+s3], $0x80, v4, vm0, $0xb8;
	[tilespmem:$0x10080] =	vst v63  }
0x91: {  	v3 =	vperm.xlane v3, v2  }
0x92: {  	[tilespmem:s2], [sflag:$0x1] =	stream.indirect_vreg.gather [hbm4b:s5+s3], $0x80, v4, vm0, $0xb8;
	[tilespmem:$0x10080] =	vst v63  }
0x93: {  	v3 =	vadd.s32 v1, v3  }
0x94: {  	[tilespmem:s0], [sflag:$0x1] =	stream.indirect_vreg.gather [hbm4b:s6+s3], $0x80, v4, vm0, $0xb8;
	[tilespmem:$0x10080] =	vst v63  }
0x95: {  	_ = 	snop  }
0x96: {  	[tilespmem:s11], [sflag:$0x1] =	stream.indirect_vreg.gather [hbm4b:s7+s3], $0x80, v4, vm0, $0xb8;
	[tilespmem:$0x10080] =	vst v63  }
0x97: {  	_ = 	snop  }
0x98: {  	[tilespmem:s12], [sflag:$0x1] =	stream.indirect_vreg.gather [hbm4b:s1+s3], $0x80, v3, vm0, $0xb8;
	[tilespmem:$0x10080] =	vst v63  }
0x99: {  	_ = 	snop  }
0x9a: {  	[tilespmem:s13], [sflag:$0x1] =	stream.indirect_vreg.gather [hbm4b:s5+s3], $0x80, v3, vm0, $0xb8;
	[tilespmem:$0x10080] =	vst v63  }
0x9b: {  	_ = 	snop  }
0x9c: {  	[tilespmem:s14], [sflag:$0x1] =	stream.indirect_vreg.gather [hbm4b:s6+s3], $0x80, v3, vm0, $0xb8;
	[tilespmem:$0x10080] =	vst v63  }
0x9d: {  	_ = 	snop  }
0x9e: {  	[tilespmem:s15], [sflag:$0x1] =	stream.indirect_vreg.gather [hbm4b:s7+s3], $0x80, v3, vm0, $0xb8;
	[tilespmem:$0x10080] =	vst v63  }
0x9f: {  	_ =	swait.ge [sflag:s20], $0x8000  }
0xa0: {  	[sflag:s20] =	ssyncset.done $0x0  }
0xa1: {  	s0 =	rddreg [dreg:$0x5];
	[sflag:s20] =	ssyncadd.s32 $0xFFFF8000  }
0xa2: {  	[hbm4b:s0+s3] =	stream.linear.scatter [tilespmem:s4], [sflag:$0x3], $0x8000, $0x38;
	[tilespmem:$0x10080] =	vst v63  }
0xa3: {  	_ =	swait.ge [sflag:s9], $0x8000  }
0xa4: {  	[sflag:s9] =	ssyncset.done $0x0  }
0xa5: {  	[sflag:s9] =	ssyncadd.s32 $0xFFFF8000  }
0xa6: {  	v3 =	vld [tilespmem:$0x60];
	_ =	sdelay $0x4  }
0xa7: {  	v62 =	vshll.u32 v3, $0x3  }
0xa8: {  	v3 =	vand.u32 $0x7, v3;
	v4 =	vand.u32 $0xFFFFFFC0, v62  }
0xa9: {  	v3 =	vor.u32 v3, v4  }
0xaa: {  	v4 =	vperm.xlane v3, v0;
	_ =	sdelay $0x1  }
0xab: {  	v4 =	vadd.s32 v1, v4;
	_ =	sdelay $0x4  }
0xac: {  	[tilespmem:s4], [sflag:$0x2] =	stream.indirect_vreg.gather [hbm4b:s1+s3], $0x80, v4, vm0, $0xb8;
	[tilespmem:$0x10080] =	vst v63  }
0xad: {  	v3 =	vperm.xlane v3, v2  }
0xae: {  	[tilespmem:s16], [sflag:$0x2] =	stream.indirect_vreg.gather [hbm4b:s5+s3], $0x80, v4, vm0, $0xb8;
	[tilespmem:$0x10080] =	vst v63  }
0xaf: {  	v3 =	vadd.s32 v1, v3  }
0xb0: {  	[tilespmem:s17], [sflag:$0x2] =	stream.indirect_vreg.gather [hbm4b:s6+s3], $0x80, v4, vm0, $0xb8;
	[tilespmem:$0x10080] =	vst v63  }
0xb1: {  	_ = 	snop  }
0xb2: {  	[tilespmem:s18], [sflag:$0x2] =	stream.indirect_vreg.gather [hbm4b:s7+s3], $0x80, v4, vm0, $0xb8;
	[tilespmem:$0x10080] =	vst v63  }
0xb3: {  	_ = 	snop  }
0xb4: {  	[tilespmem:s19], [sflag:$0x2] =	stream.indirect_vreg.gather [hbm4b:s1+s3], $0x80, v3, vm0, $0xb8;
	[tilespmem:$0x10080] =	vst v63  }
0xb5: {  	s21 =	simm.s32 $0xA880  }
0xb6: {  	[tilespmem:s21], [sflag:$0x2] =	stream.indirect_vreg.gather [hbm4b:s5+s3], $0x80, v3, vm0, $0xb8;
	[tilespmem:$0x10080] =	vst v63  }
0xb7: {  	s21 =	simm.s32 $0xB080  }
0xb8: {  	[tilespmem:s21], [sflag:$0x2] =	stream.indirect_vreg.gather [hbm4b:s6+s3], $0x80, v3, vm0, $0xb8;
	[tilespmem:$0x10080] =	vst v63  }
0xb9: {  	s21 =	simm.s32 $0xB880  }
0xba: {  	[tilespmem:s21], [sflag:$0x2] =	stream.indirect_vreg.gather [hbm4b:s7+s3], $0x80, v3, vm0, $0xb8;
	[tilespmem:$0x10080] =	vst v63  }
0xbb: {  	v3 =	vld [tilespmem:$0x70];
	_ =	sdelay $0x4  }
0xbc: {  	v63 =	vshll.u32 v3, $0x3  }
0xbd: {  	v3 =	vand.u32 $0x7, v3;
	v4 =	vand.u32 $0xFFFFFFC0, v63  }
0xbe: {  	v3 =	vor.u32 v3, v4  }
0xbf: {  	v4 =	vperm.xlane v3, v0;
	_ =	sdelay $0x1  }
0xc0: {  	v4 =	vadd.s32 v1, v4;
	_ =	sdelay $0x3  }
0xc1: {  	s21 =	simm.s32 $0xC080  }
0xc2: {  	[tilespmem:s21], [sflag:$0x2] =	stream.indirect_vreg.gather [hbm4b:s1+s3], $0x80, v4, vm0, $0xb8;
	[tilespmem:$0x10080] =	vst v63  }
0xc3: {  	v3 =	vperm.xlane v3, v2;
	s21 =	simm.s32 $0xC880  }
0xc4: {  	[tilespmem:s21], [sflag:$0x2] =	stream.indirect_vreg.gather [hbm4b:s5+s3], $0x80, v4, vm0, $0xb8;
	[tilespmem:$0x10080] =	vst v63  }
0xc5: {  	v3 =	vadd.s32 v1, v3;
	s21 =	simm.s32 $0xD080  }
0xc6: {  	[tilespmem:s21], [sflag:$0x2] =	stream.indirect_vreg.gather [hbm4b:s6+s3], $0x80, v4, vm0, $0xb8;
	[tilespmem:$0x10080] =	vst v63  }
0xc7: {  	s21 =	simm.s32 $0xD880  }
0xc8: {  	[tilespmem:s21], [sflag:$0x2] =	stream.indirect_vreg.gather [hbm4b:s7+s3], $0x80, v4, vm0, $0xb8;
	[tilespmem:$0x10080] =	vst v63  }
0xc9: {  	s21 =	simm.s32 $0xE080  }
0xca: {  	[tilespmem:s21], [sflag:$0x2] =	stream.indirect_vreg.gather [hbm4b:s1+s3], $0x80, v3, vm0, $0xb8;
	[tilespmem:$0x10080] =	vst v63  }
0xcb: {  	s21 =	simm.s32 $0xE880  }
0xcc: {  	[tilespmem:s21], [sflag:$0x2] =	stream.indirect_vreg.gather [hbm4b:s5+s3], $0x80, v3, vm0, $0xb8;
	[tilespmem:$0x10080] =	vst v63  }
0xcd: {  	s21 =	simm.s32 $0xF080  }
0xce: {  	[tilespmem:s21], [sflag:$0x2] =	stream.indirect_vreg.gather [hbm4b:s6+s3], $0x80, v3, vm0, $0xb8;
	[tilespmem:$0x10080] =	vst v63  }
0xcf: {  	s21 =	simm.s32 $0xF880  }
0xd0: {  	[tilespmem:s21], [sflag:$0x2] =	stream.indirect_vreg.gather [hbm4b:s7+s3], $0x80, v3, vm0, $0xb8;
	[tilespmem:$0x10080] =	vst v63  }
0xd1: {  	_ =	swait.ge [sflag:s10], $0x8000  }
0xd2: {  	[sflag:s10] =	ssyncset.done $0x0  }
0xd3: {  	s0 =	rddreg [dreg:$0x6];
	[sflag:s10] =	ssyncadd.s32 $0xFFFF8000  }
0xd4: {  	[hbm4b:s0+s3] =	stream.linear.scatter [tilespmem:s26], [sflag:$0x3], $0x8000, $0x38;
	[tilespmem:$0x10080] =	vst v63  }
0xd5: {  	_ =	swait.ge [sflag:s9], $0x8000  }
0xd6: {  	[sflag:s9] =	ssyncset.done $0x0  }
0xd7: {  	[sflag:s9] =	ssyncadd.s32 $0xFFFF8000  }
0xd8: {  	_ =	swait.ge [sflag:s20], $0x8000  }
0xd9: {  	p0 =	sne.s32 s8, $0x1;
	[sflag:s20] =	ssyncset.done $0x0  }
.Ltmp0:
0xda: {  	s0 =	rddreg [dreg:$0x7];
	[sflag:s20] =	ssyncadd.s32 $0xFFFF8000;
	(pc) =	sbr.rel @p0 .LBB2_1-.Ltmp0, $4  }
0xdb: {  	[hbm4b:s0+s3] =	stream.linear.scatter [tilespmem:s4], [sflag:$0x3], $0x8000, $0x38;
	[tilespmem:$0x10080] =	vst v63  }
0xdc: {  	_ =	swait.ge [sflag:s9], $0x8000  }
0xdd: {  	[sflag:s9] =	ssyncset.done $0x0  }
0xde: {  	s8 =	sadd.s32 $0xFFFFFFFF, s8;
	[sflag:s9] =	ssyncadd.s32 $0xFFFF8000  }
0xdf: {  	_ =	sfence.sel $0x180000  }
0xe0: {  	[bflag:$0x0] =	sbarrier.arrive $0xFFFF  }
0xe1: {  	_ =	strace $0x90000047  }
0xe2: {  	s0 =	stileid.u32;
	[bflag:$0x2] =	sbarrier.arrive $0xFFFF  }
0xe3: {  	p0 =	sne.s32 s0, $0x0;
	s0 =	rddreg [dreg:$0x3]  }
0xe4: {  	s0 =	sadd.s32 @!p0 $0x100000, s0  }
0xe5: {  	[sflag:s0] =	ssyncadd.tile.s32 @!p0 $0x1;
	_ =	shalt  }
.Lfunc_end2:
_tile_overlayer_lowered:
.L_overlay_start_2:
0xe6: {  	(tag) =	ssettag $0x2  }
0xe7: {  	s0 =	rddreg [dreg:$0x0];
	s2 =	stileid.u32  }
0xe8: {  	s1 =	rddreg [dreg:$0x1];
	p0 =	sne.s32 s2, $0x0  }
0xe9: {  	s3 =	rddreg [dreg:$0x2];
	[bflag:$0x3] =	sbarrier.arrive $0xFFFF;
	s2 =	simm.s32 @!p0 $0x1C03  }
0xea: {  	[timem:s3], [sflag:s2] =	dma.local @!p0 [hbm:s0], s1  }
0xeb: {  	s0 =	simm.s32 @!p0 $0x3  }
0xec: {  	_ =	swait.ge @!p0 [sflag:s0], s1  }
0xed: {  	s1 =	ssub.s32 @!p0 $0x0, s1;
	[sflag:s0] =	ssyncset.done @!p0 $0x0  }
0xee: {  	[sflag:s0] =	ssyncadd.s32 @!p0 s1  }
0xef: {  	[bflag:$0x3] =	sbarrier.arrive $0xFFFF  }
0xf0: {  	_ =	shalt  }

</sc_bundles>
